<compile_context>
chip_gen: v7x
topology: tpu7x:2x2x1
jax: 0.10.2.dev20260603
libtpu: 0.0.44.dev20260713+nightly
codegen_flags: <defaults>
</compile_context>

<pallas_src>
import functools
import jax
import jax.numpy as jnp
from jax import lax
from jax.experimental import pallas as pl
from jax.experimental.pallas import tpu as pltpu
from jax.experimental.pallas import tpu_sc as plsc

T = 2048; D = 1024; H = 16; KVH = 4; HD = 64; E = 8; TK = 2; FF = 512
EPS = 1e-6; THETA = 10000.0
BT = 256
NT = T // BT
HALF = HD // 2
L = 16
NW = 32
RS = 6144
NB = RS // BT
NBP = 32
NS = T * TK


def _rms(x, w):
    return x * jax.lax.rsqrt(jnp.mean(x * x, axis=-1, keepdims=True) + EPS) * w


def _qkv_body(h_ref, ln_ref, wq_ref, wk_ref, wv_ref, cos_ref, sin_ref,
              q_ref, k_ref, v_ref):
    x = _rms(h_ref[...], ln_ref[0:1, :]).astype(jnp.bfloat16)
    q = jnp.dot(x, wq_ref[...], preferred_element_type=jnp.float32)
    k = jnp.dot(x, wk_ref[...], preferred_element_type=jnp.float32)
    v = jnp.dot(x, wv_ref[...], preferred_element_type=jnp.float32)
    cos = cos_ref[...]
    sin = sin_ref[...]

    parts = []
    for h in range(H):
        x1 = q[:, h * HD:h * HD + HALF]
        x2 = q[:, h * HD + HALF:(h + 1) * HD]
        parts.append(x1 * cos - x2 * sin)
        parts.append(x2 * cos + x1 * sin)
    q_ref[...] = jnp.concatenate(parts, axis=1).astype(jnp.bfloat16)
    for h in range(KVH):
        x1 = k[:, h * HD:h * HD + HALF]
        x2 = k[:, h * HD + HALF:(h + 1) * HD]
        k_ref[h] = jnp.concatenate(
            [x1 * cos - x2 * sin, x2 * cos + x1 * sin],
            axis=1).astype(jnp.bfloat16)
        v_ref[h] = v[:, h * HD:(h + 1) * HD].astype(jnp.bfloat16)


def _qkv_call(hidden, w_in_ln, wq, wk, wv, cos, sin):
    ln2 = jnp.broadcast_to(w_in_ln[None, :], (8, D))
    return pl.pallas_call(
        _qkv_body,
        grid=(NT,),
        in_specs=[
            pl.BlockSpec((BT, D), lambda i: (i, 0)),
            pl.BlockSpec((8, D), lambda i: (0, 0)),
            pl.BlockSpec((D, H * HD), lambda i: (0, 0)),
            pl.BlockSpec((D, KVH * HD), lambda i: (0, 0)),
            pl.BlockSpec((D, KVH * HD), lambda i: (0, 0)),
            pl.BlockSpec((BT, HALF), lambda i: (i, 0)),
            pl.BlockSpec((BT, HALF), lambda i: (i, 0)),
        ],
        out_specs=[
            pl.BlockSpec((BT, H * HD), lambda i: (i, 0)),
            pl.BlockSpec((KVH, BT, HD), lambda i: (0, i, 0)),
            pl.BlockSpec((KVH, BT, HD), lambda i: (0, i, 0)),
        ],
        out_shape=[
            jax.ShapeDtypeStruct((T, H * HD), jnp.bfloat16),
            jax.ShapeDtypeStruct((KVH, T, HD), jnp.bfloat16),
            jax.ShapeDtypeStruct((KVH, T, HD), jnp.bfloat16),
        ],
    )(hidden, ln2, wq, wk, wv, cos, sin)


def _attn_body(q_ref, k_ref, v_ref, o_ref):
    qi = pl.program_id(1)
    k = k_ref[0]
    v = v_ref[0]
    row = qi * BT + jax.lax.broadcasted_iota(jnp.int32, (BT, T), 0)
    col = jax.lax.broadcasted_iota(jnp.int32, (BT, T), 1)
    causal = col <= row
    outs = []
    for a in range(2):
        q = q_ref[:, a * HD:(a + 1) * HD]
        s = jax.lax.dot_general(q, k, (((1,), (1,)), ((), ())),
                                preferred_element_type=jnp.float32)
        s = s * (HD ** -0.5)
        s = jnp.where(causal, s, -1e30)
        m = jnp.max(s, axis=1, keepdims=True)
        p = jnp.exp(s - m)
        l = jnp.sum(p, axis=1, keepdims=True)
        o = jnp.dot(p.astype(jnp.bfloat16), v,
                    preferred_element_type=jnp.float32)
        outs.append(o / l)
    o_ref[...] = jnp.concatenate(outs, axis=1).astype(jnp.bfloat16)


def _attn_call(q, k, v):
    return pl.pallas_call(
        _attn_body,
        grid=(H // 2, NT),
        in_specs=[
            pl.BlockSpec((BT, 2 * HD), lambda j, i: (i, j)),
            pl.BlockSpec((1, T, HD), lambda j, i: (j // 2, 0, 0)),
            pl.BlockSpec((1, T, HD), lambda j, i: (j // 2, 0, 0)),
        ],
        out_specs=pl.BlockSpec((BT, 2 * HD), lambda j, i: (i, j)),
        out_shape=jax.ShapeDtypeStruct((T, H * HD), jnp.bfloat16),
    )(q, k, v)


def _oproj_body(a_ref, h_ref, wo_ref, ln_ref, wg_ref, bias_ref,
                h2_ref, xn_ref, xnh_ref, topi_ref, wts_ref):
    att = jnp.dot(a_ref[...], wo_ref[...],
                  preferred_element_type=jnp.float32)
    h2 = h_ref[...] + att
    h2_ref[...] = h2
    xn = _rms(h2, ln_ref[0:1, :])
    xn_ref[...] = xn
    u = jax.lax.bitcast_convert_type(xn, jnp.int32)
    r = jax.lax.shift_right_logical(
        u + 0x7FFF + jnp.bitwise_and(jax.lax.shift_right_logical(u, 16), 1),
        16)
    xnh_ref[...] = jnp.bitwise_or(r[:, :D // 2],
                                  jnp.left_shift(r[:, D // 2:], 16))
    logits = jnp.dot(xn, wg_ref[...], preferred_element_type=jnp.float32)
    s = jax.nn.sigmoid(logits)
    c = s + bias_ref[0:1, :]
    iota = jax.lax.broadcasted_iota(jnp.int32, (BT, E), 1)
    m1 = jnp.max(c, axis=1, keepdims=True)
    i1 = jnp.min(jnp.where(c == m1, iota, E), axis=1, keepdims=True)
    c2 = jnp.where(iota == i1, -jnp.inf, c)
    m2 = jnp.max(c2, axis=1, keepdims=True)
    i2 = jnp.min(jnp.where(c2 == m2, iota, E), axis=1, keepdims=True)
    w1 = jnp.sum(jnp.where(iota == i1, s, 0.0), axis=1, keepdims=True)
    w2 = jnp.sum(jnp.where(iota == i2, s, 0.0), axis=1, keepdims=True)
    tot = w1 + w2
    topi_ref[...] = jnp.concatenate([i1, i2], axis=1)
    wts_ref[...] = jnp.concatenate([w1 / tot, w2 / tot], axis=1)


def _oproj_call(attn, hidden, wo, w_post_ln, wg, expert_bias):
    ln2 = jnp.broadcast_to(w_post_ln[None, :], (8, D))
    bias2 = jnp.broadcast_to(expert_bias[None, :], (8, E))
    return pl.pallas_call(
        _oproj_body,
        grid=(NT,),
        in_specs=[
            pl.BlockSpec((BT, H * HD), lambda i: (i, 0)),
            pl.BlockSpec((BT, D), lambda i: (i, 0)),
            pl.BlockSpec((H * HD, D), lambda i: (0, 0)),
            pl.BlockSpec((8, D), lambda i: (0, 0)),
            pl.BlockSpec((D, E), lambda i: (0, 0)),
            pl.BlockSpec((8, E), lambda i: (0, 0)),
        ],
        out_specs=[
            pl.BlockSpec((BT, D), lambda i: (i, 0)),
            pl.BlockSpec((BT, D), lambda i: (i, 0)),
            pl.BlockSpec((BT, D // 2), lambda i: (i, 0)),
            pl.BlockSpec((BT, TK), lambda i: (i, 0)),
            pl.BlockSpec((BT, TK), lambda i: (i, 0)),
        ],
        out_shape=[
            jax.ShapeDtypeStruct((T, D), jnp.float32),
            jax.ShapeDtypeStruct((T, D), jnp.float32),
            jax.ShapeDtypeStruct((T, D // 2), jnp.int32),
            jax.ShapeDtypeStruct((T, TK), jnp.int32),
            jax.ShapeDtypeStruct((T, TK), jnp.float32),
        ],
    )(attn, hidden, wo, ln2, wg, bias2)


def _dispatch_body(e_hbm, w_hbm, gidx_hbm, rwt_hbm, ipos_hbm, meta_hbm,
                   ef, wf, gx, rw, ip, bm):
    wid = lax.axis_index("s") * 2 + lax.axis_index("c")

    @pl.when(wid == 0)
    def _():
        pltpu.sync_copy(e_hbm, ef)
        pltpu.sync_copy(w_hbm, wf)
        lane = lax.iota(jnp.int32, L)

        def hist_step(c, counts):
            ev = ef[pl.ds(c * L, L)]
            for e in range(E):
                pc = jnp.sum(jnp.where(ev == e, 1, 0))
                counts = counts + jnp.where(lane == e, pc, 0)
            return counts

        counts = lax.fori_loop(0, NS // L, hist_step,
                               jnp.zeros((L,), jnp.int32))
        padded = ((counts + (BT - 1)) >> 8) << 8
        incl = plsc.cumsum(padded)
        seg_start = incl - padded
        total_end = jnp.sum(jnp.where(lane == E - 1, incl, 0))

        for chunk in range(2):
            bid = lane + chunk * L
            rowv = bid * BT
            cnt = jnp.zeros((L,), jnp.int32)
            for e in range(E):
                incl_e = jnp.sum(jnp.where(lane == e, incl, 0))
                cnt = cnt + jnp.where(rowv >= incl_e, 1, 0)
            expert_v = jnp.minimum(cnt, E - 1)
            val_v = jnp.where(rowv < total_end, 1, 0)
            bm[pl.ds(chunk * L, L)] = expert_v
            bm[pl.ds(NBP + chunk * L, L)] = val_v

        def init_rest(c, carry):
            gx[pl.ds(c * L, L)] = jnp.zeros((L,), jnp.int32)
            rw[pl.ds(c * L, L)] = jnp.zeros((L,), jnp.float32)
            return carry

        lax.fori_loop(0, RS // L, init_rest, 0)

        def pos_step(c, run):
            ev = ef[pl.ds(c * L, L)]
            wv = wf[pl.ds(c * L, L)]
            tokv = (lane + c * L) >> 1
            base = seg_start + run
            posv = jnp.zeros((L,), jnp.int32)
            for e in range(E):
                m = ev == e
                mi = jnp.where(m, 1, 0)
                inc = plsc.cumsum(mi)
                base_e = jnp.sum(jnp.where(lane == e, base, 0))
                posv = jnp.where(m, base_e + inc - 1, posv)
                run = run + jnp.where(lane == e, jnp.sum(mi), 0)
            plsc.store_scatter(gx, [posv], tokv)
            plsc.store_scatter(rw, [posv], wv)
            ip[pl.ds(c * L, L)] = posv
            return run

        lax.fori_loop(0, NS // L, pos_step, jnp.zeros((L,), jnp.int32))

        pltpu.sync_copy(gx, gidx_hbm)
        pltpu.sync_copy(rw, rwt_hbm)
        pltpu.sync_copy(ip, ipos_hbm)
        pltpu.sync_copy(bm, meta_hbm)


def _dispatch_call(e_flat, w_flat):
    mesh = plsc.VectorSubcoreMesh(core_axis_name="c", subcore_axis_name="s", num_cores=2, num_subcores=16)
    f = pl.kernel(
        _dispatch_body,
        out_type=[
            jax.ShapeDtypeStruct((RS,), jnp.int32),
            jax.ShapeDtypeStruct((RS,), jnp.float32),
            jax.ShapeDtypeStruct((NS,), jnp.int32),
            jax.ShapeDtypeStruct((2 * NBP,), jnp.int32),
        ],
        mesh=mesh,
        compiler_params=pltpu.CompilerParams(needs_layout_passes=False),
        scratch_types=[
            pltpu.VMEM((NS,), jnp.int32),
            pltpu.VMEM((NS,), jnp.float32),
            pltpu.VMEM((RS,), jnp.int32),
            pltpu.VMEM((RS,), jnp.float32),
            pltpu.VMEM((NS,), jnp.int32),
            pltpu.VMEM((2 * NBP,), jnp.int32),
        ],
    )
    return f(e_flat, w_flat)


def _gather_body(xn_hbm, gidx_hbm, xs2_hbm, table, idxv, rows, sem):
    cid = lax.axis_index("c")
    sid = lax.axis_index("s")
    rpw = RS // 16
    DH = D // 4

    @pl.when(sid == 0)
    def _():
        pltpu.sync_copy(xn_hbm.at[:, pl.ds(cid * DH, DH)], table)

    base = pl.multiple_of(sid * rpw, rpw)
    pltpu.sync_copy(gidx_hbm.at[pl.ds(base, rpw)], idxv)
    plsc.subcore_barrier()
    CH = rpw // 2

    def step(g, carry):
        off = pl.multiple_of(base + g * CH, CH)
        pltpu.async_copy(table.at[idxv.at[pl.ds(g * CH, CH)]], rows,
                         sem).wait()
        pltpu.sync_copy(rows, xs2_hbm.at[cid].at[pl.ds(off, CH)])
        return carry

    lax.fori_loop(0, 2, step, 0)


def _gather_call(xnh, gidx):
    mesh = plsc.VectorSubcoreMesh(core_axis_name="c", subcore_axis_name="s", num_cores=2, num_subcores=16)
    f = pl.kernel(
        _gather_body,
        out_type=jax.ShapeDtypeStruct((2, RS, D // 4), jnp.int32),
        mesh=mesh,
        compiler_params=pltpu.CompilerParams(needs_layout_passes=False,
                                             use_tc_tiling_on_sc=False),
        scratch_types=[
            pltpu.VMEM_SHARED((T, D // 4), jnp.int32),
            pltpu.VMEM((RS // 16,), jnp.int32),
            pltpu.VMEM((RS // 32, D // 4), jnp.int32),
            pltpu.SemaphoreType.DMA,
        ],
    )
    return f(xnh, gidx)


def _group_body(meta_ref, xsl_ref, xsr_ref, wgu_ref, wdn_ref, rwt_ref,
                os_ref):
    i = pl.program_id(0)

    @pl.when(meta_ref[NBP + i] > 0)
    def _():
        def halves(w):
            lo = jax.lax.bitcast_convert_type(jnp.left_shift(w, 16),
                                              jnp.float32)
            hi = jax.lax.bitcast_convert_type(
                jnp.bitwise_and(w, jnp.int32(-65536)), jnp.float32)
            return lo, hi
        lo_l, hi_l = halves(xsl_ref[0])
        lo_r, hi_r = halves(xsr_ref[0])
        xb = jnp.concatenate([lo_l, lo_r, hi_l, hi_r],
                             axis=1).astype(jnp.bfloat16)
        gu = jnp.dot(xb, wgu_ref[0], preferred_element_type=jnp.float32)
        g = gu[:, :FF]
        u = gu[:, FF:]
        o = jnp.dot((g * jax.nn.sigmoid(g) * u).astype(jnp.bfloat16),
                    wdn_ref[0], preferred_element_type=jnp.float32)
        os_ref[...] = o * rwt_ref[...]


def _group_call(meta, xsl, xsr, wgu, wdn, rwt_col):
    grid_spec = pltpu.PrefetchScalarGridSpec(
        num_scalar_prefetch=1,
        grid=(NB,),
        in_specs=[
            pl.BlockSpec((1, BT, D // 4), lambda i, m: (0, i, 0)),
            pl.BlockSpec((1, BT, D // 4), lambda i, m: (1, i, 0)),
            pl.BlockSpec((1, D, 2 * FF), lambda i, m: (m[i], 0, 0)),
            pl.BlockSpec((1, FF, D), lambda i, m: (m[i], 0, 0)),
            pl.BlockSpec((BT, 1), lambda i, m: (i, 0)),
        ],
        out_specs=pl.BlockSpec((BT, D), lambda i, m: (i, 0)),
    )
    return pl.pallas_call(
        _group_body,
        grid_spec=grid_spec,
        out_shape=jax.ShapeDtypeStruct((RS, D), jnp.float32),
    )(meta, xsl, xsr, wgu, wdn, rwt_col)


def _shared_body(xn_ref, wgu_ref, wdn_ref, res_ref, ys_ref):
    xb = xn_ref[...].astype(jnp.bfloat16)
    gu = jnp.dot(xb, wgu_ref[...], preferred_element_type=jnp.float32)
    g = gu[:, :FF]
    u = gu[:, FF:]
    o = jnp.dot((g * jax.nn.sigmoid(g) * u).astype(jnp.bfloat16),
                wdn_ref[...], preferred_element_type=jnp.float32)
    ys_ref[...] = o + res_ref[...]


def _shared_call(xn, sh_gate_up, sh_down, res2):
    return pl.pallas_call(
        _shared_body,
        grid=(NT,),
        in_specs=[
            pl.BlockSpec((BT, D), lambda i: (i, 0)),
            pl.BlockSpec((D, 2 * FF), lambda i: (0, 0)),
            pl.BlockSpec((FF, D), lambda i: (0, 0)),
            pl.BlockSpec((BT, D), lambda i: (i, 0)),
        ],
        out_specs=pl.BlockSpec((BT, D), lambda i: (i, 0)),
        out_shape=jax.ShapeDtypeStruct((T, D), jnp.float32),
    )(xn, sh_gate_up, sh_down, res2)


def _combine_body(os_hbm, ys_hbm, ipos_hbm, y_hbm, idxv, grows, srows,
                  yrows, sem):
    wid = lax.axis_index("s") * 2 + lax.axis_index("c")
    tpw = T // NW
    CT = 16

    def step(g, carry):
        tok0 = pl.multiple_of(wid * tpw + g * CT, CT)
        pltpu.sync_copy(ipos_hbm.at[pl.ds(tok0 * TK, CT * TK)], idxv)
        pltpu.async_copy(os_hbm.at[idxv], grows, sem).wait()
        pltpu.sync_copy(ys_hbm.at[pl.ds(tok0, CT)], srows)

        def col(c, carry2):
            sl = pl.ds(c * L, L)
            for tk in range(CT):
                yrows[tk, sl] = (srows[tk, sl]
                                 + grows[TK * tk, sl]
                                 + grows[TK * tk + 1, sl])
            return carry2

        lax.fori_loop(0, D // L, col, 0)
        pltpu.sync_copy(yrows, y_hbm.at[pl.ds(tok0, CT)])
        return carry

    lax.fori_loop(0, tpw // CT, step, 0)


def _combine_call(os, ys, ipos):
    mesh = plsc.VectorSubcoreMesh(core_axis_name="c", subcore_axis_name="s", num_cores=2, num_subcores=16)
    f = pl.kernel(
        _combine_body,
        out_type=jax.ShapeDtypeStruct((T, D), jnp.float32),
        mesh=mesh,
        compiler_params=pltpu.CompilerParams(needs_layout_passes=False),
        scratch_types=[
            pltpu.VMEM((32,), jnp.int32),
            pltpu.VMEM((32, D), jnp.float32),
            pltpu.VMEM((16, D), jnp.float32),
            pltpu.VMEM((16, D), jnp.float32),
            pltpu.SemaphoreType.DMA,
        ],
    )
    return f(os, ys, ipos)


def kernel(positions, hidden_states, w_in_ln, w_post_ln, wq, wk, wv, wo, wg,
           expert_bias, w_gate_up, w_down, sh_gate_up, sh_down):
    inv = 1.0 / (THETA ** (jnp.arange(0, HALF, dtype=jnp.float32) * 2.0 / HD))
    ang = positions.astype(jnp.float32)[:, None] * inv[None, :]
    cos = jnp.cos(ang)
    sin = jnp.sin(ang)

    bf = jnp.bfloat16
    q, k, v = _qkv_call(hidden_states, w_in_ln, wq.astype(bf), wk.astype(bf),
                        wv.astype(bf), cos, sin)
    attn = _attn_call(q, k, v)
    h2, xn, xnh, topi, wts = _oproj_call(attn, hidden_states, wo.astype(bf),
                                         w_post_ln, wg, expert_bias)
    gidx, rwt, ipos, meta = _dispatch_call(topi.reshape(-1), wts.reshape(-1))
    xs2 = _gather_call(xnh, gidx)
    xsl = xsr = xs2
    ys = _shared_call(xn, sh_gate_up.astype(bf), sh_down.astype(bf), h2)
    os = _group_call(meta, xsl, xsr, w_gate_up.astype(bf), w_down.astype(bf),
                     rwt.reshape(RS, 1))
    y = _combine_call(os, ys, ipos)
    return y

# --- scband reference (transcript-rebuilt; emitter-appended) ---
"""Pipeline reference for scband-sarvam-mo-edecoder-layer-73847667687622 (READ-ONLY COPY).

The authoritative reference and input builder live on the scoring server;
editing this copy changes nothing except your own understanding.
"""

import jax, jax.numpy as jnp
import numpy as np

T = 2048; D = 1024; H = 16; KVH = 4; HD = 64; E = 8; TK = 2; FF = 512
EPS = 1e-6; THETA = 10000.0; ROUTED_SCALE = 1.0


def setup_inputs(seed: int = 0) -> dict:
    key = jax.random.key(seed)
    ks = jax.random.split(key, 12)
    r = lambda i, sh: jax.random.normal(ks[i], sh, dtype=jnp.float32) * 0.02
    return {
        'positions': jnp.arange(T, dtype=jnp.int32),
        'hidden_states': jax.random.normal(ks[0], (T, D), dtype=jnp.float32),
        'w_in_ln': jnp.ones((D,), jnp.float32),
        'w_post_ln': jnp.ones((D,), jnp.float32),
        'wq': r(1, (D, H * HD)),
        'wk': r(2, (D, KVH * HD)),
        'wv': r(3, (D, KVH * HD)),
        'wo': r(4, (H * HD, D)),
        'wg': r(5, (D, E)),
        'expert_bias': jnp.zeros((E,), jnp.float32),
        'w_gate_up': r(6, (E, D, 2 * FF)),
        'w_down': r(7, (E, FF, D)),
        'sh_gate_up': r(8, (D, 2 * FF)),
        'sh_down': r(9, (FF, D)),
    }


def _rmsnorm(x, w):
    return x * jax.lax.rsqrt(jnp.mean(x * x, axis=-1, keepdims=True) + EPS) * w


def _rope(x, positions):
    half = HD // 2
    inv = 1.0 / (THETA ** (jnp.arange(0, half, dtype=jnp.float32) * 2.0 / HD))
    ang = positions.astype(jnp.float32)[:, None] * inv[None, :]
    cos = jnp.cos(ang)[:, None, :]
    sin = jnp.sin(ang)[:, None, :]
    x1, x2 = x[..., :half], x[..., half:]
    return jnp.concatenate([x1 * cos - x2 * sin, x2 * cos + x1 * sin], axis=-1)


def _forward(positions, hidden_states, w_in_ln, w_post_ln, wq, wk, wv, wo, wg,
             expert_bias, w_gate_up, w_down, sh_gate_up, sh_down):
    # --- self attention (RMSNorm -> QKV -> RoPE -> causal GQA attn -> o_proj) ---
    residual = hidden_states
    x = _rmsnorm(hidden_states, w_in_ln)
    q = (x @ wq).reshape(T, H, HD)
    k = (x @ wk).reshape(T, KVH, HD)
    v = (x @ wv).reshape(T, KVH, HD)
    q = _rope(q, positions)
    k = _rope(k, positions)
    rep = H // KVH
    k = jnp.repeat(k, rep, axis=1)
    v = jnp.repeat(v, rep, axis=1)
    scores = jnp.einsum('thd,shd->hts', q, k) * (HD ** -0.5)
    idx = jnp.arange(T)
    causal = idx[:, None] >= idx[None, :]
    scores = jnp.where(causal[None, :, :], scores, -1e30)
    attn = jax.nn.softmax(scores, axis=-1)
    attn_out = jnp.einsum('hts,shd->thd', attn, v).reshape(T, H * HD) @ wo
    hidden = residual + attn_out

    # --- sparse MoE block ---
    residual2 = hidden
    x = _rmsnorm(hidden, w_post_ln)
    router_logits = x.astype(jnp.float32) @ wg
    s = jax.nn.sigmoid(router_logits)                      # score_function = sigmoid
    scores_for_choice = s + expert_bias[None, :]           # correction bias (n_group=1 -> trivial grouping)
    _, topi = jax.lax.top_k(scores_for_choice, TK)
    w = jnp.take_along_axis(s, topi, axis=-1)              # weights from original scores
    w = w / jnp.sum(w, axis=-1, keepdims=True)             # renormalize
    w = w * ROUTED_SCALE                                   # applied on output
    y = jnp.zeros_like(x)
    for e in range(E):
        gu = x @ w_gate_up[e]
        g, u = gu[:, :FF], gu[:, FF:]
        o = (jax.nn.silu(g) * u) @ w_down[e]
        we = jnp.sum(w * (topi == e).astype(w.dtype), axis=-1)
        y = y + we[:, None] * o
    # shared experts
    gu = x @ sh_gate_up
    y = y + (jax.nn.silu(gu[:, :FF]) * gu[:, FF:]) @ sh_down
    return residual2 + y


def reference(positions, hidden_states, w_in_ln, w_post_ln, wq, wk, wv, wo, wg,
              expert_bias, w_gate_up, w_down, sh_gate_up, sh_down):
    return _forward(positions, hidden_states, w_in_ln, w_post_ln, wq, wk, wv, wo,
                    wg, expert_bias, w_gate_up, w_down, sh_gate_up, sh_down)

if __name__ == "__main__":
    import jax
    _d = setup_inputs()
    print(jax.jit(kernel)(*tuple(_d.values())))

</pallas_src>

<mosaic_0001>
#map = affine_map<(d0, d1) -> (0)>
module attributes {stable_mosaic.version = 14 : i64} {
  func.func @_dispatch_body(%arg0: i32, %arg1: i32, %arg2: memref<4096xi32, #tpu.memory_space<hbm>>, %arg3: memref<4096xf32, #tpu.memory_space<hbm>>, %arg4: memref<6144xi32, #tpu.memory_space<hbm>>, %arg5: memref<6144xf32, #tpu.memory_space<hbm>>, %arg6: memref<4096xi32, #tpu.memory_space<hbm>>, %arg7: memref<64xi32, #tpu.memory_space<hbm>>, %arg8: memref<4096xi32, #tpu.memory_space<vmem>>, %arg9: memref<4096xf32, #tpu.memory_space<vmem>>, %arg10: memref<6144xi32, #tpu.memory_space<vmem>>, %arg11: memref<6144xf32, #tpu.memory_space<vmem>>, %arg12: memref<4096xi32, #tpu.memory_space<vmem>>, %arg13: memref<64xi32, #tpu.memory_space<vmem>>) attributes {dimension_semantics = [#tpu.dimension_semantics<core_parallel>, #tpu.dimension_semantics<subcore_parallel>], iteration_bounds = array<i64: 2, 16>, scalar_prefetch = 0 : i64, scratch_operands = 6 : i64, tpu.core_type = #tpu.core_type<sc_vector_subcore>, window_params = [{transform_indices = #map}, {transform_indices = #map}, {transform_indices = #map}, {transform_indices = #map}, {transform_indices = #map}, {transform_indices = #map}]} {
    %mul3A = arith.constant 2 : i32
    %mul3A_0 = arith.muli %arg1, %mul3A : i32
    %add3A = arith.addi %mul3A_0, %arg0 : i32
    %eq3A = arith.constant 0 : i32
    %eq3A_1 = arith.cmpi eq, %add3A, %eq3A : i32
    %convert_element_type3A = arith.extui %eq3A_1 : i1 to i32
    %cond3A = arith.constant 0 : i32
    %cond3A_2 = arith.cmpi ne, %convert_element_type3A, %cond3A : i32
    scf.if %cond3A_2 {
      "tpu.region"() ({
        %run_scoped3A = tpu.sem_alloc : memref<!tpu.dma_semaphore, #tpu.memory_space<semaphore_mem>>
        tpu.enqueue_dma source(%arg2 : memref<4096xi32, #tpu.memory_space<hbm>>) target(%arg8 : memref<4096xi32, #tpu.memory_space<vmem>>) target_semaphore(%run_scoped3A : memref<!tpu.dma_semaphore, #tpu.memory_space<semaphore_mem>>)
        tpu.wait_dma2 semaphore(%run_scoped3A : memref<!tpu.dma_semaphore, #tpu.memory_space<semaphore_mem>>) src(%arg2 : memref<4096xi32, #tpu.memory_space<hbm>>) dst(%arg8 : memref<4096xi32, #tpu.memory_space<vmem>>)
        tpu.yield
      }) : () -> ()
      "tpu.region"() ({
        %run_scoped3A = tpu.sem_alloc : memref<!tpu.dma_semaphore, #tpu.memory_space<semaphore_mem>>
        tpu.enqueue_dma source(%arg3 : memref<4096xf32, #tpu.memory_space<hbm>>) target(%arg9 : memref<4096xf32, #tpu.memory_space<vmem>>) target_semaphore(%run_scoped3A : memref<!tpu.dma_semaphore, #tpu.memory_space<semaphore_mem>>)
        tpu.wait_dma2 semaphore(%run_scoped3A : memref<!tpu.dma_semaphore, #tpu.memory_space<semaphore_mem>>) src(%arg3 : memref<4096xf32, #tpu.memory_space<hbm>>) dst(%arg9 : memref<4096xf32, #tpu.memory_space<vmem>>)
        tpu.yield
      }) : () -> ()
      %iota3A = tpu.iota {dimensions = array<i32: 0>} : vector<16xi32>
      %broadcast_in_dim3A = arith.constant 0 : i32
      %broadcast_in_dim3A_3 = vector.broadcast %broadcast_in_dim3A : i32 to vector<16xi32>
      %scan3A = arith.constant 0 : i32
      %scan3A_4 = arith.constant 256 : i32
      %scan3A_5 = arith.addi %scan3A, %scan3A_4 : i32
      %scan3A_6 = arith.constant 1 : i32
      %scan3A_7 = scf.for %scan3A_367 = %scan3A to %scan3A_5 step %scan3A_6 iter_args(%scan3A_368 = %broadcast_in_dim3A_3) -> (vector<16xi32>)  : i32 {
        %mul3A_369 = arith.constant 16 : i32
        %mul3A_370 = arith.muli %scan3A_367, %mul3A_369 : i32
        %get3A = arith.index_cast %mul3A_370 : i32 to index
        %get3A_371 = tpu.vector_load %arg8[%get3A] {strides = array<i32>} : memref<4096xi32, #tpu.memory_space<vmem>>, vector<16xi32>,
        %eq3A_372 = arith.constant 0 : i32
        %eq3A_373 = vector.broadcast %eq3A_372 : i32 to vector<16xi32>
        %eq3A_374 = arith.cmpi eq, %get3A_371, %eq3A_373 : vector<16xi32>
        %jit3A_375 = arith.constant 1 : i32
        %jit3A_376 = arith.constant 0 : i32
        %broadcast_in_dim3A_377 = vector.broadcast %jit3A_375 : i32 to vector<16xi32>
        %broadcast_in_dim3A_378 = vector.broadcast %jit3A_376 : i32 to vector<16xi32>
        %select_n3A_379 = arith.select %eq3A_374, %broadcast_in_dim3A_377, %broadcast_in_dim3A_378 : vector<16xi1>, vector<16xi32>
        %reduce_sum3A_380 = arith.constant true
        %reduce_sum3A_381 = vector.broadcast %reduce_sum3A_380 : i1 to vector<16xi1>
        %reduce_sum3A_382 = tpu.scan <sum>, %select_n3A_379 masked %reduce_sum3A_381 : vector<16xi32>, vector<16xi1> -> vector<16xi32>
        %reduce_sum3A_383 = vector.extract %reduce_sum3A_382[15] : i32 from vector<16xi32>
        %eq3A_384 = arith.constant 0 : i32
        %eq3A_385 = vector.broadcast %eq3A_384 : i32 to vector<16xi32>
        %eq3A_386 = arith.cmpi eq, %iota3A, %eq3A_385 : vector<16xi32>
        %jit3A_387 = arith.constant 0 : i32
        %broadcast_in_dim3A_388 = vector.broadcast %reduce_sum3A_383 : i32 to vector<16xi32>
        %broadcast_in_dim3A_389 = vector.broadcast %jit3A_387 : i32 to vector<16xi32>
        %select_n3A_390 = arith.select %eq3A_386, %broadcast_in_dim3A_388, %broadcast_in_dim3A_389 : vector<16xi1>, vector<16xi32>
        %add3A_391 = arith.addi %scan3A_368, %select_n3A_390 : vector<16xi32>
        %eq3A_392 = arith.constant 1 : i32
        %eq3A_393 = vector.broadcast %eq3A_392 : i32 to vector<16xi32>
        %eq3A_394 = arith.cmpi eq, %get3A_371, %eq3A_393 : vector<16xi32>
        %jit3A_395 = arith.constant 1 : i32
        %jit3A_396 = arith.constant 0 : i32
        %broadcast_in_dim3A_397 = vector.broadcast %jit3A_395 : i32 to vector<16xi32>
        %broadcast_in_dim3A_398 = vector.broadcast %jit3A_396 : i32 to vector<16xi32>
        %select_n3A_399 = arith.select %eq3A_394, %broadcast_in_dim3A_397, %broadcast_in_dim3A_398 : vector<16xi1>, vector<16xi32>
        %reduce_sum3A_400 = arith.constant true
        %reduce_sum3A_401 = vector.broadcast %reduce_sum3A_400 : i1 to vector<16xi1>
        %reduce_sum3A_402 = tpu.scan <sum>, %select_n3A_399 masked %reduce_sum3A_401 : vector<16xi32>, vector<16xi1> -> vector<16xi32>
        %reduce_sum3A_403 = vector.extract %reduce_sum3A_402[15] : i32 from vector<16xi32>
        %eq3A_404 = arith.constant 1 : i32
        %eq3A_405 = vector.broadcast %eq3A_404 : i32 to vector<16xi32>
        %eq3A_406 = arith.cmpi eq, %iota3A, %eq3A_405 : vector<16xi32>
        %jit3A_407 = arith.constant 0 : i32
        %broadcast_in_dim3A_408 = vector.broadcast %reduce_sum3A_403 : i32 to vector<16xi32>
        %broadcast_in_dim3A_409 = vector.broadcast %jit3A_407 : i32 to vector<16xi32>
        %select_n3A_410 = arith.select %eq3A_406, %broadcast_in_dim3A_408, %broadcast_in_dim3A_409 : vector<16xi1>, vector<16xi32>
        %add3A_411 = arith.addi %add3A_391, %select_n3A_410 : vector<16xi32>
        %eq3A_412 = arith.constant 2 : i32
        %eq3A_413 = vector.broadcast %eq3A_412 : i32 to vector<16xi32>
        %eq3A_414 = arith.cmpi eq, %get3A_371, %eq3A_413 : vector<16xi32>
        %jit3A_415 = arith.constant 1 : i32
        %jit3A_416 = arith.constant 0 : i32
        %broadcast_in_dim3A_417 = vector.broadcast %jit3A_415 : i32 to vector<16xi32>
        %broadcast_in_dim3A_418 = vector.broadcast %jit3A_416 : i32 to vector<16xi32>
        %select_n3A_419 = arith.select %eq3A_414, %broadcast_in_dim3A_417, %broadcast_in_dim3A_418 : vector<16xi1>, vector<16xi32>
        %reduce_sum3A_420 = arith.constant true
        %reduce_sum3A_421 = vector.broadcast %reduce_sum3A_420 : i1 to vector<16xi1>
        %reduce_sum3A_422 = tpu.scan <sum>, %select_n3A_419 masked %reduce_sum3A_421 : vector<16xi32>, vector<16xi1> -> vector<16xi32>
        %reduce_sum3A_423 = vector.extract %reduce_sum3A_422[15] : i32 from vector<16xi32>
        %eq3A_424 = arith.constant 2 : i32
        %eq3A_425 = vector.broadcast %eq3A_424 : i32 to vector<16xi32>
        %eq3A_426 = arith.cmpi eq, %iota3A, %eq3A_425 : vector<16xi32>
        %jit3A_427 = arith.constant 0 : i32
        %broadcast_in_dim3A_428 = vector.broadcast %reduce_sum3A_423 : i32 to vector<16xi32>
        %broadcast_in_dim3A_429 = vector.broadcast %jit3A_427 : i32 to vector<16xi32>
        %select_n3A_430 = arith.select %eq3A_426, %broadcast_in_dim3A_428, %broadcast_in_dim3A_429 : vector<16xi1>, vector<16xi32>
        %add3A_431 = arith.addi %add3A_411, %select_n3A_430 : vector<16xi32>
        %eq3A_432 = arith.constant 3 : i32
        %eq3A_433 = vector.broadcast %eq3A_432 : i32 to vector<16xi32>
        %eq3A_434 = arith.cmpi eq, %get3A_371, %eq3A_433 : vector<16xi32>
        %jit3A_435 = arith.constant 1 : i32
        %jit3A_436 = arith.constant 0 : i32
        %broadcast_in_dim3A_437 = vector.broadcast %jit3A_435 : i32 to vector<16xi32>
        %broadcast_in_dim3A_438 = vector.broadcast %jit3A_436 : i32 to vector<16xi32>
        %select_n3A_439 = arith.select %eq3A_434, %broadcast_in_dim3A_437, %broadcast_in_dim3A_438 : vector<16xi1>, vector<16xi32>
        %reduce_sum3A_440 = arith.constant true
        %reduce_sum3A_441 = vector.broadcast %reduce_sum3A_440 : i1 to vector<16xi1>
        %reduce_sum3A_442 = tpu.scan <sum>, %select_n3A_439 masked %reduce_sum3A_441 : vector<16xi32>, vector<16xi1> -> vector<16xi32>
        %reduce_sum3A_443 = vector.extract %reduce_sum3A_442[15] : i32 from vector<16xi32>
        %eq3A_444 = arith.constant 3 : i32
        %eq3A_445 = vector.broadcast %eq3A_444 : i32 to vector<16xi32>
        %eq3A_446 = arith.cmpi eq, %iota3A, %eq3A_445 : vector<16xi32>
        %jit3A_447 = arith.constant 0 : i32
        %broadcast_in_dim3A_448 = vector.broadcast %reduce_sum3A_443 : i32 to vector<16xi32>
        %broadcast_in_dim3A_449 = vector.broadcast %jit3A_447 : i32 to vector<16xi32>
        %select_n3A_450 = arith.select %eq3A_446, %broadcast_in_dim3A_448, %broadcast_in_dim3A_449 : vector<16xi1>, vector<16xi32>
        %add3A_451 = arith.addi %add3A_431, %select_n3A_450 : vector<16xi32>
        %eq3A_452 = arith.constant 4 : i32
        %eq3A_453 = vector.broadcast %eq3A_452 : i32 to vector<16xi32>
        %eq3A_454 = arith.cmpi eq, %get3A_371, %eq3A_453 : vector<16xi32>
        %jit3A_455 = arith.constant 1 : i32
        %jit3A_456 = arith.constant 0 : i32
        %broadcast_in_dim3A_457 = vector.broadcast %jit3A_455 : i32 to vector<16xi32>
        %broadcast_in_dim3A_458 = vector.broadcast %jit3A_456 : i32 to vector<16xi32>
        %select_n3A_459 = arith.select %eq3A_454, %broadcast_in_dim3A_457, %broadcast_in_dim3A_458 : vector<16xi1>, vector<16xi32>
        %reduce_sum3A_460 = arith.constant true
        %reduce_sum3A_461 = vector.broadcast %reduce_sum3A_460 : i1 to vector<16xi1>
        %reduce_sum3A_462 = tpu.scan <sum>, %select_n3A_459 masked %reduce_sum3A_461 : vector<16xi32>, vector<16xi1> -> vector<16xi32>
        %reduce_sum3A_463 = vector.extract %reduce_sum3A_462[15] : i32 from vector<16xi32>
        %eq3A_464 = arith.constant 4 : i32
        %eq3A_465 = vector.broadcast %eq3A_464 : i32 to vector<16xi32>
        %eq3A_466 = arith.cmpi eq, %iota3A, %eq3A_465 : vector<16xi32>
        %jit3A_467 = arith.constant 0 : i32
        %broadcast_in_dim3A_468 = vector.broadcast %reduce_sum3A_463 : i32 to vector<16xi32>
        %broadcast_in_dim3A_469 = vector.broadcast %jit3A_467 : i32 to vector<16xi32>
        %select_n3A_470 = arith.select %eq3A_466, %broadcast_in_dim3A_468, %broadcast_in_dim3A_469 : vector<16xi1>, vector<16xi32>
        %add3A_471 = arith.addi %add3A_451, %select_n3A_470 : vector<16xi32>
        %eq3A_472 = arith.constant 5 : i32
        %eq3A_473 = vector.broadcast %eq3A_472 : i32 to vector<16xi32>
        %eq3A_474 = arith.cmpi eq, %get3A_371, %eq3A_473 : vector<16xi32>
        %jit3A_475 = arith.constant 1 : i32
        %jit3A_476 = arith.constant 0 : i32
        %broadcast_in_dim3A_477 = vector.broadcast %jit3A_475 : i32 to vector<16xi32>
        %broadcast_in_dim3A_478 = vector.broadcast %jit3A_476 : i32 to vector<16xi32>
        %select_n3A_479 = arith.select %eq3A_474, %broadcast_in_dim3A_477, %broadcast_in_dim3A_478 : vector<16xi1>, vector<16xi32>
        %reduce_sum3A_480 = arith.constant true
        %reduce_sum3A_481 = vector.broadcast %reduce_sum3A_480 : i1 to vector<16xi1>
        %reduce_sum3A_482 = tpu.scan <sum>, %select_n3A_479 masked %reduce_sum3A_481 : vector<16xi32>, vector<16xi1> -> vector<16xi32>
        %reduce_sum3A_483 = vector.extract %reduce_sum3A_482[15] : i32 from vector<16xi32>
        %eq3A_484 = arith.constant 5 : i32
        %eq3A_485 = vector.broadcast %eq3A_484 : i32 to vector<16xi32>
        %eq3A_486 = arith.cmpi eq, %iota3A, %eq3A_485 : vector<16xi32>
        %jit3A_487 = arith.constant 0 : i32
        %broadcast_in_dim3A_488 = vector.broadcast %reduce_sum3A_483 : i32 to vector<16xi32>
        %broadcast_in_dim3A_489 = vector.broadcast %jit3A_487 : i32 to vector<16xi32>
        %select_n3A_490 = arith.select %eq3A_486, %broadcast_in_dim3A_488, %broadcast_in_dim3A_489 : vector<16xi1>, vector<16xi32>
        %add3A_491 = arith.addi %add3A_471, %select_n3A_490 : vector<16xi32>
        %eq3A_492 = arith.constant 6 : i32
        %eq3A_493 = vector.broadcast %eq3A_492 : i32 to vector<16xi32>
        %eq3A_494 = arith.cmpi eq, %get3A_371, %eq3A_493 : vector<16xi32>
        %jit3A_495 = arith.constant 1 : i32
        %jit3A_496 = arith.constant 0 : i32
        %broadcast_in_dim3A_497 = vector.broadcast %jit3A_495 : i32 to vector<16xi32>
        %broadcast_in_dim3A_498 = vector.broadcast %jit3A_496 : i32 to vector<16xi32>
        %select_n3A_499 = arith.select %eq3A_494, %broadcast_in_dim3A_497, %broadcast_in_dim3A_498 : vector<16xi1>, vector<16xi32>
        %reduce_sum3A_500 = arith.constant true
        %reduce_sum3A_501 = vector.broadcast %reduce_sum3A_500 : i1 to vector<16xi1>
        %reduce_sum3A_502 = tpu.scan <sum>, %select_n3A_499 masked %reduce_sum3A_501 : vector<16xi32>, vector<16xi1> -> vector<16xi32>
        %reduce_sum3A_503 = vector.extract %reduce_sum3A_502[15] : i32 from vector<16xi32>
        %eq3A_504 = arith.constant 6 : i32
        %eq3A_505 = vector.broadcast %eq3A_504 : i32 to vector<16xi32>
        %eq3A_506 = arith.cmpi eq, %iota3A, %eq3A_505 : vector<16xi32>
        %jit3A_507 = arith.constant 0 : i32
        %broadcast_in_dim3A_508 = vector.broadcast %reduce_sum3A_503 : i32 to vector<16xi32>
        %broadcast_in_dim3A_509 = vector.broadcast %jit3A_507 : i32 to vector<16xi32>
        %select_n3A_510 = arith.select %eq3A_506, %broadcast_in_dim3A_508, %broadcast_in_dim3A_509 : vector<16xi1>, vector<16xi32>
        %add3A_511 = arith.addi %add3A_491, %select_n3A_510 : vector<16xi32>
        %eq3A_512 = arith.constant 7 : i32
        %eq3A_513 = vector.broadcast %eq3A_512 : i32 to vector<16xi32>
        %eq3A_514 = arith.cmpi eq, %get3A_371, %eq3A_513 : vector<16xi32>
        %jit3A_515 = arith.constant 1 : i32
        %jit3A_516 = arith.constant 0 : i32
        %broadcast_in_dim3A_517 = vector.broadcast %jit3A_515 : i32 to vector<16xi32>
        %broadcast_in_dim3A_518 = vector.broadcast %jit3A_516 : i32 to vector<16xi32>
        %select_n3A_519 = arith.select %eq3A_514, %broadcast_in_dim3A_517, %broadcast_in_dim3A_518 : vector<16xi1>, vector<16xi32>
        %reduce_sum3A_520 = arith.constant true
        %reduce_sum3A_521 = vector.broadcast %reduce_sum3A_520 : i1 to vector<16xi1>
        %reduce_sum3A_522 = tpu.scan <sum>, %select_n3A_519 masked %reduce_sum3A_521 : vector<16xi32>, vector<16xi1> -> vector<16xi32>
        %reduce_sum3A_523 = vector.extract %reduce_sum3A_522[15] : i32 from vector<16xi32>
        %eq3A_524 = arith.constant 7 : i32
        %eq3A_525 = vector.broadcast %eq3A_524 : i32 to vector<16xi32>
        %eq3A_526 = arith.cmpi eq, %iota3A, %eq3A_525 : vector<16xi32>
        %jit3A_527 = arith.constant 0 : i32
        %broadcast_in_dim3A_528 = vector.broadcast %reduce_sum3A_523 : i32 to vector<16xi32>
        %broadcast_in_dim3A_529 = vector.broadcast %jit3A_527 : i32 to vector<16xi32>
        %select_n3A_530 = arith.select %eq3A_526, %broadcast_in_dim3A_528, %broadcast_in_dim3A_529 : vector<16xi1>, vector<16xi32>
        %add3A_531 = arith.addi %add3A_511, %select_n3A_530 : vector<16xi32>
        scf.yield %add3A_531 : vector<16xi32>
      }
      %scan3A_8 = arith.constant 256 : i32
      %add3A_9 = arith.constant 255 : i32
      %add3A_10 = vector.broadcast %add3A_9 : i32 to vector<16xi32>
      %add3A_11 = arith.addi %scan3A_7, %add3A_10 : vector<16xi32>
      %shift_right_arithmetic3A = arith.constant 8 : i32
      %shift_right_arithmetic3A_12 = vector.broadcast %shift_right_arithmetic3A : i32 to vector<16xi32>
      %shift_right_arithmetic3A_13 = arith.shrsi %add3A_11, %shift_right_arithmetic3A_12 : vector<16xi32>
      %shift_left3A = arith.constant 8 : i32
      %shift_left3A_14 = vector.broadcast %shift_left3A : i32 to vector<16xi32>
      %shift_left3A_15 = arith.shli %shift_right_arithmetic3A_13, %shift_left3A_14 : vector<16xi32>
      %broadcast_in_dim3A_16 = arith.constant true
      %broadcast_in_dim3A_17 = vector.broadcast %broadcast_in_dim3A_16 : i1 to vector<16xi1>
      %masked_cumsum3A = tpu.scan <sum>, %shift_left3A_15 masked %broadcast_in_dim3A_17 : vector<16xi32>, vector<16xi1> -> vector<16xi32>
      %sub3A = arith.subi %masked_cumsum3A, %shift_left3A_15 : vector<16xi32>
      %eq3A_18 = arith.constant 7 : i32
      %eq3A_19 = vector.broadcast %eq3A_18 : i32 to vector<16xi32>
      %eq3A_20 = arith.cmpi eq, %iota3A, %eq3A_19 : vector<16xi32>
      %jit3A = arith.constant 0 : i32
      %broadcast_in_dim3A_21 = vector.broadcast %jit3A : i32 to vector<16xi32>
      %select_n3A = arith.select %eq3A_20, %masked_cumsum3A, %broadcast_in_dim3A_21 : vector<16xi1>, vector<16xi32>
      %reduce_sum3A = arith.constant true
      %reduce_sum3A_22 = vector.broadcast %reduce_sum3A : i1 to vector<16xi1>
      %reduce_sum3A_23 = tpu.scan <sum>, %select_n3A masked %reduce_sum3A_22 : vector<16xi32>, vector<16xi1> -> vector<16xi32>
      %reduce_sum3A_24 = vector.extract %reduce_sum3A_23[15] : i32 from vector<16xi32>
      %add3A_25 = arith.constant 0 : i32
      %add3A_26 = vector.broadcast %add3A_25 : i32 to vector<16xi32>
      %add3A_27 = arith.addi %iota3A, %add3A_26 : vector<16xi32>
      %mul3A_28 = arith.constant 256 : i32
      %mul3A_29 = vector.broadcast %mul3A_28 : i32 to vector<16xi32>
      %mul3A_30 = arith.muli %add3A_27, %mul3A_29 : vector<16xi32>
      %broadcast_in_dim3A_31 = arith.constant 0 : i32
      %broadcast_in_dim3A_32 = vector.broadcast %broadcast_in_dim3A_31 : i32 to vector<16xi32>
      %eq3A_33 = arith.constant 0 : i32
      %eq3A_34 = vector.broadcast %eq3A_33 : i32 to vector<16xi32>
      %eq3A_35 = arith.cmpi eq, %iota3A, %eq3A_34 : vector<16xi32>
      %jit3A_36 = arith.constant 0 : i32
      %broadcast_in_dim3A_37 = vector.broadcast %jit3A_36 : i32 to vector<16xi32>
      %select_n3A_38 = arith.select %eq3A_35, %masked_cumsum3A, %broadcast_in_dim3A_37 : vector<16xi1>, vector<16xi32>
      %reduce_sum3A_39 = arith.constant true
      %reduce_sum3A_40 = vector.broadcast %reduce_sum3A_39 : i1 to vector<16xi1>
      %reduce_sum3A_41 = tpu.scan <sum>, %select_n3A_38 masked %reduce_sum3A_40 : vector<16xi32>, vector<16xi1> -> vector<16xi32>
      %reduce_sum3A_42 = vector.extract %reduce_sum3A_41[15] : i32 from vector<16xi32>
      %ge3A = vector.broadcast %reduce_sum3A_42 : i32 to vector<16xi32>
      %ge3A_43 = arith.cmpi sge, %mul3A_30, %ge3A : vector<16xi32>
      %jit3A_44 = arith.constant 1 : i32
      %jit3A_45 = arith.constant 0 : i32
      %broadcast_in_dim3A_46 = vector.broadcast %jit3A_44 : i32 to vector<16xi32>
      %broadcast_in_dim3A_47 = vector.broadcast %jit3A_45 : i32 to vector<16xi32>
      %select_n3A_48 = arith.select %ge3A_43, %broadcast_in_dim3A_46, %broadcast_in_dim3A_47 : vector<16xi1>, vector<16xi32>
      %add3A_49 = arith.addi %broadcast_in_dim3A_32, %select_n3A_48 : vector<16xi32>
      %eq3A_50 = arith.constant 1 : i32
      %eq3A_51 = vector.broadcast %eq3A_50 : i32 to vector<16xi32>
      %eq3A_52 = arith.cmpi eq, %iota3A, %eq3A_51 : vector<16xi32>
      %jit3A_53 = arith.constant 0 : i32
      %broadcast_in_dim3A_54 = vector.broadcast %jit3A_53 : i32 to vector<16xi32>
      %select_n3A_55 = arith.select %eq3A_52, %masked_cumsum3A, %broadcast_in_dim3A_54 : vector<16xi1>, vector<16xi32>
      %reduce_sum3A_56 = arith.constant true
      %reduce_sum3A_57 = vector.broadcast %reduce_sum3A_56 : i1 to vector<16xi1>
      %reduce_sum3A_58 = tpu.scan <sum>, %select_n3A_55 masked %reduce_sum3A_57 : vector<16xi32>, vector<16xi1> -> vector<16xi32>
      %reduce_sum3A_59 = vector.extract %reduce_sum3A_58[15] : i32 from vector<16xi32>
      %ge3A_60 = vector.broadcast %reduce_sum3A_59 : i32 to vector<16xi32>
      %ge3A_61 = arith.cmpi sge, %mul3A_30, %ge3A_60 : vector<16xi32>
      %jit3A_62 = arith.constant 1 : i32
      %jit3A_63 = arith.constant 0 : i32
      %broadcast_in_dim3A_64 = vector.broadcast %jit3A_62 : i32 to vector<16xi32>
      %broadcast_in_dim3A_65 = vector.broadcast %jit3A_63 : i32 to vector<16xi32>
      %select_n3A_66 = arith.select %ge3A_61, %broadcast_in_dim3A_64, %broadcast_in_dim3A_65 : vector<16xi1>, vector<16xi32>
      %add3A_67 = arith.addi %add3A_49, %select_n3A_66 : vector<16xi32>
      %eq3A_68 = arith.constant 2 : i32
      %eq3A_69 = vector.broadcast %eq3A_68 : i32 to vector<16xi32>
      %eq3A_70 = arith.cmpi eq, %iota3A, %eq3A_69 : vector<16xi32>
      %jit3A_71 = arith.constant 0 : i32
      %broadcast_in_dim3A_72 = vector.broadcast %jit3A_71 : i32 to vector<16xi32>
      %select_n3A_73 = arith.select %eq3A_70, %masked_cumsum3A, %broadcast_in_dim3A_72 : vector<16xi1>, vector<16xi32>
      %reduce_sum3A_74 = arith.constant true
      %reduce_sum3A_75 = vector.broadcast %reduce_sum3A_74 : i1 to vector<16xi1>
      %reduce_sum3A_76 = tpu.scan <sum>, %select_n3A_73 masked %reduce_sum3A_75 : vector<16xi32>, vector<16xi1> -> vector<16xi32>
      %reduce_sum3A_77 = vector.extract %reduce_sum3A_76[15] : i32 from vector<16xi32>
      %ge3A_78 = vector.broadcast %reduce_sum3A_77 : i32 to vector<16xi32>
      %ge3A_79 = arith.cmpi sge, %mul3A_30, %ge3A_78 : vector<16xi32>
      %jit3A_80 = arith.constant 1 : i32
      %jit3A_81 = arith.constant 0 : i32
      %broadcast_in_dim3A_82 = vector.broadcast %jit3A_80 : i32 to vector<16xi32>
      %broadcast_in_dim3A_83 = vector.broadcast %jit3A_81 : i32 to vector<16xi32>
      %select_n3A_84 = arith.select %ge3A_79, %broadcast_in_dim3A_82, %broadcast_in_dim3A_83 : vector<16xi1>, vector<16xi32>
      %add3A_85 = arith.addi %add3A_67, %select_n3A_84 : vector<16xi32>
      %eq3A_86 = arith.constant 3 : i32
      %eq3A_87 = vector.broadcast %eq3A_86 : i32 to vector<16xi32>
      %eq3A_88 = arith.cmpi eq, %iota3A, %eq3A_87 : vector<16xi32>
      %jit3A_89 = arith.constant 0 : i32
      %broadcast_in_dim3A_90 = vector.broadcast %jit3A_89 : i32 to vector<16xi32>
      %select_n3A_91 = arith.select %eq3A_88, %masked_cumsum3A, %broadcast_in_dim3A_90 : vector<16xi1>, vector<16xi32>
      %reduce_sum3A_92 = arith.constant true
      %reduce_sum3A_93 = vector.broadcast %reduce_sum3A_92 : i1 to vector<16xi1>
      %reduce_sum3A_94 = tpu.scan <sum>, %select_n3A_91 masked %reduce_sum3A_93 : vector<16xi32>, vector<16xi1> -> vector<16xi32>
      %reduce_sum3A_95 = vector.extract %reduce_sum3A_94[15] : i32 from vector<16xi32>
      %ge3A_96 = vector.broadcast %reduce_sum3A_95 : i32 to vector<16xi32>
      %ge3A_97 = arith.cmpi sge, %mul3A_30, %ge3A_96 : vector<16xi32>
      %jit3A_98 = arith.constant 1 : i32
      %jit3A_99 = arith.constant 0 : i32
      %broadcast_in_dim3A_100 = vector.broadcast %jit3A_98 : i32 to vector<16xi32>
      %broadcast_in_dim3A_101 = vector.broadcast %jit3A_99 : i32 to vector<16xi32>
      %select_n3A_102 = arith.select %ge3A_97, %broadcast_in_dim3A_100, %broadcast_in_dim3A_101 : vector<16xi1>, vector<16xi32>
      %add3A_103 = arith.addi %add3A_85, %select_n3A_102 : vector<16xi32>
      %eq3A_104 = arith.constant 4 : i32
      %eq3A_105 = vector.broadcast %eq3A_104 : i32 to vector<16xi32>
      %eq3A_106 = arith.cmpi eq, %iota3A, %eq3A_105 : vector<16xi32>
      %jit3A_107 = arith.constant 0 : i32
      %broadcast_in_dim3A_108 = vector.broadcast %jit3A_107 : i32 to vector<16xi32>
      %select_n3A_109 = arith.select %eq3A_106, %masked_cumsum3A, %broadcast_in_dim3A_108 : vector<16xi1>, vector<16xi32>
      %reduce_sum3A_110 = arith.constant true
      %reduce_sum3A_111 = vector.broadcast %reduce_sum3A_110 : i1 to vector<16xi1>
      %reduce_sum3A_112 = tpu.scan <sum>, %select_n3A_109 masked %reduce_sum3A_111 : vector<16xi32>, vector<16xi1> -> vector<16xi32>
      %reduce_sum3A_113 = vector.extract %reduce_sum3A_112[15] : i32 from vector<16xi32>
      %ge3A_114 = vector.broadcast %reduce_sum3A_113 : i32 to vector<16xi32>
      %ge3A_115 = arith.cmpi sge, %mul3A_30, %ge3A_114 : vector<16xi32>
      %jit3A_116 = arith.constant 1 : i32
      %jit3A_117 = arith.constant 0 : i32
      %broadcast_in_dim3A_118 = vector.broadcast %jit3A_116 : i32 to vector<16xi32>
      %broadcast_in_dim3A_119 = vector.broadcast %jit3A_117 : i32 to vector<16xi32>
      %select_n3A_120 = arith.select %ge3A_115, %broadcast_in_dim3A_118, %broadcast_in_dim3A_119 : vector<16xi1>, vector<16xi32>
      %add3A_121 = arith.addi %add3A_103, %select_n3A_120 : vector<16xi32>
      %eq3A_122 = arith.constant 5 : i32
      %eq3A_123 = vector.broadcast %eq3A_122 : i32 to vector<16xi32>
      %eq3A_124 = arith.cmpi eq, %iota3A, %eq3A_123 : vector<16xi32>
      %jit3A_125 = arith.constant 0 : i32
      %broadcast_in_dim3A_126 = vector.broadcast %jit3A_125 : i32 to vector<16xi32>
      %select_n3A_127 = arith.select %eq3A_124, %masked_cumsum3A, %broadcast_in_dim3A_126 : vector<16xi1>, vector<16xi32>
      %reduce_sum3A_128 = arith.constant true
      %reduce_sum3A_129 = vector.broadcast %reduce_sum3A_128 : i1 to vector<16xi1>
      %reduce_sum3A_130 = tpu.scan <sum>, %select_n3A_127 masked %reduce_sum3A_129 : vector<16xi32>, vector<16xi1> -> vector<16xi32>
      %reduce_sum3A_131 = vector.extract %reduce_sum3A_130[15] : i32 from vector<16xi32>
      %ge3A_132 = vector.broadcast %reduce_sum3A_131 : i32 to vector<16xi32>
      %ge3A_133 = arith.cmpi sge, %mul3A_30, %ge3A_132 : vector<16xi32>
      %jit3A_134 = arith.constant 1 : i32
      %jit3A_135 = arith.constant 0 : i32
      %broadcast_in_dim3A_136 = vector.broadcast %jit3A_134 : i32 to vector<16xi32>
      %broadcast_in_dim3A_137 = vector.broadcast %jit3A_135 : i32 to vector<16xi32>
      %select_n3A_138 = arith.select %ge3A_133, %broadcast_in_dim3A_136, %broadcast_in_dim3A_137 : vector<16xi1>, vector<16xi32>
      %add3A_139 = arith.addi %add3A_121, %select_n3A_138 : vector<16xi32>
      %eq3A_140 = arith.constant 6 : i32
      %eq3A_141 = vector.broadcast %eq3A_140 : i32 to vector<16xi32>
      %eq3A_142 = arith.cmpi eq, %iota3A, %eq3A_141 : vector<16xi32>
      %jit3A_143 = arith.constant 0 : i32
      %broadcast_in_dim3A_144 = vector.broadcast %jit3A_143 : i32 to vector<16xi32>
      %select_n3A_145 = arith.select %eq3A_142, %masked_cumsum3A, %broadcast_in_dim3A_144 : vector<16xi1>, vector<16xi32>
      %reduce_sum3A_146 = arith.constant true
      %reduce_sum3A_147 = vector.broadcast %reduce_sum3A_146 : i1 to vector<16xi1>
      %reduce_sum3A_148 = tpu.scan <sum>, %select_n3A_145 masked %reduce_sum3A_147 : vector<16xi32>, vector<16xi1> -> vector<16xi32>
      %reduce_sum3A_149 = vector.extract %reduce_sum3A_148[15] : i32 from vector<16xi32>
      %ge3A_150 = vector.broadcast %reduce_sum3A_149 : i32 to vector<16xi32>
      %ge3A_151 = arith.cmpi sge, %mul3A_30, %ge3A_150 : vector<16xi32>
      %jit3A_152 = arith.constant 1 : i32
      %jit3A_153 = arith.constant 0 : i32
      %broadcast_in_dim3A_154 = vector.broadcast %jit3A_152 : i32 to vector<16xi32>
      %broadcast_in_dim3A_155 = vector.broadcast %jit3A_153 : i32 to vector<16xi32>
      %select_n3A_156 = arith.select %ge3A_151, %broadcast_in_dim3A_154, %broadcast_in_dim3A_155 : vector<16xi1>, vector<16xi32>
      %add3A_157 = arith.addi %add3A_139, %select_n3A_156 : vector<16xi32>
      %eq3A_158 = arith.constant 7 : i32
      %eq3A_159 = vector.broadcast %eq3A_158 : i32 to vector<16xi32>
      %eq3A_160 = arith.cmpi eq, %iota3A, %eq3A_159 : vector<16xi32>
      %jit3A_161 = arith.constant 0 : i32
      %broadcast_in_dim3A_162 = vector.broadcast %jit3A_161 : i32 to vector<16xi32>
      %select_n3A_163 = arith.select %eq3A_160, %masked_cumsum3A, %broadcast_in_dim3A_162 : vector<16xi1>, vector<16xi32>
      %reduce_sum3A_164 = arith.constant true
      %reduce_sum3A_165 = vector.broadcast %reduce_sum3A_164 : i1 to vector<16xi1>
      %reduce_sum3A_166 = tpu.scan <sum>, %select_n3A_163 masked %reduce_sum3A_165 : vector<16xi32>, vector<16xi1> -> vector<16xi32>
      %reduce_sum3A_167 = vector.extract %reduce_sum3A_166[15] : i32 from vector<16xi32>
      %ge3A_168 = vector.broadcast %reduce_sum3A_167 : i32 to vector<16xi32>
      %ge3A_169 = arith.cmpi sge, %mul3A_30, %ge3A_168 : vector<16xi32>
      %jit3A_170 = arith.constant 1 : i32
      %jit3A_171 = arith.constant 0 : i32
      %broadcast_in_dim3A_172 = vector.broadcast %jit3A_170 : i32 to vector<16xi32>
      %broadcast_in_dim3A_173 = vector.broadcast %jit3A_171 : i32 to vector<16xi32>
      %select_n3A_174 = arith.select %ge3A_169, %broadcast_in_dim3A_172, %broadcast_in_dim3A_173 : vector<16xi1>, vector<16xi32>
      %add3A_175 = arith.addi %add3A_157, %select_n3A_174 : vector<16xi32>
      %min3A = arith.constant 7 : i32
      %min3A_176 = vector.broadcast %min3A : i32 to vector<16xi32>
      %min3A_177 = arith.minsi %add3A_175, %min3A_176 : vector<16xi32>
      %lt3A = vector.broadcast %reduce_sum3A_24 : i32 to vector<16xi32>
      %lt3A_178 = arith.cmpi slt, %mul3A_30, %lt3A : vector<16xi32>
      %jit3A_179 = arith.constant 1 : i32
      %jit3A_180 = arith.constant 0 : i32
      %broadcast_in_dim3A_181 = vector.broadcast %jit3A_179 : i32 to vector<16xi32>
      %broadcast_in_dim3A_182 = vector.broadcast %jit3A_180 : i32 to vector<16xi32>
      %select_n3A_183 = arith.select %lt3A_178, %broadcast_in_dim3A_181, %broadcast_in_dim3A_182 : vector<16xi1>, vector<16xi32>
      %swap3A = arith.constant 0 : index
      %swap3A_184 = tpu.vector_load %arg13[%swap3A] {strides = array<i32>} : memref<64xi32, #tpu.memory_space<vmem>>, vector<16xi32>,
      tpu.vector_store %arg13[%swap3A], %min3A_177 {strides = array<i32>} : memref<64xi32, #tpu.memory_space<vmem>>, vector<16xi32>,
      %swap3A_185 = arith.constant 32 : index
      %swap3A_186 = tpu.vector_load %arg13[%swap3A_185] {strides = array<i32>} : memref<64xi32, #tpu.memory_space<vmem>>, vector<16xi32>,
      tpu.vector_store %arg13[%swap3A_185], %select_n3A_183 {strides = array<i32>} : memref<64xi32, #tpu.memory_space<vmem>>, vector<16xi32>,
      %add3A_187 = arith.constant 16 : i32
      %add3A_188 = vector.broadcast %add3A_187 : i32 to vector<16xi32>
      %add3A_189 = arith.addi %iota3A, %add3A_188 : vector<16xi32>
      %mul3A_190 = arith.constant 256 : i32
      %mul3A_191 = vector.broadcast %mul3A_190 : i32 to vector<16xi32>
      %mul3A_192 = arith.muli %add3A_189, %mul3A_191 : vector<16xi32>
      %broadcast_in_dim3A_193 = arith.constant 0 : i32
      %broadcast_in_dim3A_194 = vector.broadcast %broadcast_in_dim3A_193 : i32 to vector<16xi32>
      %eq3A_195 = arith.constant 0 : i32
      %eq3A_196 = vector.broadcast %eq3A_195 : i32 to vector<16xi32>
      %eq3A_197 = arith.cmpi eq, %iota3A, %eq3A_196 : vector<16xi32>
      %jit3A_198 = arith.constant 0 : i32
      %broadcast_in_dim3A_199 = vector.broadcast %jit3A_198 : i32 to vector<16xi32>
      %select_n3A_200 = arith.select %eq3A_197, %masked_cumsum3A, %broadcast_in_dim3A_199 : vector<16xi1>, vector<16xi32>
      %reduce_sum3A_201 = arith.constant true
      %reduce_sum3A_202 = vector.broadcast %reduce_sum3A_201 : i1 to vector<16xi1>
      %reduce_sum3A_203 = tpu.scan <sum>, %select_n3A_200 masked %reduce_sum3A_202 : vector<16xi32>, vector<16xi1> -> vector<16xi32>
      %reduce_sum3A_204 = vector.extract %reduce_sum3A_203[15] : i32 from vector<16xi32>
      %ge3A_205 = vector.broadcast %reduce_sum3A_204 : i32 to vector<16xi32>
      %ge3A_206 = arith.cmpi sge, %mul3A_192, %ge3A_205 : vector<16xi32>
      %jit3A_207 = arith.constant 1 : i32
      %jit3A_208 = arith.constant 0 : i32
      %broadcast_in_dim3A_209 = vector.broadcast %jit3A_207 : i32 to vector<16xi32>
      %broadcast_in_dim3A_210 = vector.broadcast %jit3A_208 : i32 to vector<16xi32>
      %select_n3A_211 = arith.select %ge3A_206, %broadcast_in_dim3A_209, %broadcast_in_dim3A_210 : vector<16xi1>, vector<16xi32>
      %add3A_212 = arith.addi %broadcast_in_dim3A_194, %select_n3A_211 : vector<16xi32>
      %eq3A_213 = arith.constant 1 : i32
      %eq3A_214 = vector.broadcast %eq3A_213 : i32 to vector<16xi32>
      %eq3A_215 = arith.cmpi eq, %iota3A, %eq3A_214 : vector<16xi32>
      %jit3A_216 = arith.constant 0 : i32
      %broadcast_in_dim3A_217 = vector.broadcast %jit3A_216 : i32 to vector<16xi32>
      %select_n3A_218 = arith.select %eq3A_215, %masked_cumsum3A, %broadcast_in_dim3A_217 : vector<16xi1>, vector<16xi32>
      %reduce_sum3A_219 = arith.constant true
      %reduce_sum3A_220 = vector.broadcast %reduce_sum3A_219 : i1 to vector<16xi1>
      %reduce_sum3A_221 = tpu.scan <sum>, %select_n3A_218 masked %reduce_sum3A_220 : vector<16xi32>, vector<16xi1> -> vector<16xi32>
      %reduce_sum3A_222 = vector.extract %reduce_sum3A_221[15] : i32 from vector<16xi32>
      %ge3A_223 = vector.broadcast %reduce_sum3A_222 : i32 to vector<16xi32>
      %ge3A_224 = arith.cmpi sge, %mul3A_192, %ge3A_223 : vector<16xi32>
      %jit3A_225 = arith.constant 1 : i32
      %jit3A_226 = arith.constant 0 : i32
      %broadcast_in_dim3A_227 = vector.broadcast %jit3A_225 : i32 to vector<16xi32>
      %broadcast_in_dim3A_228 = vector.broadcast %jit3A_226 : i32 to vector<16xi32>
      %select_n3A_229 = arith.select %ge3A_224, %broadcast_in_dim3A_227, %broadcast_in_dim3A_228 : vector<16xi1>, vector<16xi32>
      %add3A_230 = arith.addi %add3A_212, %select_n3A_229 : vector<16xi32>
      %eq3A_231 = arith.constant 2 : i32
      %eq3A_232 = vector.broadcast %eq3A_231 : i32 to vector<16xi32>
      %eq3A_233 = arith.cmpi eq, %iota3A, %eq3A_232 : vector<16xi32>
      %jit3A_234 = arith.constant 0 : i32
      %broadcast_in_dim3A_235 = vector.broadcast %jit3A_234 : i32 to vector<16xi32>
      %select_n3A_236 = arith.select %eq3A_233, %masked_cumsum3A, %broadcast_in_dim3A_235 : vector<16xi1>, vector<16xi32>
      %reduce_sum3A_237 = arith.constant true
      %reduce_sum3A_238 = vector.broadcast %reduce_sum3A_237 : i1 to vector<16xi1>
      %reduce_sum3A_239 = tpu.scan <sum>, %select_n3A_236 masked %reduce_sum3A_238 : vector<16xi32>, vector<16xi1> -> vector<16xi32>
      %reduce_sum3A_240 = vector.extract %reduce_sum3A_239[15] : i32 from vector<16xi32>
      %ge3A_241 = vector.broadcast %reduce_sum3A_240 : i32 to vector<16xi32>
      %ge3A_242 = arith.cmpi sge, %mul3A_192, %ge3A_241 : vector<16xi32>
      %jit3A_243 = arith.constant 1 : i32
      %jit3A_244 = arith.constant 0 : i32
      %broadcast_in_dim3A_245 = vector.broadcast %jit3A_243 : i32 to vector<16xi32>
      %broadcast_in_dim3A_246 = vector.broadcast %jit3A_244 : i32 to vector<16xi32>
      %select_n3A_247 = arith.select %ge3A_242, %broadcast_in_dim3A_245, %broadcast_in_dim3A_246 : vector<16xi1>, vector<16xi32>
      %add3A_248 = arith.addi %add3A_230, %select_n3A_247 : vector<16xi32>
      %eq3A_249 = arith.constant 3 : i32
      %eq3A_250 = vector.broadcast %eq3A_249 : i32 to vector<16xi32>
      %eq3A_251 = arith.cmpi eq, %iota3A, %eq3A_250 : vector<16xi32>
      %jit3A_252 = arith.constant 0 : i32
      %broadcast_in_dim3A_253 = vector.broadcast %jit3A_252 : i32 to vector<16xi32>
      %select_n3A_254 = arith.select %eq3A_251, %masked_cumsum3A, %broadcast_in_dim3A_253 : vector<16xi1>, vector<16xi32>
      %reduce_sum3A_255 = arith.constant true
      %reduce_sum3A_256 = vector.broadcast %reduce_sum3A_255 : i1 to vector<16xi1>
      %reduce_sum3A_257 = tpu.scan <sum>, %select_n3A_254 masked %reduce_sum3A_256 : vector<16xi32>, vector<16xi1> -> vector<16xi32>
      %reduce_sum3A_258 = vector.extract %reduce_sum3A_257[15] : i32 from vector<16xi32>
      %ge3A_259 = vector.broadcast %reduce_sum3A_258 : i32 to vector<16xi32>
      %ge3A_260 = arith.cmpi sge, %mul3A_192, %ge3A_259 : vector<16xi32>
      %jit3A_261 = arith.constant 1 : i32
      %jit3A_262 = arith.constant 0 : i32
      %broadcast_in_dim3A_263 = vector.broadcast %jit3A_261 : i32 to vector<16xi32>
      %broadcast_in_dim3A_264 = vector.broadcast %jit3A_262 : i32 to vector<16xi32>
      %select_n3A_265 = arith.select %ge3A_260, %broadcast_in_dim3A_263, %broadcast_in_dim3A_264 : vector<16xi1>, vector<16xi32>
      %add3A_266 = arith.addi %add3A_248, %select_n3A_265 : vector<16xi32>
      %eq3A_267 = arith.constant 4 : i32
      %eq3A_268 = vector.broadcast %eq3A_267 : i32 to vector<16xi32>
      %eq3A_269 = arith.cmpi eq, %iota3A, %eq3A_268 : vector<16xi32>
      %jit3A_270 = arith.constant 0 : i32
      %broadcast_in_dim3A_271 = vector.broadcast %jit3A_270 : i32 to vector<16xi32>
      %select_n3A_272 = arith.select %eq3A_269, %masked_cumsum3A, %broadcast_in_dim3A_271 : vector<16xi1>, vector<16xi32>
      %reduce_sum3A_273 = arith.constant true
      %reduce_sum3A_274 = vector.broadcast %reduce_sum3A_273 : i1 to vector<16xi1>
      %reduce_sum3A_275 = tpu.scan <sum>, %select_n3A_272 masked %reduce_sum3A_274 : vector<16xi32>, vector<16xi1> -> vector<16xi32>
      %reduce_sum3A_276 = vector.extract %reduce_sum3A_275[15] : i32 from vector<16xi32>
      %ge3A_277 = vector.broadcast %reduce_sum3A_276 : i32 to vector<16xi32>
      %ge3A_278 = arith.cmpi sge, %mul3A_192, %ge3A_277 : vector<16xi32>
      %jit3A_279 = arith.constant 1 : i32
      %jit3A_280 = arith.constant 0 : i32
      %broadcast_in_dim3A_281 = vector.broadcast %jit3A_279 : i32 to vector<16xi32>
      %broadcast_in_dim3A_282 = vector.broadcast %jit3A_280 : i32 to vector<16xi32>
      %select_n3A_283 = arith.select %ge3A_278, %broadcast_in_dim3A_281, %broadcast_in_dim3A_282 : vector<16xi1>, vector<16xi32>
      %add3A_284 = arith.addi %add3A_266, %select_n3A_283 : vector<16xi32>
      %eq3A_285 = arith.constant 5 : i32
      %eq3A_286 = vector.broadcast %eq3A_285 : i32 to vector<16xi32>
      %eq3A_287 = arith.cmpi eq, %iota3A, %eq3A_286 : vector<16xi32>
      %jit3A_288 = arith.constant 0 : i32
      %broadcast_in_dim3A_289 = vector.broadcast %jit3A_288 : i32 to vector<16xi32>
      %select_n3A_290 = arith.select %eq3A_287, %masked_cumsum3A, %broadcast_in_dim3A_289 : vector<16xi1>, vector<16xi32>
      %reduce_sum3A_291 = arith.constant true
      %reduce_sum3A_292 = vector.broadcast %reduce_sum3A_291 : i1 to vector<16xi1>
      %reduce_sum3A_293 = tpu.scan <sum>, %select_n3A_290 masked %reduce_sum3A_292 : vector<16xi32>, vector<16xi1> -> vector<16xi32>
      %reduce_sum3A_294 = vector.extract %reduce_sum3A_293[15] : i32 from vector<16xi32>
      %ge3A_295 = vector.broadcast %reduce_sum3A_294 : i32 to vector<16xi32>
      %ge3A_296 = arith.cmpi sge, %mul3A_192, %ge3A_295 : vector<16xi32>
      %jit3A_297 = arith.constant 1 : i32
      %jit3A_298 = arith.constant 0 : i32
      %broadcast_in_dim3A_299 = vector.broadcast %jit3A_297 : i32 to vector<16xi32>
      %broadcast_in_dim3A_300 = vector.broadcast %jit3A_298 : i32 to vector<16xi32>
      %select_n3A_301 = arith.select %ge3A_296, %broadcast_in_dim3A_299, %broadcast_in_dim3A_300 : vector<16xi1>, vector<16xi32>
      %add3A_302 = arith.addi %add3A_284, %select_n3A_301 : vector<16xi32>
      %eq3A_303 = arith.constant 6 : i32
      %eq3A_304 = vector.broadcast %eq3A_303 : i32 to vector<16xi32>
      %eq3A_305 = arith.cmpi eq, %iota3A, %eq3A_304 : vector<16xi32>
      %jit3A_306 = arith.constant 0 : i32
      %broadcast_in_dim3A_307 = vector.broadcast %jit3A_306 : i32 to vector<16xi32>
      %select_n3A_308 = arith.select %eq3A_305, %masked_cumsum3A, %broadcast_in_dim3A_307 : vector<16xi1>, vector<16xi32>
      %reduce_sum3A_309 = arith.constant true
      %reduce_sum3A_310 = vector.broadcast %reduce_sum3A_309 : i1 to vector<16xi1>
      %reduce_sum3A_311 = tpu.scan <sum>, %select_n3A_308 masked %reduce_sum3A_310 : vector<16xi32>, vector<16xi1> -> vector<16xi32>
      %reduce_sum3A_312 = vector.extract %reduce_sum3A_311[15] : i32 from vector<16xi32>
      %ge3A_313 = vector.broadcast %reduce_sum3A_312 : i32 to vector<16xi32>
      %ge3A_314 = arith.cmpi sge, %mul3A_192, %ge3A_313 : vector<16xi32>
      %jit3A_315 = arith.constant 1 : i32
      %jit3A_316 = arith.constant 0 : i32
      %broadcast_in_dim3A_317 = vector.broadcast %jit3A_315 : i32 to vector<16xi32>
      %broadcast_in_dim3A_318 = vector.broadcast %jit3A_316 : i32 to vector<16xi32>
      %select_n3A_319 = arith.select %ge3A_314, %broadcast_in_dim3A_317, %broadcast_in_dim3A_318 : vector<16xi1>, vector<16xi32>
      %add3A_320 = arith.addi %add3A_302, %select_n3A_319 : vector<16xi32>
      %eq3A_321 = arith.constant 7 : i32
      %eq3A_322 = vector.broadcast %eq3A_321 : i32 to vector<16xi32>
      %eq3A_323 = arith.cmpi eq, %iota3A, %eq3A_322 : vector<16xi32>
      %jit3A_324 = arith.constant 0 : i32
      %broadcast_in_dim3A_325 = vector.broadcast %jit3A_324 : i32 to vector<16xi32>
      %select_n3A_326 = arith.select %eq3A_323, %masked_cumsum3A, %broadcast_in_dim3A_325 : vector<16xi1>, vector<16xi32>
      %reduce_sum3A_327 = arith.constant true
      %reduce_sum3A_328 = vector.broadcast %reduce_sum3A_327 : i1 to vector<16xi1>
      %reduce_sum3A_329 = tpu.scan <sum>, %select_n3A_326 masked %reduce_sum3A_328 : vector<16xi32>, vector<16xi1> -> vector<16xi32>
      %reduce_sum3A_330 = vector.extract %reduce_sum3A_329[15] : i32 from vector<16xi32>
      %ge3A_331 = vector.broadcast %reduce_sum3A_330 : i32 to vector<16xi32>
      %ge3A_332 = arith.cmpi sge, %mul3A_192, %ge3A_331 : vector<16xi32>
      %jit3A_333 = arith.constant 1 : i32
      %jit3A_334 = arith.constant 0 : i32
      %broadcast_in_dim3A_335 = vector.broadcast %jit3A_333 : i32 to vector<16xi32>
      %broadcast_in_dim3A_336 = vector.broadcast %jit3A_334 : i32 to vector<16xi32>
      %select_n3A_337 = arith.select %ge3A_332, %broadcast_in_dim3A_335, %broadcast_in_dim3A_336 : vector<16xi1>, vector<16xi32>
      %add3A_338 = arith.addi %add3A_320, %select_n3A_337 : vector<16xi32>
      %min3A_339 = arith.constant 7 : i32
      %min3A_340 = vector.broadcast %min3A_339 : i32 to vector<16xi32>
      %min3A_341 = arith.minsi %add3A_338, %min3A_340 : vector<16xi32>
      %lt3A_342 = vector.broadcast %reduce_sum3A_24 : i32 to vector<16xi32>
      %lt3A_343 = arith.cmpi slt, %mul3A_192, %lt3A_342 : vector<16xi32>
      %jit3A_344 = arith.constant 1 : i32
      %jit3A_345 = arith.constant 0 : i32
      %broadcast_in_dim3A_346 = vector.broadcast %jit3A_344 : i32 to vector<16xi32>
      %broadcast_in_dim3A_347 = vector.broadcast %jit3A_345 : i32 to vector<16xi32>
      %select_n3A_348 = arith.select %lt3A_343, %broadcast_in_dim3A_346, %broadcast_in_dim3A_347 : vector<16xi1>, vector<16xi32>
      %swap3A_349 = arith.constant 16 : index
      %swap3A_350 = tpu.vector_load %arg13[%swap3A_349] {strides = array<i32>} : memref<64xi32, #tpu.memory_space<vmem>>, vector<16xi32>,
      tpu.vector_store %arg13[%swap3A_349], %min3A_341 {strides = array<i32>} : memref<64xi32, #tpu.memory_space<vmem>>, vector<16xi32>,
      %swap3A_351 = arith.constant 48 : index
      %swap3A_352 = tpu.vector_load %arg13[%swap3A_351] {strides = array<i32>} : memref<64xi32, #tpu.memory_space<vmem>>, vector<16xi32>,
      tpu.vector_store %arg13[%swap3A_351], %select_n3A_348 {strides = array<i32>} : memref<64xi32, #tpu.memory_space<vmem>>, vector<16xi32>,
      %scan3A_353 = arith.constant 0 : i32
      %scan3A_354 = arith.constant 0 : i32
      %scan3A_355 = arith.constant 384 : i32
      %scan3A_356 = arith.addi %scan3A_354, %scan3A_355 : i32
      %scan3A_357 = arith.constant 1 : i32
      scf.for %scan3A_367 = %scan3A_354 to %scan3A_356 step %scan3A_357  : i32 {
        %broadcast_in_dim3A_368 = arith.constant 0 : i32
        %broadcast_in_dim3A_369 = vector.broadcast %broadcast_in_dim3A_368 : i32 to vector<16xi32>
        %mul3A_370 = arith.constant 16 : i32
        %mul3A_371 = arith.muli %scan3A_367, %mul3A_370 : i32
        %swap3A_372 = arith.index_cast %mul3A_371 : i32 to index
        %swap3A_373 = tpu.vector_load %arg10[%swap3A_372] {strides = array<i32>} : memref<6144xi32, #tpu.memory_space<vmem>>, vector<16xi32>,
        tpu.vector_store %arg10[%swap3A_372], %broadcast_in_dim3A_369 {strides = array<i32>} : memref<6144xi32, #tpu.memory_space<vmem>>, vector<16xi32>,
        %broadcast_in_dim3A_374 = arith.constant 0.000000e+00 : f32
        %broadcast_in_dim3A_375 = vector.broadcast %broadcast_in_dim3A_374 : f32 to vector<16xf32>
        %mul3A_376 = arith.constant 16 : i32
        %mul3A_377 = arith.muli %scan3A_367, %mul3A_376 : i32
        %swap3A_378 = arith.index_cast %mul3A_377 : i32 to index
        %swap3A_379 = tpu.vector_load %arg11[%swap3A_378] {strides = array<i32>} : memref<6144xf32, #tpu.memory_space<vmem>>, vector<16xf32>,
        tpu.vector_store %arg11[%swap3A_378], %broadcast_in_dim3A_375 {strides = array<i32>} : memref<6144xf32, #tpu.memory_space<vmem>>, vector<16xf32>,
      }
      %scan3A_358 = arith.constant 384 : i32
      %broadcast_in_dim3A_359 = arith.constant 0 : i32
      %broadcast_in_dim3A_360 = vector.broadcast %broadcast_in_dim3A_359 : i32 to vector<16xi32>
      %scan3A_361 = arith.constant 0 : i32
      %scan3A_362 = arith.constant 256 : i32
      %scan3A_363 = arith.addi %scan3A_361, %scan3A_362 : i32
      %scan3A_364 = arith.constant 1 : i32
      %scan3A_365 = scf.for %scan3A_367 = %scan3A_361 to %scan3A_363 step %scan3A_364 iter_args(%scan3A_368 = %broadcast_in_dim3A_360) -> (vector<16xi32>)  : i32 {
        %mul3A_369 = arith.constant 16 : i32
        %mul3A_370 = arith.muli %scan3A_367, %mul3A_369 : i32
        %get3A = arith.index_cast %mul3A_370 : i32 to index
        %get3A_371 = tpu.vector_load %arg8[%get3A] {strides = array<i32>} : memref<4096xi32, #tpu.memory_space<vmem>>, vector<16xi32>,
        %mul3A_372 = arith.constant 16 : i32
        %mul3A_373 = arith.muli %scan3A_367, %mul3A_372 : i32
        %get3A_374 = arith.index_cast %mul3A_373 : i32 to index
        %get3A_375 = tpu.vector_load %arg9[%get3A_374] {strides = array<i32>} : memref<4096xf32, #tpu.memory_space<vmem>>, vector<16xf32>,
        %mul3A_376 = arith.constant 16 : i32
        %mul3A_377 = arith.muli %scan3A_367, %mul3A_376 : i32
        %add3A_378 = vector.broadcast %mul3A_377 : i32 to vector<16xi32>
        %add3A_379 = arith.addi %iota3A, %add3A_378 : vector<16xi32>
        %shift_right_arithmetic3A_380 = arith.constant 1 : i32
        %shift_right_arithmetic3A_381 = vector.broadcast %shift_right_arithmetic3A_380 : i32 to vector<16xi32>
        %shift_right_arithmetic3A_382 = arith.shrsi %add3A_379, %shift_right_arithmetic3A_381 : vector<16xi32>
        %add3A_383 = arith.addi %sub3A, %scan3A_368 : vector<16xi32>
        %broadcast_in_dim3A_384 = arith.constant 0 : i32
        %broadcast_in_dim3A_385 = vector.broadcast %broadcast_in_dim3A_384 : i32 to vector<16xi32>
        %eq3A_386 = arith.constant 0 : i32
        %eq3A_387 = vector.broadcast %eq3A_386 : i32 to vector<16xi32>
        %eq3A_388 = arith.cmpi eq, %get3A_371, %eq3A_387 : vector<16xi32>
        %jit3A_389 = arith.constant 1 : i32
        %jit3A_390 = arith.constant 0 : i32
        %broadcast_in_dim3A_391 = vector.broadcast %jit3A_389 : i32 to vector<16xi32>
        %broadcast_in_dim3A_392 = vector.broadcast %jit3A_390 : i32 to vector<16xi32>
        %select_n3A_393 = arith.select %eq3A_388, %broadcast_in_dim3A_391, %broadcast_in_dim3A_392 : vector<16xi1>, vector<16xi32>
        %broadcast_in_dim3A_394 = arith.constant true
        %broadcast_in_dim3A_395 = vector.broadcast %broadcast_in_dim3A_394 : i1 to vector<16xi1>
        %masked_cumsum3A_396 = tpu.scan <sum>, %select_n3A_393 masked %broadcast_in_dim3A_395 : vector<16xi32>, vector<16xi1> -> vector<16xi32>
        %eq3A_397 = arith.constant 0 : i32
        %eq3A_398 = vector.broadcast %eq3A_397 : i32 to vector<16xi32>
        %eq3A_399 = arith.cmpi eq, %iota3A, %eq3A_398 : vector<16xi32>
        %jit3A_400 = arith.constant 0 : i32
        %broadcast_in_dim3A_401 = vector.broadcast %jit3A_400 : i32 to vector<16xi32>
        %select_n3A_402 = arith.select %eq3A_399, %add3A_383, %broadcast_in_dim3A_401 : vector<16xi1>, vector<16xi32>
        %reduce_sum3A_403 = arith.constant true
        %reduce_sum3A_404 = vector.broadcast %reduce_sum3A_403 : i1 to vector<16xi1>
        %reduce_sum3A_405 = tpu.scan <sum>, %select_n3A_402 masked %reduce_sum3A_404 : vector<16xi32>, vector<16xi1> -> vector<16xi32>
        %reduce_sum3A_406 = vector.extract %reduce_sum3A_405[15] : i32 from vector<16xi32>
        %add3A_407 = vector.broadcast %reduce_sum3A_406 : i32 to vector<16xi32>
        %add3A_408 = arith.addi %add3A_407, %masked_cumsum3A_396 : vector<16xi32>
        %sub3A_409 = arith.constant 1 : i32
        %sub3A_410 = vector.broadcast %sub3A_409 : i32 to vector<16xi32>
        %sub3A_411 = arith.subi %add3A_408, %sub3A_410 : vector<16xi32>
        %select_n3A_412 = arith.select %eq3A_388, %sub3A_411, %broadcast_in_dim3A_385 : vector<16xi1>, vector<16xi32>
        %eq3A_413 = arith.constant 0 : i32
        %eq3A_414 = vector.broadcast %eq3A_413 : i32 to vector<16xi32>
        %eq3A_415 = arith.cmpi eq, %iota3A, %eq3A_414 : vector<16xi32>
        %reduce_sum3A_416 = arith.constant true
        %reduce_sum3A_417 = vector.broadcast %reduce_sum3A_416 : i1 to vector<16xi1>
        %reduce_sum3A_418 = tpu.scan <sum>, %select_n3A_393 masked %reduce_sum3A_417 : vector<16xi32>, vector<16xi1> -> vector<16xi32>
        %reduce_sum3A_419 = vector.extract %reduce_sum3A_418[15] : i32 from vector<16xi32>
        %jit3A_420 = arith.constant 0 : i32
        %broadcast_in_dim3A_421 = vector.broadcast %reduce_sum3A_419 : i32 to vector<16xi32>
        %broadcast_in_dim3A_422 = vector.broadcast %jit3A_420 : i32 to vector<16xi32>
        %select_n3A_423 = arith.select %eq3A_415, %broadcast_in_dim3A_421, %broadcast_in_dim3A_422 : vector<16xi1>, vector<16xi32>
        %add3A_424 = arith.addi %scan3A_368, %select_n3A_423 : vector<16xi32>
        %eq3A_425 = arith.constant 1 : i32
        %eq3A_426 = vector.broadcast %eq3A_425 : i32 to vector<16xi32>
        %eq3A_427 = arith.cmpi eq, %get3A_371, %eq3A_426 : vector<16xi32>
        %jit3A_428 = arith.constant 1 : i32
        %jit3A_429 = arith.constant 0 : i32
        %broadcast_in_dim3A_430 = vector.broadcast %jit3A_428 : i32 to vector<16xi32>
        %broadcast_in_dim3A_431 = vector.broadcast %jit3A_429 : i32 to vector<16xi32>
        %select_n3A_432 = arith.select %eq3A_427, %broadcast_in_dim3A_430, %broadcast_in_dim3A_431 : vector<16xi1>, vector<16xi32>
        %broadcast_in_dim3A_433 = arith.constant true
        %broadcast_in_dim3A_434 = vector.broadcast %broadcast_in_dim3A_433 : i1 to vector<16xi1>
        %masked_cumsum3A_435 = tpu.scan <sum>, %select_n3A_432 masked %broadcast_in_dim3A_434 : vector<16xi32>, vector<16xi1> -> vector<16xi32>
        %eq3A_436 = arith.constant 1 : i32
        %eq3A_437 = vector.broadcast %eq3A_436 : i32 to vector<16xi32>
        %eq3A_438 = arith.cmpi eq, %iota3A, %eq3A_437 : vector<16xi32>
        %jit3A_439 = arith.constant 0 : i32
        %broadcast_in_dim3A_440 = vector.broadcast %jit3A_439 : i32 to vector<16xi32>
        %select_n3A_441 = arith.select %eq3A_438, %add3A_383, %broadcast_in_dim3A_440 : vector<16xi1>, vector<16xi32>
        %reduce_sum3A_442 = arith.constant true
        %reduce_sum3A_443 = vector.broadcast %reduce_sum3A_442 : i1 to vector<16xi1>
        %reduce_sum3A_444 = tpu.scan <sum>, %select_n3A_441 masked %reduce_sum3A_443 : vector<16xi32>, vector<16xi1> -> vector<16xi32>
        %reduce_sum3A_445 = vector.extract %reduce_sum3A_444[15] : i32 from vector<16xi32>
        %add3A_446 = vector.broadcast %reduce_sum3A_445 : i32 to vector<16xi32>
        %add3A_447 = arith.addi %add3A_446, %masked_cumsum3A_435 : vector<16xi32>
        %sub3A_448 = arith.constant 1 : i32
        %sub3A_449 = vector.broadcast %sub3A_448 : i32 to vector<16xi32>
        %sub3A_450 = arith.subi %add3A_447, %sub3A_449 : vector<16xi32>
        %select_n3A_451 = arith.select %eq3A_427, %sub3A_450, %select_n3A_412 : vector<16xi1>, vector<16xi32>
        %eq3A_452 = arith.constant 1 : i32
        %eq3A_453 = vector.broadcast %eq3A_452 : i32 to vector<16xi32>
        %eq3A_454 = arith.cmpi eq, %iota3A, %eq3A_453 : vector<16xi32>
        %reduce_sum3A_455 = arith.constant true
        %reduce_sum3A_456 = vector.broadcast %reduce_sum3A_455 : i1 to vector<16xi1>
        %reduce_sum3A_457 = tpu.scan <sum>, %select_n3A_432 masked %reduce_sum3A_456 : vector<16xi32>, vector<16xi1> -> vector<16xi32>
        %reduce_sum3A_458 = vector.extract %reduce_sum3A_457[15] : i32 from vector<16xi32>
        %jit3A_459 = arith.constant 0 : i32
        %broadcast_in_dim3A_460 = vector.broadcast %reduce_sum3A_458 : i32 to vector<16xi32>
        %broadcast_in_dim3A_461 = vector.broadcast %jit3A_459 : i32 to vector<16xi32>
        %select_n3A_462 = arith.select %eq3A_454, %broadcast_in_dim3A_460, %broadcast_in_dim3A_461 : vector<16xi1>, vector<16xi32>
        %add3A_463 = arith.addi %add3A_424, %select_n3A_462 : vector<16xi32>
        %eq3A_464 = arith.constant 2 : i32
        %eq3A_465 = vector.broadcast %eq3A_464 : i32 to vector<16xi32>
        %eq3A_466 = arith.cmpi eq, %get3A_371, %eq3A_465 : vector<16xi32>
        %jit3A_467 = arith.constant 1 : i32
        %jit3A_468 = arith.constant 0 : i32
        %broadcast_in_dim3A_469 = vector.broadcast %jit3A_467 : i32 to vector<16xi32>
        %broadcast_in_dim3A_470 = vector.broadcast %jit3A_468 : i32 to vector<16xi32>
        %select_n3A_471 = arith.select %eq3A_466, %broadcast_in_dim3A_469, %broadcast_in_dim3A_470 : vector<16xi1>, vector<16xi32>
        %broadcast_in_dim3A_472 = arith.constant true
        %broadcast_in_dim3A_473 = vector.broadcast %broadcast_in_dim3A_472 : i1 to vector<16xi1>
        %masked_cumsum3A_474 = tpu.scan <sum>, %select_n3A_471 masked %broadcast_in_dim3A_473 : vector<16xi32>, vector<16xi1> -> vector<16xi32>
        %eq3A_475 = arith.constant 2 : i32
        %eq3A_476 = vector.broadcast %eq3A_475 : i32 to vector<16xi32>
        %eq3A_477 = arith.cmpi eq, %iota3A, %eq3A_476 : vector<16xi32>
        %jit3A_478 = arith.constant 0 : i32
        %broadcast_in_dim3A_479 = vector.broadcast %jit3A_478 : i32 to vector<16xi32>
        %select_n3A_480 = arith.select %eq3A_477, %add3A_383, %broadcast_in_dim3A_479 : vector<16xi1>, vector<16xi32>
        %reduce_sum3A_481 = arith.constant true
        %reduce_sum3A_482 = vector.broadcast %reduce_sum3A_481 : i1 to vector<16xi1>
        %reduce_sum3A_483 = tpu.scan <sum>, %select_n3A_480 masked %reduce_sum3A_482 : vector<16xi32>, vector<16xi1> -> vector<16xi32>
        %reduce_sum3A_484 = vector.extract %reduce_sum3A_483[15] : i32 from vector<16xi32>
        %add3A_485 = vector.broadcast %reduce_sum3A_484 : i32 to vector<16xi32>
        %add3A_486 = arith.addi %add3A_485, %masked_cumsum3A_474 : vector<16xi32>
        %sub3A_487 = arith.constant 1 : i32
        %sub3A_488 = vector.broadcast %sub3A_487 : i32 to vector<16xi32>
        %sub3A_489 = arith.subi %add3A_486, %sub3A_488 : vector<16xi32>
        %select_n3A_490 = arith.select %eq3A_466, %sub3A_489, %select_n3A_451 : vector<16xi1>, vector<16xi32>
        %eq3A_491 = arith.constant 2 : i32
        %eq3A_492 = vector.broadcast %eq3A_491 : i32 to vector<16xi32>
        %eq3A_493 = arith.cmpi eq, %iota3A, %eq3A_492 : vector<16xi32>
        %reduce_sum3A_494 = arith.constant true
        %reduce_sum3A_495 = vector.broadcast %reduce_sum3A_494 : i1 to vector<16xi1>
        %reduce_sum3A_496 = tpu.scan <sum>, %select_n3A_471 masked %reduce_sum3A_495 : vector<16xi32>, vector<16xi1> -> vector<16xi32>
        %reduce_sum3A_497 = vector.extract %reduce_sum3A_496[15] : i32 from vector<16xi32>
        %jit3A_498 = arith.constant 0 : i32
        %broadcast_in_dim3A_499 = vector.broadcast %reduce_sum3A_497 : i32 to vector<16xi32>
        %broadcast_in_dim3A_500 = vector.broadcast %jit3A_498 : i32 to vector<16xi32>
        %select_n3A_501 = arith.select %eq3A_493, %broadcast_in_dim3A_499, %broadcast_in_dim3A_500 : vector<16xi1>, vector<16xi32>
        %add3A_502 = arith.addi %add3A_463, %select_n3A_501 : vector<16xi32>
        %eq3A_503 = arith.constant 3 : i32
        %eq3A_504 = vector.broadcast %eq3A_503 : i32 to vector<16xi32>
        %eq3A_505 = arith.cmpi eq, %get3A_371, %eq3A_504 : vector<16xi32>
        %jit3A_506 = arith.constant 1 : i32
        %jit3A_507 = arith.constant 0 : i32
        %broadcast_in_dim3A_508 = vector.broadcast %jit3A_506 : i32 to vector<16xi32>
        %broadcast_in_dim3A_509 = vector.broadcast %jit3A_507 : i32 to vector<16xi32>
        %select_n3A_510 = arith.select %eq3A_505, %broadcast_in_dim3A_508, %broadcast_in_dim3A_509 : vector<16xi1>, vector<16xi32>
        %broadcast_in_dim3A_511 = arith.constant true
        %broadcast_in_dim3A_512 = vector.broadcast %broadcast_in_dim3A_511 : i1 to vector<16xi1>
        %masked_cumsum3A_513 = tpu.scan <sum>, %select_n3A_510 masked %broadcast_in_dim3A_512 : vector<16xi32>, vector<16xi1> -> vector<16xi32>
        %eq3A_514 = arith.constant 3 : i32
        %eq3A_515 = vector.broadcast %eq3A_514 : i32 to vector<16xi32>
        %eq3A_516 = arith.cmpi eq, %iota3A, %eq3A_515 : vector<16xi32>
        %jit3A_517 = arith.constant 0 : i32
        %broadcast_in_dim3A_518 = vector.broadcast %jit3A_517 : i32 to vector<16xi32>
        %select_n3A_519 = arith.select %eq3A_516, %add3A_383, %broadcast_in_dim3A_518 : vector<16xi1>, vector<16xi32>
        %reduce_sum3A_520 = arith.constant true
        %reduce_sum3A_521 = vector.broadcast %reduce_sum3A_520 : i1 to vector<16xi1>
        %reduce_sum3A_522 = tpu.scan <sum>, %select_n3A_519 masked %reduce_sum3A_521 : vector<16xi32>, vector<16xi1> -> vector<16xi32>
        %reduce_sum3A_523 = vector.extract %reduce_sum3A_522[15] : i32 from vector<16xi32>
        %add3A_524 = vector.broadcast %reduce_sum3A_523 : i32 to vector<16xi32>
        %add3A_525 = arith.addi %add3A_524, %masked_cumsum3A_513 : vector<16xi32>
        %sub3A_526 = arith.constant 1 : i32
        %sub3A_527 = vector.broadcast %sub3A_526 : i32 to vector<16xi32>
        %sub3A_528 = arith.subi %add3A_525, %sub3A_527 : vector<16xi32>
        %select_n3A_529 = arith.select %eq3A_505, %sub3A_528, %select_n3A_490 : vector<16xi1>, vector<16xi32>
        %eq3A_530 = arith.constant 3 : i32
        %eq3A_531 = vector.broadcast %eq3A_530 : i32 to vector<16xi32>
        %eq3A_532 = arith.cmpi eq, %iota3A, %eq3A_531 : vector<16xi32>
        %reduce_sum3A_533 = arith.constant true
        %reduce_sum3A_534 = vector.broadcast %reduce_sum3A_533 : i1 to vector<16xi1>
        %reduce_sum3A_535 = tpu.scan <sum>, %select_n3A_510 masked %reduce_sum3A_534 : vector<16xi32>, vector<16xi1> -> vector<16xi32>
        %reduce_sum3A_536 = vector.extract %reduce_sum3A_535[15] : i32 from vector<16xi32>
        %jit3A_537 = arith.constant 0 : i32
        %broadcast_in_dim3A_538 = vector.broadcast %reduce_sum3A_536 : i32 to vector<16xi32>
        %broadcast_in_dim3A_539 = vector.broadcast %jit3A_537 : i32 to vector<16xi32>
        %select_n3A_540 = arith.select %eq3A_532, %broadcast_in_dim3A_538, %broadcast_in_dim3A_539 : vector<16xi1>, vector<16xi32>
        %add3A_541 = arith.addi %add3A_502, %select_n3A_540 : vector<16xi32>
        %eq3A_542 = arith.constant 4 : i32
        %eq3A_543 = vector.broadcast %eq3A_542 : i32 to vector<16xi32>
        %eq3A_544 = arith.cmpi eq, %get3A_371, %eq3A_543 : vector<16xi32>
        %jit3A_545 = arith.constant 1 : i32
        %jit3A_546 = arith.constant 0 : i32
        %broadcast_in_dim3A_547 = vector.broadcast %jit3A_545 : i32 to vector<16xi32>
        %broadcast_in_dim3A_548 = vector.broadcast %jit3A_546 : i32 to vector<16xi32>
        %select_n3A_549 = arith.select %eq3A_544, %broadcast_in_dim3A_547, %broadcast_in_dim3A_548 : vector<16xi1>, vector<16xi32>
        %broadcast_in_dim3A_550 = arith.constant true
        %broadcast_in_dim3A_551 = vector.broadcast %broadcast_in_dim3A_550 : i1 to vector<16xi1>
        %masked_cumsum3A_552 = tpu.scan <sum>, %select_n3A_549 masked %broadcast_in_dim3A_551 : vector<16xi32>, vector<16xi1> -> vector<16xi32>
        %eq3A_553 = arith.constant 4 : i32
        %eq3A_554 = vector.broadcast %eq3A_553 : i32 to vector<16xi32>
        %eq3A_555 = arith.cmpi eq, %iota3A, %eq3A_554 : vector<16xi32>
        %jit3A_556 = arith.constant 0 : i32
        %broadcast_in_dim3A_557 = vector.broadcast %jit3A_556 : i32 to vector<16xi32>
        %select_n3A_558 = arith.select %eq3A_555, %add3A_383, %broadcast_in_dim3A_557 : vector<16xi1>, vector<16xi32>
        %reduce_sum3A_559 = arith.constant true
        %reduce_sum3A_560 = vector.broadcast %reduce_sum3A_559 : i1 to vector<16xi1>
        %reduce_sum3A_561 = tpu.scan <sum>, %select_n3A_558 masked %reduce_sum3A_560 : vector<16xi32>, vector<16xi1> -> vector<16xi32>
        %reduce_sum3A_562 = vector.extract %reduce_sum3A_561[15] : i32 from vector<16xi32>
        %add3A_563 = vector.broadcast %reduce_sum3A_562 : i32 to vector<16xi32>
        %add3A_564 = arith.addi %add3A_563, %masked_cumsum3A_552 : vector<16xi32>
        %sub3A_565 = arith.constant 1 : i32
        %sub3A_566 = vector.broadcast %sub3A_565 : i32 to vector<16xi32>
        %sub3A_567 = arith.subi %add3A_564, %sub3A_566 : vector<16xi32>
        %select_n3A_568 = arith.select %eq3A_544, %sub3A_567, %select_n3A_529 : vector<16xi1>, vector<16xi32>
        %eq3A_569 = arith.constant 4 : i32
        %eq3A_570 = vector.broadcast %eq3A_569 : i32 to vector<16xi32>
        %eq3A_571 = arith.cmpi eq, %iota3A, %eq3A_570 : vector<16xi32>
        %reduce_sum3A_572 = arith.constant true
        %reduce_sum3A_573 = vector.broadcast %reduce_sum3A_572 : i1 to vector<16xi1>
        %reduce_sum3A_574 = tpu.scan <sum>, %select_n3A_549 masked %reduce_sum3A_573 : vector<16xi32>, vector<16xi1> -> vector<16xi32>
        %reduce_sum3A_575 = vector.extract %reduce_sum3A_574[15] : i32 from vector<16xi32>
        %jit3A_576 = arith.constant 0 : i32
        %broadcast_in_dim3A_577 = vector.broadcast %reduce_sum3A_575 : i32 to vector<16xi32>
        %broadcast_in_dim3A_578 = vector.broadcast %jit3A_576 : i32 to vector<16xi32>
        %select_n3A_579 = arith.select %eq3A_571, %broadcast_in_dim3A_577, %broadcast_in_dim3A_578 : vector<16xi1>, vector<16xi32>
        %add3A_580 = arith.addi %add3A_541, %select_n3A_579 : vector<16xi32>
        %eq3A_581 = arith.constant 5 : i32
        %eq3A_582 = vector.broadcast %eq3A_581 : i32 to vector<16xi32>
        %eq3A_583 = arith.cmpi eq, %get3A_371, %eq3A_582 : vector<16xi32>
        %jit3A_584 = arith.constant 1 : i32
        %jit3A_585 = arith.constant 0 : i32
        %broadcast_in_dim3A_586 = vector.broadcast %jit3A_584 : i32 to vector<16xi32>
        %broadcast_in_dim3A_587 = vector.broadcast %jit3A_585 : i32 to vector<16xi32>
        %select_n3A_588 = arith.select %eq3A_583, %broadcast_in_dim3A_586, %broadcast_in_dim3A_587 : vector<16xi1>, vector<16xi32>
        %broadcast_in_dim3A_589 = arith.constant true
        %broadcast_in_dim3A_590 = vector.broadcast %broadcast_in_dim3A_589 : i1 to vector<16xi1>
        %masked_cumsum3A_591 = tpu.scan <sum>, %select_n3A_588 masked %broadcast_in_dim3A_590 : vector<16xi32>, vector<16xi1> -> vector<16xi32>
        %eq3A_592 = arith.constant 5 : i32
        %eq3A_593 = vector.broadcast %eq3A_592 : i32 to vector<16xi32>
        %eq3A_594 = arith.cmpi eq, %iota3A, %eq3A_593 : vector<16xi32>
        %jit3A_595 = arith.constant 0 : i32
        %broadcast_in_dim3A_596 = vector.broadcast %jit3A_595 : i32 to vector<16xi32>
        %select_n3A_597 = arith.select %eq3A_594, %add3A_383, %broadcast_in_dim3A_596 : vector<16xi1>, vector<16xi32>
        %reduce_sum3A_598 = arith.constant true
        %reduce_sum3A_599 = vector.broadcast %reduce_sum3A_598 : i1 to vector<16xi1>
        %reduce_sum3A_600 = tpu.scan <sum>, %select_n3A_597 masked %reduce_sum3A_599 : vector<16xi32>, vector<16xi1> -> vector<16xi32>
        %reduce_sum3A_601 = vector.extract %reduce_sum3A_600[15] : i32 from vector<16xi32>
        %add3A_602 = vector.broadcast %reduce_sum3A_601 : i32 to vector<16xi32>
        %add3A_603 = arith.addi %add3A_602, %masked_cumsum3A_591 : vector<16xi32>
        %sub3A_604 = arith.constant 1 : i32
        %sub3A_605 = vector.broadcast %sub3A_604 : i32 to vector<16xi32>
        %sub3A_606 = arith.subi %add3A_603, %sub3A_605 : vector<16xi32>
        %select_n3A_607 = arith.select %eq3A_583, %sub3A_606, %select_n3A_568 : vector<16xi1>, vector<16xi32>
        %eq3A_608 = arith.constant 5 : i32
        %eq3A_609 = vector.broadcast %eq3A_608 : i32 to vector<16xi32>
        %eq3A_610 = arith.cmpi eq, %iota3A, %eq3A_609 : vector<16xi32>
        %reduce_sum3A_611 = arith.constant true
        %reduce_sum3A_612 = vector.broadcast %reduce_sum3A_611 : i1 to vector<16xi1>
        %reduce_sum3A_613 = tpu.scan <sum>, %select_n3A_588 masked %reduce_sum3A_612 : vector<16xi32>, vector<16xi1> -> vector<16xi32>
        %reduce_sum3A_614 = vector.extract %reduce_sum3A_613[15] : i32 from vector<16xi32>
        %jit3A_615 = arith.constant 0 : i32
        %broadcast_in_dim3A_616 = vector.broadcast %reduce_sum3A_614 : i32 to vector<16xi32>
        %broadcast_in_dim3A_617 = vector.broadcast %jit3A_615 : i32 to vector<16xi32>
        %select_n3A_618 = arith.select %eq3A_610, %broadcast_in_dim3A_616, %broadcast_in_dim3A_617 : vector<16xi1>, vector<16xi32>
        %add3A_619 = arith.addi %add3A_580, %select_n3A_618 : vector<16xi32>
        %eq3A_620 = arith.constant 6 : i32
        %eq3A_621 = vector.broadcast %eq3A_620 : i32 to vector<16xi32>
        %eq3A_622 = arith.cmpi eq, %get3A_371, %eq3A_621 : vector<16xi32>
        %jit3A_623 = arith.constant 1 : i32
        %jit3A_624 = arith.constant 0 : i32
        %broadcast_in_dim3A_625 = vector.broadcast %jit3A_623 : i32 to vector<16xi32>
        %broadcast_in_dim3A_626 = vector.broadcast %jit3A_624 : i32 to vector<16xi32>
        %select_n3A_627 = arith.select %eq3A_622, %broadcast_in_dim3A_625, %broadcast_in_dim3A_626 : vector<16xi1>, vector<16xi32>
        %broadcast_in_dim3A_628 = arith.constant true
        %broadcast_in_dim3A_629 = vector.broadcast %broadcast_in_dim3A_628 : i1 to vector<16xi1>
        %masked_cumsum3A_630 = tpu.scan <sum>, %select_n3A_627 masked %broadcast_in_dim3A_629 : vector<16xi32>, vector<16xi1> -> vector<16xi32>
        %eq3A_631 = arith.constant 6 : i32
        %eq3A_632 = vector.broadcast %eq3A_631 : i32 to vector<16xi32>
        %eq3A_633 = arith.cmpi eq, %iota3A, %eq3A_632 : vector<16xi32>
        %jit3A_634 = arith.constant 0 : i32
        %broadcast_in_dim3A_635 = vector.broadcast %jit3A_634 : i32 to vector<16xi32>
        %select_n3A_636 = arith.select %eq3A_633, %add3A_383, %broadcast_in_dim3A_635 : vector<16xi1>, vector<16xi32>
        %reduce_sum3A_637 = arith.constant true
        %reduce_sum3A_638 = vector.broadcast %reduce_sum3A_637 : i1 to vector<16xi1>
        %reduce_sum3A_639 = tpu.scan <sum>, %select_n3A_636 masked %reduce_sum3A_638 : vector<16xi32>, vector<16xi1> -> vector<16xi32>
        %reduce_sum3A_640 = vector.extract %reduce_sum3A_639[15] : i32 from vector<16xi32>
        %add3A_641 = vector.broadcast %reduce_sum3A_640 : i32 to vector<16xi32>
        %add3A_642 = arith.addi %add3A_641, %masked_cumsum3A_630 : vector<16xi32>
        %sub3A_643 = arith.constant 1 : i32
        %sub3A_644 = vector.broadcast %sub3A_643 : i32 to vector<16xi32>
        %sub3A_645 = arith.subi %add3A_642, %sub3A_644 : vector<16xi32>
        %select_n3A_646 = arith.select %eq3A_622, %sub3A_645, %select_n3A_607 : vector<16xi1>, vector<16xi32>
        %eq3A_647 = arith.constant 6 : i32
        %eq3A_648 = vector.broadcast %eq3A_647 : i32 to vector<16xi32>
        %eq3A_649 = arith.cmpi eq, %iota3A, %eq3A_648 : vector<16xi32>
        %reduce_sum3A_650 = arith.constant true
        %reduce_sum3A_651 = vector.broadcast %reduce_sum3A_650 : i1 to vector<16xi1>
        %reduce_sum3A_652 = tpu.scan <sum>, %select_n3A_627 masked %reduce_sum3A_651 : vector<16xi32>, vector<16xi1> -> vector<16xi32>
        %reduce_sum3A_653 = vector.extract %reduce_sum3A_652[15] : i32 from vector<16xi32>
        %jit3A_654 = arith.constant 0 : i32
        %broadcast_in_dim3A_655 = vector.broadcast %reduce_sum3A_653 : i32 to vector<16xi32>
        %broadcast_in_dim3A_656 = vector.broadcast %jit3A_654 : i32 to vector<16xi32>
        %select_n3A_657 = arith.select %eq3A_649, %broadcast_in_dim3A_655, %broadcast_in_dim3A_656 : vector<16xi1>, vector<16xi32>
        %add3A_658 = arith.addi %add3A_619, %select_n3A_657 : vector<16xi32>
        %eq3A_659 = arith.constant 7 : i32
        %eq3A_660 = vector.broadcast %eq3A_659 : i32 to vector<16xi32>
        %eq3A_661 = arith.cmpi eq, %get3A_371, %eq3A_660 : vector<16xi32>
        %jit3A_662 = arith.constant 1 : i32
        %jit3A_663 = arith.constant 0 : i32
        %broadcast_in_dim3A_664 = vector.broadcast %jit3A_662 : i32 to vector<16xi32>
        %broadcast_in_dim3A_665 = vector.broadcast %jit3A_663 : i32 to vector<16xi32>
        %select_n3A_666 = arith.select %eq3A_661, %broadcast_in_dim3A_664, %broadcast_in_dim3A_665 : vector<16xi1>, vector<16xi32>
        %broadcast_in_dim3A_667 = arith.constant true
        %broadcast_in_dim3A_668 = vector.broadcast %broadcast_in_dim3A_667 : i1 to vector<16xi1>
        %masked_cumsum3A_669 = tpu.scan <sum>, %select_n3A_666 masked %broadcast_in_dim3A_668 : vector<16xi32>, vector<16xi1> -> vector<16xi32>
        %eq3A_670 = arith.constant 7 : i32
        %eq3A_671 = vector.broadcast %eq3A_670 : i32 to vector<16xi32>
        %eq3A_672 = arith.cmpi eq, %iota3A, %eq3A_671 : vector<16xi32>
        %jit3A_673 = arith.constant 0 : i32
        %broadcast_in_dim3A_674 = vector.broadcast %jit3A_673 : i32 to vector<16xi32>
        %select_n3A_675 = arith.select %eq3A_672, %add3A_383, %broadcast_in_dim3A_674 : vector<16xi1>, vector<16xi32>
        %reduce_sum3A_676 = arith.constant true
        %reduce_sum3A_677 = vector.broadcast %reduce_sum3A_676 : i1 to vector<16xi1>
        %reduce_sum3A_678 = tpu.scan <sum>, %select_n3A_675 masked %reduce_sum3A_677 : vector<16xi32>, vector<16xi1> -> vector<16xi32>
        %reduce_sum3A_679 = vector.extract %reduce_sum3A_678[15] : i32 from vector<16xi32>
        %add3A_680 = vector.broadcast %reduce_sum3A_679 : i32 to vector<16xi32>
        %add3A_681 = arith.addi %add3A_680, %masked_cumsum3A_669 : vector<16xi32>
        %sub3A_682 = arith.constant 1 : i32
        %sub3A_683 = vector.broadcast %sub3A_682 : i32 to vector<16xi32>
        %sub3A_684 = arith.subi %add3A_681, %sub3A_683 : vector<16xi32>
        %select_n3A_685 = arith.select %eq3A_661, %sub3A_684, %select_n3A_646 : vector<16xi1>, vector<16xi32>
        %eq3A_686 = arith.constant 7 : i32
        %eq3A_687 = vector.broadcast %eq3A_686 : i32 to vector<16xi32>
        %eq3A_688 = arith.cmpi eq, %iota3A, %eq3A_687 : vector<16xi32>
        %reduce_sum3A_689 = arith.constant true
        %reduce_sum3A_690 = vector.broadcast %reduce_sum3A_689 : i1 to vector<16xi1>
        %reduce_sum3A_691 = tpu.scan <sum>, %select_n3A_666 masked %reduce_sum3A_690 : vector<16xi32>, vector<16xi1> -> vector<16xi32>
        %reduce_sum3A_692 = vector.extract %reduce_sum3A_691[15] : i32 from vector<16xi32>
        %jit3A_693 = arith.constant 0 : i32
        %broadcast_in_dim3A_694 = vector.broadcast %reduce_sum3A_692 : i32 to vector<16xi32>
        %broadcast_in_dim3A_695 = vector.broadcast %jit3A_693 : i32 to vector<16xi32>
        %select_n3A_696 = arith.select %eq3A_688, %broadcast_in_dim3A_694, %broadcast_in_dim3A_695 : vector<16xi1>, vector<16xi32>
        %add3A_697 = arith.addi %add3A_658, %select_n3A_696 : vector<16xi32>
        tpu.vector_store_idx %arg10[%select_n3A_685], %shift_right_arithmetic3A_382 : memref<6144xi32, #tpu.memory_space<vmem>>[vector<16xi32>], vector<16xi32>,
        tpu.vector_store_idx %arg11[%select_n3A_685], %get3A_375 : memref<6144xf32, #tpu.memory_space<vmem>>[vector<16xi32>], vector<16xf32>,
        %mul3A_698 = arith.constant 16 : i32
        %mul3A_699 = arith.muli %scan3A_367, %mul3A_698 : i32
        %swap3A_700 = arith.index_cast %mul3A_699 : i32 to index
        %swap3A_701 = tpu.vector_load %arg12[%swap3A_700] {strides = array<i32>} : memref<4096xi32, #tpu.memory_space<vmem>>, vector<16xi32>,
        tpu.vector_store %arg12[%swap3A_700], %select_n3A_685 {strides = array<i32>} : memref<4096xi32, #tpu.memory_space<vmem>>, vector<16xi32>,
        scf.yield %add3A_697 : vector<16xi32>
      }
      %scan3A_366 = arith.constant 256 : i32
      "tpu.region"() ({
        %run_scoped3A = tpu.sem_alloc : memref<!tpu.dma_semaphore, #tpu.memory_space<semaphore_mem>>
        tpu.enqueue_dma source(%arg10 : memref<6144xi32, #tpu.memory_space<vmem>>) target(%arg4 : memref<6144xi32, #tpu.memory_space<hbm>>) target_semaphore(%run_scoped3A : memref<!tpu.dma_semaphore, #tpu.memory_space<semaphore_mem>>)
        tpu.wait_dma2 semaphore(%run_scoped3A : memref<!tpu.dma_semaphore, #tpu.memory_space<semaphore_mem>>) src(%arg10 : memref<6144xi32, #tpu.memory_space<vmem>>) dst(%arg4 : memref<6144xi32, #tpu.memory_space<hbm>>)
        tpu.yield
      }) : () -> ()
      "tpu.region"() ({
        %run_scoped3A = tpu.sem_alloc : memref<!tpu.dma_semaphore, #tpu.memory_space<semaphore_mem>>
        tpu.enqueue_dma source(%arg11 : memref<6144xf32, #tpu.memory_space<vmem>>) target(%arg5 : memref<6144xf32, #tpu.memory_space<hbm>>) target_semaphore(%run_scoped3A : memref<!tpu.dma_semaphore, #tpu.memory_space<semaphore_mem>>)
        tpu.wait_dma2 semaphore(%run_scoped3A : memref<!tpu.dma_semaphore, #tpu.memory_space<semaphore_mem>>) src(%arg11 : memref<6144xf32, #tpu.memory_space<vmem>>) dst(%arg5 : memref<6144xf32, #tpu.memory_space<hbm>>)
        tpu.yield
      }) : () -> ()
      "tpu.region"() ({
        %run_scoped3A = tpu.sem_alloc : memref<!tpu.dma_semaphore, #tpu.memory_space<semaphore_mem>>
        tpu.enqueue_dma source(%arg12 : memref<4096xi32, #tpu.memory_space<vmem>>) target(%arg6 : memref<4096xi32, #tpu.memory_space<hbm>>) target_semaphore(%run_scoped3A : memref<!tpu.dma_semaphore, #tpu.memory_space<semaphore_mem>>)
        tpu.wait_dma2 semaphore(%run_scoped3A : memref<!tpu.dma_semaphore, #tpu.memory_space<semaphore_mem>>) src(%arg12 : memref<4096xi32, #tpu.memory_space<vmem>>) dst(%arg6 : memref<4096xi32, #tpu.memory_space<hbm>>)
        tpu.yield
      }) : () -> ()
      "tpu.region"() ({
        %run_scoped3A = tpu.sem_alloc : memref<!tpu.dma_semaphore, #tpu.memory_space<semaphore_mem>>
        tpu.enqueue_dma source(%arg13 : memref<64xi32, #tpu.memory_space<vmem>>) target(%arg7 : memref<64xi32, #tpu.memory_space<hbm>>) target_semaphore(%run_scoped3A : memref<!tpu.dma_semaphore, #tpu.memory_space<semaphore_mem>>)
        tpu.wait_dma2 semaphore(%run_scoped3A : memref<!tpu.dma_semaphore, #tpu.memory_space<semaphore_mem>>) src(%arg13 : memref<64xi32, #tpu.memory_space<vmem>>) dst(%arg7 : memref<64xi32, #tpu.memory_space<hbm>>)
        tpu.yield
      }) : () -> ()
    } else {
    }
    return
  }
}

#map = affine_map<(d0, d1) -> (0, 0)>
#map1 = affine_map<(d0, d1) -> (0)>
#map2 = affine_map<(d0, d1) -> (0, 0, 0)>
module attributes {stable_mosaic.version = 14 : i64} {
  func.func @_gather_body(%arg0: i32, %arg1: i32, %arg2: memref<2048x512xi32, #tpu.memory_space<hbm>>, %arg3: memref<6144xi32, #tpu.memory_space<hbm>>, %arg4: memref<2x6144x256xi32, #tpu.memory_space<hbm>>, %arg5: memref<2048x256xi32, #tpu.memory_space<vmem_shared>>, %arg6: memref<384xi32, #tpu.memory_space<vmem>>, %arg7: memref<192x256xi32, #tpu.memory_space<vmem>>, %arg8: memref<!tpu.dma_semaphore, #tpu.memory_space<semaphore_mem>>) attributes {dimension_semantics = [#tpu.dimension_semantics<core_parallel>, #tpu.dimension_semantics<subcore_parallel>], iteration_bounds = array<i64: 2, 16>, scalar_prefetch = 0 : i64, scratch_operands = 4 : i64, tpu.core_type = #tpu.core_type<sc_vector_subcore>, window_params = [{transform_indices = #map}, {transform_indices = #map1}, {transform_indices = #map2}]} {
    %eq3A = arith.constant 0 : i32
    %eq3A_0 = arith.cmpi eq, %arg1, %eq3A : i32
    %convert_element_type3A = arith.extui %eq3A_0 : i1 to i32
    %cond3A = arith.constant 0 : i32
    %cond3A_1 = arith.cmpi ne, %convert_element_type3A, %cond3A : i32
    scf.if %cond3A_1 {
      %mul3A_8 = arith.constant 256 : i32
      %mul3A_9 = arith.muli %arg0, %mul3A_8 : i32
      "tpu.region"() ({
        %run_scoped3A = tpu.sem_alloc : memref<!tpu.dma_semaphore, #tpu.memory_space<semaphore_mem>>
        %dma_start3A = arith.constant 0 : i32
        %dma_start3A_10 = tpu.memref_slice %arg2[%dma_start3A, %mul3A_9] : memref<2048x512xi32, #tpu.memory_space<hbm>> -> memref<2048x256xi32, #tpu.memory_space<hbm>>
        tpu.enqueue_dma source(%dma_start3A_10 : memref<2048x256xi32, #tpu.memory_space<hbm>>) target(%arg5 : memref<2048x256xi32, #tpu.memory_space<vmem_shared>>) target_semaphore(%run_scoped3A : memref<!tpu.dma_semaphore, #tpu.memory_space<semaphore_mem>>)
        %dma_wait3A = arith.constant 0 : i32
        %dma_wait3A_11 = tpu.memref_slice %arg2[%dma_wait3A, %mul3A_9] : memref<2048x512xi32, #tpu.memory_space<hbm>> -> memref<2048x256xi32, #tpu.memory_space<hbm>>
        tpu.wait_dma2 semaphore(%run_scoped3A : memref<!tpu.dma_semaphore, #tpu.memory_space<semaphore_mem>>) src(%dma_wait3A_11 : memref<2048x256xi32, #tpu.memory_space<hbm>>) dst(%arg5 : memref<2048x256xi32, #tpu.memory_space<vmem_shared>>)
        tpu.yield
      }) : () -> ()
    } else {
    }
    %mul3A = arith.constant 384 : i32
    %mul3A_2 = arith.muli %arg1, %mul3A : i32
    %multiple_of3A = tpu.assume_multiple %mul3A_2, 384 : i32
    "tpu.region"() ({
      %run_scoped3A = tpu.sem_alloc : memref<!tpu.dma_semaphore, #tpu.memory_space<semaphore_mem>>
      %dma_start3A = tpu.memref_slice %arg3[%multiple_of3A] : memref<6144xi32, #tpu.memory_space<hbm>> -> memref<384xi32, #tpu.memory_space<hbm>>
      %dma_start3A_8 = tpu.memref_slice %arg3[%multiple_of3A] : memref<6144xi32, #tpu.memory_space<hbm>> -> memref<384xi32, #tpu.memory_space<hbm>>
      tpu.enqueue_dma source(%dma_start3A_8 : memref<384xi32, #tpu.memory_space<hbm>>) target(%arg6 : memref<384xi32, #tpu.memory_space<vmem>>) target_semaphore(%run_scoped3A : memref<!tpu.dma_semaphore, #tpu.memory_space<semaphore_mem>>)
      %dma_wait3A = tpu.memref_slice %arg3[%multiple_of3A] : memref<6144xi32, #tpu.memory_space<hbm>> -> memref<384xi32, #tpu.memory_space<hbm>>
      %dma_wait3A_9 = tpu.memref_slice %arg3[%multiple_of3A] : memref<6144xi32, #tpu.memory_space<hbm>> -> memref<384xi32, #tpu.memory_space<hbm>>
      tpu.wait_dma2 semaphore(%run_scoped3A : memref<!tpu.dma_semaphore, #tpu.memory_space<semaphore_mem>>) src(%dma_wait3A_9 : memref<384xi32, #tpu.memory_space<hbm>>) dst(%arg6 : memref<384xi32, #tpu.memory_space<vmem>>)
      tpu.yield
    }) : () -> ()
    %barrier3A = arith.constant 0 : index
    tpu.barrier barrier_id(%barrier3A)
    %scan3A = arith.constant 0 : i32
    %scan3A_3 = arith.constant 0 : i32
    %scan3A_4 = arith.constant 2 : i32
    %scan3A_5 = arith.addi %scan3A_3, %scan3A_4 : i32
    %scan3A_6 = arith.constant 1 : i32
    scf.for %scan3A_8 = %scan3A_3 to %scan3A_5 step %scan3A_6  : i32 {
      %mul3A_9 = arith.constant 192 : i32
      %mul3A_10 = arith.muli %scan3A_8, %mul3A_9 : i32
      %add3A = arith.addi %multiple_of3A, %mul3A_10 : i32
      %multiple_of3A_11 = tpu.assume_multiple %add3A, 192 : i32
      %mul3A_12 = arith.constant 192 : i32
      %mul3A_13 = arith.muli %scan3A_8, %mul3A_12 : i32
      %dma_start3A = tpu.memref_slice %arg6[%mul3A_13] : memref<384xi32, #tpu.memory_space<vmem>> -> memref<192xi32, #tpu.memory_space<vmem>>
      %dma_start3A_14 = arith.constant 0 : i32
      %dma_start3A_15 = arith.constant 0 : i32
      %dma_start3A_16 = tpu.memref_slice %arg5[%dma_start3A_14, %dma_start3A_15] : memref<2048x256xi32, #tpu.memory_space<vmem_shared>> -> memref<2048x256xi32, #tpu.memory_space<vmem_shared>>
      tpu.enqueue_indirect_dma source(%dma_start3A_16 : memref<2048x256xi32, #tpu.memory_space<vmem_shared>>) target(%arg7 : memref<192x256xi32, #tpu.memory_space<vmem>>) offsets(%dma_start3A : memref<192xi32, #tpu.memory_space<vmem>>) semaphore(%arg8 : memref<!tpu.dma_semaphore, #tpu.memory_space<semaphore_mem>>)
      %dma_wait3A = tpu.memref_slice %arg6[%mul3A_13] : memref<384xi32, #tpu.memory_space<vmem>> -> memref<192xi32, #tpu.memory_space<vmem>>
      %dma_wait3A_17 = arith.constant 0 : i32
      %dma_wait3A_18 = arith.constant 0 : i32
      %dma_wait3A_19 = tpu.memref_slice %arg5[%dma_wait3A_17, %dma_wait3A_18] : memref<2048x256xi32, #tpu.memory_space<vmem_shared>> -> memref<2048x256xi32, #tpu.memory_space<vmem_shared>>
      tpu.wait_indirect_dma semaphore(%arg8 : memref<!tpu.dma_semaphore, #tpu.memory_space<semaphore_mem>>) src(%dma_wait3A_19 : memref<2048x256xi32, #tpu.memory_space<vmem_shared>>) dst(%arg7 : memref<192x256xi32, #tpu.memory_space<vmem>>)
      "tpu.region"() ({
        %run_scoped3A = tpu.sem_alloc : memref<!tpu.dma_semaphore, #tpu.memory_space<semaphore_mem>>
        %dma_start3A_20 = arith.constant 0 : i32
        %dma_start3A_21 = arith.constant 0 : i32
        %dma_start3A_22 = tpu.memref_slice %arg4[%arg0, %dma_start3A_20, %dma_start3A_21] : memref<2x6144x256xi32, #tpu.memory_space<hbm>> -> memref<1x6144x256xi32, #tpu.memory_space<hbm>>
        %dma_start3A_23 = tpu.memref_squeeze %dma_start3A_22 : memref<1x6144x256xi32, #tpu.memory_space<hbm>> -> memref<6144x256xi32, #tpu.memory_space<hbm>>
        %dma_start3A_24 = arith.constant 0 : i32
        %dma_start3A_25 = tpu.memref_slice %dma_start3A_23[%multiple_of3A_11, %dma_start3A_24] : memref<6144x256xi32, #tpu.memory_space<hbm>> -> memref<192x256xi32, #tpu.memory_space<hbm>>
        %dma_start3A_26 = arith.constant 0 : i32
        %dma_start3A_27 = arith.constant 0 : i32
        %dma_start3A_28 = tpu.memref_slice %arg4[%arg0, %dma_start3A_26, %dma_start3A_27] : memref<2x6144x256xi32, #tpu.memory_space<hbm>> -> memref<1x6144x256xi32, #tpu.memory_space<hbm>>
        %dma_start3A_29 = tpu.memref_squeeze %dma_start3A_28 : memref<1x6144x256xi32, #tpu.memory_space<hbm>> -> memref<6144x256xi32, #tpu.memory_space<hbm>>
        %dma_start3A_30 = arith.constant 0 : i32
        %dma_start3A_31 = tpu.memref_slice %dma_start3A_29[%multiple_of3A_11, %dma_start3A_30] : memref<6144x256xi32, #tpu.memory_space<hbm>> -> memref<192x256xi32, #tpu.memory_space<hbm>>
        tpu.enqueue_dma source(%arg7 : memref<192x256xi32, #tpu.memory_space<vmem>>) target(%dma_start3A_31 : memref<192x256xi32, #tpu.memory_space<hbm>>) target_semaphore(%run_scoped3A : memref<!tpu.dma_semaphore, #tpu.memory_space<semaphore_mem>>)
        %dma_wait3A_32 = arith.constant 0 : i32
        %dma_wait3A_33 = arith.constant 0 : i32
        %dma_wait3A_34 = tpu.memref_slice %arg4[%arg0, %dma_wait3A_32, %dma_wait3A_33] : memref<2x6144x256xi32, #tpu.memory_space<hbm>> -> memref<1x6144x256xi32, #tpu.memory_space<hbm>>
        %dma_wait3A_35 = tpu.memref_squeeze %dma_wait3A_34 : memref<1x6144x256xi32, #tpu.memory_space<hbm>> -> memref<6144x256xi32, #tpu.memory_space<hbm>>
        %dma_wait3A_36 = arith.constant 0 : i32
        %dma_wait3A_37 = tpu.memref_slice %dma_wait3A_35[%multiple_of3A_11, %dma_wait3A_36] : memref<6144x256xi32, #tpu.memory_space<hbm>> -> memref<192x256xi32, #tpu.memory_space<hbm>>
        %dma_wait3A_38 = arith.constant 0 : i32
        %dma_wait3A_39 = arith.constant 0 : i32
        %dma_wait3A_40 = tpu.memref_slice %arg4[%arg0, %dma_wait3A_38, %dma_wait3A_39] : memref<2x6144x256xi32, #tpu.memory_space<hbm>> -> memref<1x6144x256xi32, #tpu.memory_space<hbm>>
        %dma_wait3A_41 = tpu.memref_squeeze %dma_wait3A_40 : memref<1x6144x256xi32, #tpu.memory_space<hbm>> -> memref<6144x256xi32, #tpu.memory_space<hbm>>
        %dma_wait3A_42 = arith.constant 0 : i32
        %dma_wait3A_43 = tpu.memref_slice %dma_wait3A_41[%multiple_of3A_11, %dma_wait3A_42] : memref<6144x256xi32, #tpu.memory_space<hbm>> -> memref<192x256xi32, #tpu.memory_space<hbm>>
        tpu.wait_dma2 semaphore(%run_scoped3A : memref<!tpu.dma_semaphore, #tpu.memory_space<semaphore_mem>>) src(%arg7 : memref<192x256xi32, #tpu.memory_space<vmem>>) dst(%dma_wait3A_43 : memref<192x256xi32, #tpu.memory_space<hbm>>)
        tpu.yield
      }) : () -> ()
    }
    %scan3A_7 = arith.constant 2 : i32
    return
  }
}

#map = affine_map<(d0, d1) -> (0, 0)>
#map1 = affine_map<(d0, d1) -> (0)>
module attributes {stable_mosaic.version = 14 : i64} {
  func.func @_combine_body(%arg0: i32, %arg1: i32, %arg2: memref<6144x1024xf32, #tpu.memory_space<hbm>>, %arg3: memref<2048x1024xf32, #tpu.memory_space<hbm>>, %arg4: memref<4096xi32, #tpu.memory_space<hbm>>, %arg5: memref<2048x1024xf32, #tpu.memory_space<hbm>>, %arg6: memref<32xi32, #tpu.memory_space<vmem>>, %arg7: memref<32x1024xf32, #tpu.memory_space<vmem>>, %arg8: memref<16x1024xf32, #tpu.memory_space<vmem>>, %arg9: memref<16x1024xf32, #tpu.memory_space<vmem>>, %arg10: memref<!tpu.dma_semaphore, #tpu.memory_space<semaphore_mem>>) attributes {dimension_semantics = [#tpu.dimension_semantics<core_parallel>, #tpu.dimension_semantics<subcore_parallel>], iteration_bounds = array<i64: 2, 16>, scalar_prefetch = 0 : i64, scratch_operands = 5 : i64, tpu.core_type = #tpu.core_type<sc_vector_subcore>, window_params = [{transform_indices = #map}, {transform_indices = #map}, {transform_indices = #map1}, {transform_indices = #map}]} {
    %mul3A = arith.constant 2 : i32
    %mul3A_0 = arith.muli %arg1, %mul3A : i32
    %add3A = arith.addi %mul3A_0, %arg0 : i32
    %scan3A = arith.constant 0 : i32
    %scan3A_1 = arith.constant 0 : i32
    %scan3A_2 = arith.constant 4 : i32
    %scan3A_3 = arith.addi %scan3A_1, %scan3A_2 : i32
    %scan3A_4 = arith.constant 1 : i32
    scf.for %scan3A_6 = %scan3A_1 to %scan3A_3 step %scan3A_4  : i32 {
      %mul3A_7 = arith.constant 64 : i32
      %mul3A_8 = arith.muli %add3A, %mul3A_7 : i32
      %mul3A_9 = arith.constant 16 : i32
      %mul3A_10 = arith.muli %scan3A_6, %mul3A_9 : i32
      %add3A_11 = arith.addi %mul3A_8, %mul3A_10 : i32
      %multiple_of3A = tpu.assume_multiple %add3A_11, 16 : i32
      %mul3A_12 = arith.constant 2 : i32
      %mul3A_13 = arith.muli %multiple_of3A, %mul3A_12 : i32
      "tpu.region"() ({
        %run_scoped3A = tpu.sem_alloc : memref<!tpu.dma_semaphore, #tpu.memory_space<semaphore_mem>>
        %dma_start3A_24 = tpu.memref_slice %arg4[%mul3A_13] : memref<4096xi32, #tpu.memory_space<hbm>> -> memref<32xi32, #tpu.memory_space<hbm>>
        %dma_start3A_25 = tpu.memref_slice %arg4[%mul3A_13] : memref<4096xi32, #tpu.memory_space<hbm>> -> memref<32xi32, #tpu.memory_space<hbm>>
        tpu.enqueue_dma source(%dma_start3A_25 : memref<32xi32, #tpu.memory_space<hbm>>) target(%arg6 : memref<32xi32, #tpu.memory_space<vmem>>) target_semaphore(%run_scoped3A : memref<!tpu.dma_semaphore, #tpu.memory_space<semaphore_mem>>)
        %dma_wait3A_26 = tpu.memref_slice %arg4[%mul3A_13] : memref<4096xi32, #tpu.memory_space<hbm>> -> memref<32xi32, #tpu.memory_space<hbm>>
        %dma_wait3A_27 = tpu.memref_slice %arg4[%mul3A_13] : memref<4096xi32, #tpu.memory_space<hbm>> -> memref<32xi32, #tpu.memory_space<hbm>>
        tpu.wait_dma2 semaphore(%run_scoped3A : memref<!tpu.dma_semaphore, #tpu.memory_space<semaphore_mem>>) src(%dma_wait3A_27 : memref<32xi32, #tpu.memory_space<hbm>>) dst(%arg6 : memref<32xi32, #tpu.memory_space<vmem>>)
        tpu.yield
      }) : () -> ()
      %dma_start3A = arith.constant 0 : i32
      %dma_start3A_14 = arith.constant 0 : i32
      %dma_start3A_15 = tpu.memref_slice %arg2[%dma_start3A, %dma_start3A_14] : memref<6144x1024xf32, #tpu.memory_space<hbm>> -> memref<6144x1024xf32, #tpu.memory_space<hbm>>
      tpu.enqueue_indirect_dma source(%dma_start3A_15 : memref<6144x1024xf32, #tpu.memory_space<hbm>>) target(%arg7 : memref<32x1024xf32, #tpu.memory_space<vmem>>) offsets(%arg6 : memref<32xi32, #tpu.memory_space<vmem>>) semaphore(%arg10 : memref<!tpu.dma_semaphore, #tpu.memory_space<semaphore_mem>>)
      %dma_wait3A = arith.constant 0 : i32
      %dma_wait3A_16 = arith.constant 0 : i32
      %dma_wait3A_17 = tpu.memref_slice %arg2[%dma_wait3A, %dma_wait3A_16] : memref<6144x1024xf32, #tpu.memory_space<hbm>> -> memref<6144x1024xf32, #tpu.memory_space<hbm>>
      tpu.wait_indirect_dma semaphore(%arg10 : memref<!tpu.dma_semaphore, #tpu.memory_space<semaphore_mem>>) src(%dma_wait3A_17 : memref<6144x1024xf32, #tpu.memory_space<hbm>>) dst(%arg7 : memref<32x1024xf32, #tpu.memory_space<vmem>>)
      "tpu.region"() ({
        %run_scoped3A = tpu.sem_alloc : memref<!tpu.dma_semaphore, #tpu.memory_space<semaphore_mem>>
        %dma_start3A_24 = arith.constant 0 : i32
        %dma_start3A_25 = tpu.memref_slice %arg3[%multiple_of3A, %dma_start3A_24] : memref<2048x1024xf32, #tpu.memory_space<hbm>> -> memref<16x1024xf32, #tpu.memory_space<hbm>>
        %dma_start3A_26 = arith.constant 0 : i32
        %dma_start3A_27 = tpu.memref_slice %arg3[%multiple_of3A, %dma_start3A_26] : memref<2048x1024xf32, #tpu.memory_space<hbm>> -> memref<16x1024xf32, #tpu.memory_space<hbm>>
        tpu.enqueue_dma source(%dma_start3A_27 : memref<16x1024xf32, #tpu.memory_space<hbm>>) target(%arg8 : memref<16x1024xf32, #tpu.memory_space<vmem>>) target_semaphore(%run_scoped3A : memref<!tpu.dma_semaphore, #tpu.memory_space<semaphore_mem>>)
        %dma_wait3A_28 = arith.constant 0 : i32
        %dma_wait3A_29 = tpu.memref_slice %arg3[%multiple_of3A, %dma_wait3A_28] : memref<2048x1024xf32, #tpu.memory_space<hbm>> -> memref<16x1024xf32, #tpu.memory_space<hbm>>
        %dma_wait3A_30 = arith.constant 0 : i32
        %dma_wait3A_31 = tpu.memref_slice %arg3[%multiple_of3A, %dma_wait3A_30] : memref<2048x1024xf32, #tpu.memory_space<hbm>> -> memref<16x1024xf32, #tpu.memory_space<hbm>>
        tpu.wait_dma2 semaphore(%run_scoped3A : memref<!tpu.dma_semaphore, #tpu.memory_space<semaphore_mem>>) src(%dma_wait3A_31 : memref<16x1024xf32, #tpu.memory_space<hbm>>) dst(%arg8 : memref<16x1024xf32, #tpu.memory_space<vmem>>)
        tpu.yield
      }) : () -> ()
      %scan3A_18 = arith.constant 0 : i32
      %scan3A_19 = arith.constant 0 : i32
      %scan3A_20 = arith.constant 64 : i32
      %scan3A_21 = arith.addi %scan3A_19, %scan3A_20 : i32
      %scan3A_22 = arith.constant 1 : i32
      scf.for %scan3A_24 = %scan3A_19 to %scan3A_21 step %scan3A_22  : i32 {
        %mul3A_25 = arith.constant 16 : i32
        %mul3A_26 = arith.muli %scan3A_24, %mul3A_25 : i32
        %get3A = arith.constant 0 : i32
        %get3A_27 = arith.index_cast %get3A : i32 to index
        %get3A_28 = arith.index_cast %mul3A_26 : i32 to index
        %get3A_29 = tpu.vector_load %arg8[%get3A_27, %get3A_28] {strides = array<i32>} : memref<16x1024xf32, #tpu.memory_space<vmem>>, vector<16xf32>,
        %get3A_30 = arith.constant 0 : i32
        %get3A_31 = arith.index_cast %get3A_30 : i32 to index
        %get3A_32 = arith.index_cast %mul3A_26 : i32 to index
        %get3A_33 = tpu.vector_load %arg7[%get3A_31, %get3A_32] {strides = array<i32>} : memref<32x1024xf32, #tpu.memory_space<vmem>>, vector<16xf32>,
        %add3A_34 = arith.addf %get3A_29, %get3A_33 : vector<16xf32>
        %get3A_35 = arith.constant 1 : i32
        %get3A_36 = arith.index_cast %get3A_35 : i32 to index
        %get3A_37 = arith.index_cast %mul3A_26 : i32 to index
        %get3A_38 = tpu.vector_load %arg7[%get3A_36, %get3A_37] {strides = array<i32>} : memref<32x1024xf32, #tpu.memory_space<vmem>>, vector<16xf32>,
        %add3A_39 = arith.addf %add3A_34, %get3A_38 : vector<16xf32>
        %swap3A = arith.constant 0 : i32
        %swap3A_40 = arith.index_cast %swap3A : i32 to index
        %swap3A_41 = arith.index_cast %mul3A_26 : i32 to index
        %swap3A_42 = tpu.vector_load %arg9[%swap3A_40, %swap3A_41] {strides = array<i32>} : memref<16x1024xf32, #tpu.memory_space<vmem>>, vector<16xf32>,
        tpu.vector_store %arg9[%swap3A_40, %swap3A_41], %add3A_39 {strides = array<i32>} : memref<16x1024xf32, #tpu.memory_space<vmem>>, vector<16xf32>,
        %get3A_43 = arith.constant 1 : i32
        %get3A_44 = arith.index_cast %get3A_43 : i32 to index
        %get3A_45 = arith.index_cast %mul3A_26 : i32 to index
        %get3A_46 = tpu.vector_load %arg8[%get3A_44, %get3A_45] {strides = array<i32>} : memref<16x1024xf32, #tpu.memory_space<vmem>>, vector<16xf32>,
        %get3A_47 = arith.constant 2 : i32
        %get3A_48 = arith.index_cast %get3A_47 : i32 to index
        %get3A_49 = arith.index_cast %mul3A_26 : i32 to index
        %get3A_50 = tpu.vector_load %arg7[%get3A_48, %get3A_49] {strides = array<i32>} : memref<32x1024xf32, #tpu.memory_space<vmem>>, vector<16xf32>,
        %add3A_51 = arith.addf %get3A_46, %get3A_50 : vector<16xf32>
        %get3A_52 = arith.constant 3 : i32
        %get3A_53 = arith.index_cast %get3A_52 : i32 to index
        %get3A_54 = arith.index_cast %mul3A_26 : i32 to index
        %get3A_55 = tpu.vector_load %arg7[%get3A_53, %get3A_54] {strides = array<i32>} : memref<32x1024xf32, #tpu.memory_space<vmem>>, vector<16xf32>,
        %add3A_56 = arith.addf %add3A_51, %get3A_55 : vector<16xf32>
        %swap3A_57 = arith.constant 1 : i32
        %swap3A_58 = arith.index_cast %swap3A_57 : i32 to index
        %swap3A_59 = arith.index_cast %mul3A_26 : i32 to index
        %swap3A_60 = tpu.vector_load %arg9[%swap3A_58, %swap3A_59] {strides = array<i32>} : memref<16x1024xf32, #tpu.memory_space<vmem>>, vector<16xf32>,
        tpu.vector_store %arg9[%swap3A_58, %swap3A_59], %add3A_56 {strides = array<i32>} : memref<16x1024xf32, #tpu.memory_space<vmem>>, vector<16xf32>,
        %get3A_61 = arith.constant 2 : i32
        %get3A_62 = arith.index_cast %get3A_61 : i32 to index
        %get3A_63 = arith.index_cast %mul3A_26 : i32 to index
        %get3A_64 = tpu.vector_load %arg8[%get3A_62, %get3A_63] {strides = array<i32>} : memref<16x1024xf32, #tpu.memory_space<vmem>>, vector<16xf32>,
        %get3A_65 = arith.constant 4 : i32
        %get3A_66 = arith.index_cast %get3A_65 : i32 to index
        %get3A_67 = arith.index_cast %mul3A_26 : i32 to index
        %get3A_68 = tpu.vector_load %arg7[%get3A_66, %get3A_67] {strides = array<i32>} : memref<32x1024xf32, #tpu.memory_space<vmem>>, vector<16xf32>,
        %add3A_69 = arith.addf %get3A_64, %get3A_68 : vector<16xf32>
        %get3A_70 = arith.constant 5 : i32
        %get3A_71 = arith.index_cast %get3A_70 : i32 to index
        %get3A_72 = arith.index_cast %mul3A_26 : i32 to index
        %get3A_73 = tpu.vector_load %arg7[%get3A_71, %get3A_72] {strides = array<i32>} : memref<32x1024xf32, #tpu.memory_space<vmem>>, vector<16xf32>,
        %add3A_74 = arith.addf %add3A_69, %get3A_73 : vector<16xf32>
        %swap3A_75 = arith.constant 2 : i32
        %swap3A_76 = arith.index_cast %swap3A_75 : i32 to index
        %swap3A_77 = arith.index_cast %mul3A_26 : i32 to index
        %swap3A_78 = tpu.vector_load %arg9[%swap3A_76, %swap3A_77] {strides = array<i32>} : memref<16x1024xf32, #tpu.memory_space<vmem>>, vector<16xf32>,
        tpu.vector_store %arg9[%swap3A_76, %swap3A_77], %add3A_74 {strides = array<i32>} : memref<16x1024xf32, #tpu.memory_space<vmem>>, vector<16xf32>,
        %get3A_79 = arith.constant 3 : i32
        %get3A_80 = arith.index_cast %get3A_79 : i32 to index
        %get3A_81 = arith.index_cast %mul3A_26 : i32 to index
        %get3A_82 = tpu.vector_load %arg8[%get3A_80, %get3A_81] {strides = array<i32>} : memref<16x1024xf32, #tpu.memory_space<vmem>>, vector<16xf32>,
        %get3A_83 = arith.constant 6 : i32
        %get3A_84 = arith.index_cast %get3A_83 : i32 to index
        %get3A_85 = arith.index_cast %mul3A_26 : i32 to index
        %get3A_86 = tpu.vector_load %arg7[%get3A_84, %get3A_85] {strides = array<i32>} : memref<32x1024xf32, #tpu.memory_space<vmem>>, vector<16xf32>,
        %add3A_87 = arith.addf %get3A_82, %get3A_86 : vector<16xf32>
        %get3A_88 = arith.constant 7 : i32
        %get3A_89 = arith.index_cast %get3A_88 : i32 to index
        %get3A_90 = arith.index_cast %mul3A_26 : i32 to index
        %get3A_91 = tpu.vector_load %arg7[%get3A_89, %get3A_90] {strides = array<i32>} : memref<32x1024xf32, #tpu.memory_space<vmem>>, vector<16xf32>,
        %add3A_92 = arith.addf %add3A_87, %get3A_91 : vector<16xf32>
        %swap3A_93 = arith.constant 3 : i32
        %swap3A_94 = arith.index_cast %swap3A_93 : i32 to index
        %swap3A_95 = arith.index_cast %mul3A_26 : i32 to index
        %swap3A_96 = tpu.vector_load %arg9[%swap3A_94, %swap3A_95] {strides = array<i32>} : memref<16x1024xf32, #tpu.memory_space<vmem>>, vector<16xf32>,
        tpu.vector_store %arg9[%swap3A_94, %swap3A_95], %add3A_92 {strides = array<i32>} : memref<16x1024xf32, #tpu.memory_space<vmem>>, vector<16xf32>,
        %get3A_97 = arith.constant 4 : i32
        %get3A_98 = arith.index_cast %get3A_97 : i32 to index
        %get3A_99 = arith.index_cast %mul3A_26 : i32 to index
        %get3A_100 = tpu.vector_load %arg8[%get3A_98, %get3A_99] {strides = array<i32>} : memref<16x1024xf32, #tpu.memory_space<vmem>>, vector<16xf32>,
        %get3A_101 = arith.constant 8 : i32
        %get3A_102 = arith.index_cast %get3A_101 : i32 to index
        %get3A_103 = arith.index_cast %mul3A_26 : i32 to index
        %get3A_104 = tpu.vector_load %arg7[%get3A_102, %get3A_103] {strides = array<i32>} : memref<32x1024xf32, #tpu.memory_space<vmem>>, vector<16xf32>,
        %add3A_105 = arith.addf %get3A_100, %get3A_104 : vector<16xf32>
        %get3A_106 = arith.constant 9 : i32
        %get3A_107 = arith.index_cast %get3A_106 : i32 to index
        %get3A_108 = arith.index_cast %mul3A_26 : i32 to index
        %get3A_109 = tpu.vector_load %arg7[%get3A_107, %get3A_108] {strides = array<i32>} : memref<32x1024xf32, #tpu.memory_space<vmem>>, vector<16xf32>,
        %add3A_110 = arith.addf %add3A_105, %get3A_109 : vector<16xf32>
        %swap3A_111 = arith.constant 4 : i32
        %swap3A_112 = arith.index_cast %swap3A_111 : i32 to index
        %swap3A_113 = arith.index_cast %mul3A_26 : i32 to index
        %swap3A_114 = tpu.vector_load %arg9[%swap3A_112, %swap3A_113] {strides = array<i32>} : memref<16x1024xf32, #tpu.memory_space<vmem>>, vector<16xf32>,
        tpu.vector_store %arg9[%swap3A_112, %swap3A_113], %add3A_110 {strides = array<i32>} : memref<16x1024xf32, #tpu.memory_space<vmem>>, vector<16xf32>,
        %get3A_115 = arith.constant 5 : i32
        %get3A_116 = arith.index_cast %get3A_115 : i32 to index
        %get3A_117 = arith.index_cast %mul3A_26 : i32 to index
        %get3A_118 = tpu.vector_load %arg8[%get3A_116, %get3A_117] {strides = array<i32>} : memref<16x1024xf32, #tpu.memory_space<vmem>>, vector<16xf32>,
        %get3A_119 = arith.constant 10 : i32
        %get3A_120 = arith.index_cast %get3A_119 : i32 to index
        %get3A_121 = arith.index_cast %mul3A_26 : i32 to index
        %get3A_122 = tpu.vector_load %arg7[%get3A_120, %get3A_121] {strides = array<i32>} : memref<32x1024xf32, #tpu.memory_space<vmem>>, vector<16xf32>,
        %add3A_123 = arith.addf %get3A_118, %get3A_122 : vector<16xf32>
        %get3A_124 = arith.constant 11 : i32
        %get3A_125 = arith.index_cast %get3A_124 : i32 to index
        %get3A_126 = arith.index_cast %mul3A_26 : i32 to index
        %get3A_127 = tpu.vector_load %arg7[%get3A_125, %get3A_126] {strides = array<i32>} : memref<32x1024xf32, #tpu.memory_space<vmem>>, vector<16xf32>,
        %add3A_128 = arith.addf %add3A_123, %get3A_127 : vector<16xf32>
        %swap3A_129 = arith.constant 5 : i32
        %swap3A_130 = arith.index_cast %swap3A_129 : i32 to index
        %swap3A_131 = arith.index_cast %mul3A_26 : i32 to index
        %swap3A_132 = tpu.vector_load %arg9[%swap3A_130, %swap3A_131] {strides = array<i32>} : memref<16x1024xf32, #tpu.memory_space<vmem>>, vector<16xf32>,
        tpu.vector_store %arg9[%swap3A_130, %swap3A_131], %add3A_128 {strides = array<i32>} : memref<16x1024xf32, #tpu.memory_space<vmem>>, vector<16xf32>,
        %get3A_133 = arith.constant 6 : i32
        %get3A_134 = arith.index_cast %get3A_133 : i32 to index
        %get3A_135 = arith.index_cast %mul3A_26 : i32 to index
        %get3A_136 = tpu.vector_load %arg8[%get3A_134, %get3A_135] {strides = array<i32>} : memref<16x1024xf32, #tpu.memory_space<vmem>>, vector<16xf32>,
        %get3A_137 = arith.constant 12 : i32
        %get3A_138 = arith.index_cast %get3A_137 : i32 to index
        %get3A_139 = arith.index_cast %mul3A_26 : i32 to index
        %get3A_140 = tpu.vector_load %arg7[%get3A_138, %get3A_139] {strides = array<i32>} : memref<32x1024xf32, #tpu.memory_space<vmem>>, vector<16xf32>,
        %add3A_141 = arith.addf %get3A_136, %get3A_140 : vector<16xf32>
        %get3A_142 = arith.constant 13 : i32
        %get3A_143 = arith.index_cast %get3A_142 : i32 to index
        %get3A_144 = arith.index_cast %mul3A_26 : i32 to index
        %get3A_145 = tpu.vector_load %arg7[%get3A_143, %get3A_144] {strides = array<i32>} : memref<32x1024xf32, #tpu.memory_space<vmem>>, vector<16xf32>,
        %add3A_146 = arith.addf %add3A_141, %get3A_145 : vector<16xf32>
        %swap3A_147 = arith.constant 6 : i32
        %swap3A_148 = arith.index_cast %swap3A_147 : i32 to index
        %swap3A_149 = arith.index_cast %mul3A_26 : i32 to index
        %swap3A_150 = tpu.vector_load %arg9[%swap3A_148, %swap3A_149] {strides = array<i32>} : memref<16x1024xf32, #tpu.memory_space<vmem>>, vector<16xf32>,
        tpu.vector_store %arg9[%swap3A_148, %swap3A_149], %add3A_146 {strides = array<i32>} : memref<16x1024xf32, #tpu.memory_space<vmem>>, vector<16xf32>,
        %get3A_151 = arith.constant 7 : i32
        %get3A_152 = arith.index_cast %get3A_151 : i32 to index
        %get3A_153 = arith.index_cast %mul3A_26 : i32 to index
        %get3A_154 = tpu.vector_load %arg8[%get3A_152, %get3A_153] {strides = array<i32>} : memref<16x1024xf32, #tpu.memory_space<vmem>>, vector<16xf32>,
        %get3A_155 = arith.constant 14 : i32
        %get3A_156 = arith.index_cast %get3A_155 : i32 to index
        %get3A_157 = arith.index_cast %mul3A_26 : i32 to index
        %get3A_158 = tpu.vector_load %arg7[%get3A_156, %get3A_157] {strides = array<i32>} : memref<32x1024xf32, #tpu.memory_space<vmem>>, vector<16xf32>,
        %add3A_159 = arith.addf %get3A_154, %get3A_158 : vector<16xf32>
        %get3A_160 = arith.constant 15 : i32
        %get3A_161 = arith.index_cast %get3A_160 : i32 to index
        %get3A_162 = arith.index_cast %mul3A_26 : i32 to index
        %get3A_163 = tpu.vector_load %arg7[%get3A_161, %get3A_162] {strides = array<i32>} : memref<32x1024xf32, #tpu.memory_space<vmem>>, vector<16xf32>,
        %add3A_164 = arith.addf %add3A_159, %get3A_163 : vector<16xf32>
        %swap3A_165 = arith.constant 7 : i32
        %swap3A_166 = arith.index_cast %swap3A_165 : i32 to index
        %swap3A_167 = arith.index_cast %mul3A_26 : i32 to index
        %swap3A_168 = tpu.vector_load %arg9[%swap3A_166, %swap3A_167] {strides = array<i32>} : memref<16x1024xf32, #tpu.memory_space<vmem>>, vector<16xf32>,
        tpu.vector_store %arg9[%swap3A_166, %swap3A_167], %add3A_164 {strides = array<i32>} : memref<16x1024xf32, #tpu.memory_space<vmem>>, vector<16xf32>,
        %get3A_169 = arith.constant 8 : i32
        %get3A_170 = arith.index_cast %get3A_169 : i32 to index
        %get3A_171 = arith.index_cast %mul3A_26 : i32 to index
        %get3A_172 = tpu.vector_load %arg8[%get3A_170, %get3A_171] {strides = array<i32>} : memref<16x1024xf32, #tpu.memory_space<vmem>>, vector<16xf32>,
        %get3A_173 = arith.constant 16 : i32
        %get3A_174 = arith.index_cast %get3A_173 : i32 to index
        %get3A_175 = arith.index_cast %mul3A_26 : i32 to index
        %get3A_176 = tpu.vector_load %arg7[%get3A_174, %get3A_175] {strides = array<i32>} : memref<32x1024xf32, #tpu.memory_space<vmem>>, vector<16xf32>,
        %add3A_177 = arith.addf %get3A_172, %get3A_176 : vector<16xf32>
        %get3A_178 = arith.constant 17 : i32
        %get3A_179 = arith.index_cast %get3A_178 : i32 to index
        %get3A_180 = arith.index_cast %mul3A_26 : i32 to index
        %get3A_181 = tpu.vector_load %arg7[%get3A_179, %get3A_180] {strides = array<i32>} : memref<32x1024xf32, #tpu.memory_space<vmem>>, vector<16xf32>,
        %add3A_182 = arith.addf %add3A_177, %get3A_181 : vector<16xf32>
        %swap3A_183 = arith.constant 8 : i32
        %swap3A_184 = arith.index_cast %swap3A_183 : i32 to index
        %swap3A_185 = arith.index_cast %mul3A_26 : i32 to index
        %swap3A_186 = tpu.vector_load %arg9[%swap3A_184, %swap3A_185] {strides = array<i32>} : memref<16x1024xf32, #tpu.memory_space<vmem>>, vector<16xf32>,
        tpu.vector_store %arg9[%swap3A_184, %swap3A_185], %add3A_182 {strides = array<i32>} : memref<16x1024xf32, #tpu.memory_space<vmem>>, vector<16xf32>,
        %get3A_187 = arith.constant 9 : i32
        %get3A_188 = arith.index_cast %get3A_187 : i32 to index
        %get3A_189 = arith.index_cast %mul3A_26 : i32 to index
        %get3A_190 = tpu.vector_load %arg8[%get3A_188, %get3A_189] {strides = array<i32>} : memref<16x1024xf32, #tpu.memory_space<vmem>>, vector<16xf32>,
        %get3A_191 = arith.constant 18 : i32
        %get3A_192 = arith.index_cast %get3A_191 : i32 to index
        %get3A_193 = arith.index_cast %mul3A_26 : i32 to index
        %get3A_194 = tpu.vector_load %arg7[%get3A_192, %get3A_193] {strides = array<i32>} : memref<32x1024xf32, #tpu.memory_space<vmem>>, vector<16xf32>,
        %add3A_195 = arith.addf %get3A_190, %get3A_194 : vector<16xf32>
        %get3A_196 = arith.constant 19 : i32
        %get3A_197 = arith.index_cast %get3A_196 : i32 to index
        %get3A_198 = arith.index_cast %mul3A_26 : i32 to index
        %get3A_199 = tpu.vector_load %arg7[%get3A_197, %get3A_198] {strides = array<i32>} : memref<32x1024xf32, #tpu.memory_space<vmem>>, vector<16xf32>,
        %add3A_200 = arith.addf %add3A_195, %get3A_199 : vector<16xf32>
        %swap3A_201 = arith.constant 9 : i32
        %swap3A_202 = arith.index_cast %swap3A_201 : i32 to index
        %swap3A_203 = arith.index_cast %mul3A_26 : i32 to index
        %swap3A_204 = tpu.vector_load %arg9[%swap3A_202, %swap3A_203] {strides = array<i32>} : memref<16x1024xf32, #tpu.memory_space<vmem>>, vector<16xf32>,
        tpu.vector_store %arg9[%swap3A_202, %swap3A_203], %add3A_200 {strides = array<i32>} : memref<16x1024xf32, #tpu.memory_space<vmem>>, vector<16xf32>,
        %get3A_205 = arith.constant 10 : i32
        %get3A_206 = arith.index_cast %get3A_205 : i32 to index
        %get3A_207 = arith.index_cast %mul3A_26 : i32 to index
        %get3A_208 = tpu.vector_load %arg8[%get3A_206, %get3A_207] {strides = array<i32>} : memref<16x1024xf32, #tpu.memory_space<vmem>>, vector<16xf32>,
        %get3A_209 = arith.constant 20 : i32
        %get3A_210 = arith.index_cast %get3A_209 : i32 to index
        %get3A_211 = arith.index_cast %mul3A_26 : i32 to index
        %get3A_212 = tpu.vector_load %arg7[%get3A_210, %get3A_211] {strides = array<i32>} : memref<32x1024xf32, #tpu.memory_space<vmem>>, vector<16xf32>,
        %add3A_213 = arith.addf %get3A_208, %get3A_212 : vector<16xf32>
        %get3A_214 = arith.constant 21 : i32
        %get3A_215 = arith.index_cast %get3A_214 : i32 to index
        %get3A_216 = arith.index_cast %mul3A_26 : i32 to index
        %get3A_217 = tpu.vector_load %arg7[%get3A_215, %get3A_216] {strides = array<i32>} : memref<32x1024xf32, #tpu.memory_space<vmem>>, vector<16xf32>,
        %add3A_218 = arith.addf %add3A_213, %get3A_217 : vector<16xf32>
        %swap3A_219 = arith.constant 10 : i32
        %swap3A_220 = arith.index_cast %swap3A_219 : i32 to index
        %swap3A_221 = arith.index_cast %mul3A_26 : i32 to index
        %swap3A_222 = tpu.vector_load %arg9[%swap3A_220, %swap3A_221] {strides = array<i32>} : memref<16x1024xf32, #tpu.memory_space<vmem>>, vector<16xf32>,
        tpu.vector_store %arg9[%swap3A_220, %swap3A_221], %add3A_218 {strides = array<i32>} : memref<16x1024xf32, #tpu.memory_space<vmem>>, vector<16xf32>,
        %get3A_223 = arith.constant 11 : i32
        %get3A_224 = arith.index_cast %get3A_223 : i32 to index
        %get3A_225 = arith.index_cast %mul3A_26 : i32 to index
        %get3A_226 = tpu.vector_load %arg8[%get3A_224, %get3A_225] {strides = array<i32>} : memref<16x1024xf32, #tpu.memory_space<vmem>>, vector<16xf32>,
        %get3A_227 = arith.constant 22 : i32
        %get3A_228 = arith.index_cast %get3A_227 : i32 to index
        %get3A_229 = arith.index_cast %mul3A_26 : i32 to index
        %get3A_230 = tpu.vector_load %arg7[%get3A_228, %get3A_229] {strides = array<i32>} : memref<32x1024xf32, #tpu.memory_space<vmem>>, vector<16xf32>,
        %add3A_231 = arith.addf %get3A_226, %get3A_230 : vector<16xf32>
        %get3A_232 = arith.constant 23 : i32
        %get3A_233 = arith.index_cast %get3A_232 : i32 to index
        %get3A_234 = arith.index_cast %mul3A_26 : i32 to index
        %get3A_235 = tpu.vector_load %arg7[%get3A_233, %get3A_234] {strides = array<i32>} : memref<32x1024xf32, #tpu.memory_space<vmem>>, vector<16xf32>,
        %add3A_236 = arith.addf %add3A_231, %get3A_235 : vector<16xf32>
        %swap3A_237 = arith.constant 11 : i32
        %swap3A_238 = arith.index_cast %swap3A_237 : i32 to index
        %swap3A_239 = arith.index_cast %mul3A_26 : i32 to index
        %swap3A_240 = tpu.vector_load %arg9[%swap3A_238, %swap3A_239] {strides = array<i32>} : memref<16x1024xf32, #tpu.memory_space<vmem>>, vector<16xf32>,
        tpu.vector_store %arg9[%swap3A_238, %swap3A_239], %add3A_236 {strides = array<i32>} : memref<16x1024xf32, #tpu.memory_space<vmem>>, vector<16xf32>,
        %get3A_241 = arith.constant 12 : i32
        %get3A_242 = arith.index_cast %get3A_241 : i32 to index
        %get3A_243 = arith.index_cast %mul3A_26 : i32 to index
        %get3A_244 = tpu.vector_load %arg8[%get3A_242, %get3A_243] {strides = array<i32>} : memref<16x1024xf32, #tpu.memory_space<vmem>>, vector<16xf32>,
        %get3A_245 = arith.constant 24 : i32
        %get3A_246 = arith.index_cast %get3A_245 : i32 to index
        %get3A_247 = arith.index_cast %mul3A_26 : i32 to index
        %get3A_248 = tpu.vector_load %arg7[%get3A_246, %get3A_247] {strides = array<i32>} : memref<32x1024xf32, #tpu.memory_space<vmem>>, vector<16xf32>,
        %add3A_249 = arith.addf %get3A_244, %get3A_248 : vector<16xf32>
        %get3A_250 = arith.constant 25 : i32
        %get3A_251 = arith.index_cast %get3A_250 : i32 to index
        %get3A_252 = arith.index_cast %mul3A_26 : i32 to index
        %get3A_253 = tpu.vector_load %arg7[%get3A_251, %get3A_252] {strides = array<i32>} : memref<32x1024xf32, #tpu.memory_space<vmem>>, vector<16xf32>,
        %add3A_254 = arith.addf %add3A_249, %get3A_253 : vector<16xf32>
        %swap3A_255 = arith.constant 12 : i32
        %swap3A_256 = arith.index_cast %swap3A_255 : i32 to index
        %swap3A_257 = arith.index_cast %mul3A_26 : i32 to index
        %swap3A_258 = tpu.vector_load %arg9[%swap3A_256, %swap3A_257] {strides = array<i32>} : memref<16x1024xf32, #tpu.memory_space<vmem>>, vector<16xf32>,
        tpu.vector_store %arg9[%swap3A_256, %swap3A_257], %add3A_254 {strides = array<i32>} : memref<16x1024xf32, #tpu.memory_space<vmem>>, vector<16xf32>,
        %get3A_259 = arith.constant 13 : i32
        %get3A_260 = arith.index_cast %get3A_259 : i32 to index
        %get3A_261 = arith.index_cast %mul3A_26 : i32 to index
        %get3A_262 = tpu.vector_load %arg8[%get3A_260, %get3A_261] {strides = array<i32>} : memref<16x1024xf32, #tpu.memory_space<vmem>>, vector<16xf32>,
        %get3A_263 = arith.constant 26 : i32
        %get3A_264 = arith.index_cast %get3A_263 : i32 to index
        %get3A_265 = arith.index_cast %mul3A_26 : i32 to index
        %get3A_266 = tpu.vector_load %arg7[%get3A_264, %get3A_265] {strides = array<i32>} : memref<32x1024xf32, #tpu.memory_space<vmem>>, vector<16xf32>,
        %add3A_267 = arith.addf %get3A_262, %get3A_266 : vector<16xf32>
        %get3A_268 = arith.constant 27 : i32
        %get3A_269 = arith.index_cast %get3A_268 : i32 to index
        %get3A_270 = arith.index_cast %mul3A_26 : i32 to index
        %get3A_271 = tpu.vector_load %arg7[%get3A_269, %get3A_270] {strides = array<i32>} : memref<32x1024xf32, #tpu.memory_space<vmem>>, vector<16xf32>,
        %add3A_272 = arith.addf %add3A_267, %get3A_271 : vector<16xf32>
        %swap3A_273 = arith.constant 13 : i32
        %swap3A_274 = arith.index_cast %swap3A_273 : i32 to index
        %swap3A_275 = arith.index_cast %mul3A_26 : i32 to index
        %swap3A_276 = tpu.vector_load %arg9[%swap3A_274, %swap3A_275] {strides = array<i32>} : memref<16x1024xf32, #tpu.memory_space<vmem>>, vector<16xf32>,
        tpu.vector_store %arg9[%swap3A_274, %swap3A_275], %add3A_272 {strides = array<i32>} : memref<16x1024xf32, #tpu.memory_space<vmem>>, vector<16xf32>,
        %get3A_277 = arith.constant 14 : i32
        %get3A_278 = arith.index_cast %get3A_277 : i32 to index
        %get3A_279 = arith.index_cast %mul3A_26 : i32 to index
        %get3A_280 = tpu.vector_load %arg8[%get3A_278, %get3A_279] {strides = array<i32>} : memref<16x1024xf32, #tpu.memory_space<vmem>>, vector<16xf32>,
        %get3A_281 = arith.constant 28 : i32
        %get3A_282 = arith.index_cast %get3A_281 : i32 to index
        %get3A_283 = arith.index_cast %mul3A_26 : i32 to index
        %get3A_284 = tpu.vector_load %arg7[%get3A_282, %get3A_283] {strides = array<i32>} : memref<32x1024xf32, #tpu.memory_space<vmem>>, vector<16xf32>,
        %add3A_285 = arith.addf %get3A_280, %get3A_284 : vector<16xf32>
        %get3A_286 = arith.constant 29 : i32
        %get3A_287 = arith.index_cast %get3A_286 : i32 to index
        %get3A_288 = arith.index_cast %mul3A_26 : i32 to index
        %get3A_289 = tpu.vector_load %arg7[%get3A_287, %get3A_288] {strides = array<i32>} : memref<32x1024xf32, #tpu.memory_space<vmem>>, vector<16xf32>,
        %add3A_290 = arith.addf %add3A_285, %get3A_289 : vector<16xf32>
        %swap3A_291 = arith.constant 14 : i32
        %swap3A_292 = arith.index_cast %swap3A_291 : i32 to index
        %swap3A_293 = arith.index_cast %mul3A_26 : i32 to index
        %swap3A_294 = tpu.vector_load %arg9[%swap3A_292, %swap3A_293] {strides = array<i32>} : memref<16x1024xf32, #tpu.memory_space<vmem>>, vector<16xf32>,
        tpu.vector_store %arg9[%swap3A_292, %swap3A_293], %add3A_290 {strides = array<i32>} : memref<16x1024xf32, #tpu.memory_space<vmem>>, vector<16xf32>,
        %get3A_295 = arith.constant 15 : i32
        %get3A_296 = arith.index_cast %get3A_295 : i32 to index
        %get3A_297 = arith.index_cast %mul3A_26 : i32 to index
        %get3A_298 = tpu.vector_load %arg8[%get3A_296, %get3A_297] {strides = array<i32>} : memref<16x1024xf32, #tpu.memory_space<vmem>>, vector<16xf32>,
        %get3A_299 = arith.constant 30 : i32
        %get3A_300 = arith.index_cast %get3A_299 : i32 to index
        %get3A_301 = arith.index_cast %mul3A_26 : i32 to index
        %get3A_302 = tpu.vector_load %arg7[%get3A_300, %get3A_301] {strides = array<i32>} : memref<32x1024xf32, #tpu.memory_space<vmem>>, vector<16xf32>,
        %add3A_303 = arith.addf %get3A_298, %get3A_302 : vector<16xf32>
        %get3A_304 = arith.constant 31 : i32
        %get3A_305 = arith.index_cast %get3A_304 : i32 to index
        %get3A_306 = arith.index_cast %mul3A_26 : i32 to index
        %get3A_307 = tpu.vector_load %arg7[%get3A_305, %get3A_306] {strides = array<i32>} : memref<32x1024xf32, #tpu.memory_space<vmem>>, vector<16xf32>,
        %add3A_308 = arith.addf %add3A_303, %get3A_307 : vector<16xf32>
        %swap3A_309 = arith.constant 15 : i32
        %swap3A_310 = arith.index_cast %swap3A_309 : i32 to index
        %swap3A_311 = arith.index_cast %mul3A_26 : i32 to index
        %swap3A_312 = tpu.vector_load %arg9[%swap3A_310, %swap3A_311] {strides = array<i32>} : memref<16x1024xf32, #tpu.memory_space<vmem>>, vector<16xf32>,
        tpu.vector_store %arg9[%swap3A_310, %swap3A_311], %add3A_308 {strides = array<i32>} : memref<16x1024xf32, #tpu.memory_space<vmem>>, vector<16xf32>,
      }
      %scan3A_23 = arith.constant 64 : i32
      "tpu.region"() ({
        %run_scoped3A = tpu.sem_alloc : memref<!tpu.dma_semaphore, #tpu.memory_space<semaphore_mem>>
        %dma_start3A_24 = arith.constant 0 : i32
        %dma_start3A_25 = tpu.memref_slice %arg5[%multiple_of3A, %dma_start3A_24] : memref<2048x1024xf32, #tpu.memory_space<hbm>> -> memref<16x1024xf32, #tpu.memory_space<hbm>>
        %dma_start3A_26 = arith.constant 0 : i32
        %dma_start3A_27 = tpu.memref_slice %arg5[%multiple_of3A, %dma_start3A_26] : memref<2048x1024xf32, #tpu.memory_space<hbm>> -> memref<16x1024xf32, #tpu.memory_space<hbm>>
        tpu.enqueue_dma source(%arg9 : memref<16x1024xf32, #tpu.memory_space<vmem>>) target(%dma_start3A_27 : memref<16x1024xf32, #tpu.memory_space<hbm>>) target_semaphore(%run_scoped3A : memref<!tpu.dma_semaphore, #tpu.memory_space<semaphore_mem>>)
        %dma_wait3A_28 = arith.constant 0 : i32
        %dma_wait3A_29 = tpu.memref_slice %arg5[%multiple_of3A, %dma_wait3A_28] : memref<2048x1024xf32, #tpu.memory_space<hbm>> -> memref<16x1024xf32, #tpu.memory_space<hbm>>
        %dma_wait3A_30 = arith.constant 0 : i32
        %dma_wait3A_31 = tpu.memref_slice %arg5[%multiple_of3A, %dma_wait3A_30] : memref<2048x1024xf32, #tpu.memory_space<hbm>> -> memref<16x1024xf32, #tpu.memory_space<hbm>>
        tpu.wait_dma2 semaphore(%run_scoped3A : memref<!tpu.dma_semaphore, #tpu.memory_space<semaphore_mem>>) src(%arg9 : memref<16x1024xf32, #tpu.memory_space<vmem>>) dst(%dma_wait3A_31 : memref<16x1024xf32, #tpu.memory_space<hbm>>)
        tpu.yield
      }) : () -> ()
    }
    %scan3A_5 = arith.constant 4 : i32
    return
  }
}

module attributes {stable_mosaic.version = 14 : i64} {
  func.func @_qkv_body(%arg0: i32, %arg1: memref<256x1024xf32, #tpu.memory_space<vmem>>, %arg2: memref<8x1024xf32, #tpu.memory_space<vmem>>, %arg3: memref<1024x1024xbf16, #tpu.memory_space<vmem>>, %arg4: memref<1024x256xbf16, #tpu.memory_space<vmem>>, %arg5: memref<1024x256xbf16, #tpu.memory_space<vmem>>, %arg6: memref<256x32xf32, #tpu.memory_space<vmem>>, %arg7: memref<256x32xf32, #tpu.memory_space<vmem>>, %arg8: memref<256x1024xbf16, #tpu.memory_space<vmem>>, %arg9: memref<4x256x64xbf16, #tpu.memory_space<vmem>>, %arg10: memref<4x256x64xbf16, #tpu.memory_space<vmem>>) attributes {dimension_semantics = [#tpu.dimension_semantics<arbitrary>], iteration_bounds = array<i64: 8>, scalar_prefetch = 0 : i64, scratch_operands = 0 : i64, tpu.core_type = #tpu.core_type<tc>, window_params = [{transform_indices = @transform_0, window_bounds = array<i64: 256, 1024>}, {pipeline_mode = #tpu.pipeline_mode<synchronous>, transform_indices = @transform_1, window_bounds = array<i64: 8, 1024>}, {pipeline_mode = #tpu.pipeline_mode<synchronous>, transform_indices = @transform_2, window_bounds = array<i64: 1024, 1024>}, {pipeline_mode = #tpu.pipeline_mode<synchronous>, transform_indices = @transform_3, window_bounds = array<i64: 1024, 256>}, {pipeline_mode = #tpu.pipeline_mode<synchronous>, transform_indices = @transform_4, window_bounds = array<i64: 1024, 256>}, {transform_indices = @transform_5, window_bounds = array<i64: 256, 32>}, {transform_indices = @transform_6, window_bounds = array<i64: 256, 32>}, {transform_indices = @transform_7, window_bounds = array<i64: 256, 1024>}, {transform_indices = @transform_8, window_bounds = array<i64: 4, 256, 64>}, {transform_indices = @transform_9, window_bounds = array<i64: 4, 256, 64>}]} {
    %get3A = arith.constant 0 : index
    %get3A_0 = arith.constant 0 : index
    %get3A_1 = vector.load %arg1[%get3A, %get3A_0] : memref<256x1024xf32, #tpu.memory_space<vmem>>, vector<256x1024xf32>
    %get3A_2 = arith.constant 0 : index
    %get3A_3 = arith.constant 0 : index
    %get3A_4 = vector.load %arg2[%get3A_2, %get3A_3] : memref<8x1024xf32, #tpu.memory_space<vmem>>, vector<1x1024xf32>
    %mul3A = arith.mulf %get3A_1, %get3A_1 : vector<256x1024xf32>
    %reduce_sum3A = arith.constant dense<0.000000e+00> : vector<256xf32>
    %reduce_sum3A_5 = vector.multi_reduction <add>, %mul3A, %reduce_sum3A [1] : vector<256x1024xf32> to vector<256xf32>
    %broadcast_in_dim3A = vector.shape_cast %reduce_sum3A_5 : vector<256xf32> to vector<256x1xf32>
    %div3A = arith.constant 1.024000e+03 : f32
    %div3A_6 = vector.broadcast %div3A : f32 to vector<256x1xf32>
    %div3A_7 = arith.divf %broadcast_in_dim3A, %div3A_6 : vector<256x1xf32>
    %add3A = arith.constant 9.99999997E-7 : f32
    %add3A_8 = vector.broadcast %add3A : f32 to vector<256x1xf32>
    %add3A_9 = arith.addf %div3A_7, %add3A_8 : vector<256x1xf32>
    %rsqrt3A = math.rsqrt %add3A_9 : vector<256x1xf32>
    %mul3A_10 = vector.broadcast %rsqrt3A : vector<256x1xf32> to vector<256x1024xf32>
    %mul3A_11 = arith.mulf %get3A_1, %mul3A_10 : vector<256x1024xf32>
    %mul3A_12 = vector.broadcast %get3A_4 : vector<1x1024xf32> to vector<256x1024xf32>
    %mul3A_13 = arith.mulf %mul3A_11, %mul3A_12 : vector<256x1024xf32>
    %convert_element_type3A = arith.truncf %mul3A_13 : vector<256x1024xf32> to vector<256x1024xbf16>
    %get3A_14 = arith.constant 0 : index
    %get3A_15 = arith.constant 0 : index
    %get3A_16 = vector.load %arg3[%get3A_14, %get3A_15] : memref<1024x1024xbf16, #tpu.memory_space<vmem>>, vector<1024x1024xbf16>
    %dot_general3A = arith.constant dense<0.000000e+00> : vector<256x1024xf32>
    %dot_general3A_17 = tpu.matmul %convert_element_type3A, %get3A_16, %dot_general3A {dimension_numbers = #tpu.dot_dimension_numbers<[1], [0], [0], [1], [0, 0, 1, 1], [], []>, transpose_lhs_hint = false} : vector<256x1024xbf16>, vector<1024x1024xbf16>, vector<256x1024xf32> -> vector<256x1024xf32>
    %get3A_18 = arith.constant 0 : index
    %get3A_19 = arith.constant 0 : index
    %get3A_20 = vector.load %arg4[%get3A_18, %get3A_19] : memref<1024x256xbf16, #tpu.memory_space<vmem>>, vector<1024x256xbf16>
    %dot_general3A_21 = arith.constant dense<0.000000e+00> : vector<256x256xf32>
    %dot_general3A_22 = tpu.matmul %convert_element_type3A, %get3A_20, %dot_general3A_21 {dimension_numbers = #tpu.dot_dimension_numbers<[1], [0], [0], [1], [0, 0, 1, 1], [], []>, transpose_lhs_hint = false} : vector<256x1024xbf16>, vector<1024x256xbf16>, vector<256x256xf32> -> vector<256x256xf32>
    %get3A_23 = arith.constant 0 : index
    %get3A_24 = arith.constant 0 : index
    %get3A_25 = vector.load %arg5[%get3A_23, %get3A_24] : memref<1024x256xbf16, #tpu.memory_space<vmem>>, vector<1024x256xbf16>
    %dot_general3A_26 = arith.constant dense<0.000000e+00> : vector<256x256xf32>
    %dot_general3A_27 = tpu.matmul %convert_element_type3A, %get3A_25, %dot_general3A_26 {dimension_numbers = #tpu.dot_dimension_numbers<[1], [0], [0], [1], [0, 0, 1, 1], [], []>, transpose_lhs_hint = false} : vector<256x1024xbf16>, vector<1024x256xbf16>, vector<256x256xf32> -> vector<256x256xf32>
    %get3A_28 = arith.constant 0 : index
    %get3A_29 = arith.constant 0 : index
    %get3A_30 = vector.load %arg6[%get3A_28, %get3A_29] : memref<256x32xf32, #tpu.memory_space<vmem>>, vector<256x32xf32>
    %get3A_31 = arith.constant 0 : index
    %get3A_32 = arith.constant 0 : index
    %get3A_33 = vector.load %arg7[%get3A_31, %get3A_32] : memref<256x32xf32, #tpu.memory_space<vmem>>, vector<256x32xf32>
    %slice3A = vector.extract_strided_slice %dot_general3A_17 {offsets = [0, 0], sizes = [256, 32], strides = [1, 1]} : vector<256x1024xf32> to vector<256x32xf32>
    %slice3A_34 = vector.extract_strided_slice %dot_general3A_17 {offsets = [0, 32], sizes = [256, 32], strides = [1, 1]} : vector<256x1024xf32> to vector<256x32xf32>
    %mul3A_35 = arith.mulf %slice3A, %get3A_30 : vector<256x32xf32>
    %mul3A_36 = arith.mulf %slice3A_34, %get3A_33 : vector<256x32xf32>
    %sub3A = arith.subf %mul3A_35, %mul3A_36 : vector<256x32xf32>
    %mul3A_37 = arith.mulf %slice3A_34, %get3A_30 : vector<256x32xf32>
    %mul3A_38 = arith.mulf %slice3A, %get3A_33 : vector<256x32xf32>
    %add3A_39 = arith.addf %mul3A_37, %mul3A_38 : vector<256x32xf32>
    %slice3A_40 = vector.extract_strided_slice %dot_general3A_17 {offsets = [0, 64], sizes = [256, 32], strides = [1, 1]} : vector<256x1024xf32> to vector<256x32xf32>
    %slice3A_41 = vector.extract_strided_slice %dot_general3A_17 {offsets = [0, 96], sizes = [256, 32], strides = [1, 1]} : vector<256x1024xf32> to vector<256x32xf32>
    %mul3A_42 = arith.mulf %slice3A_40, %get3A_30 : vector<256x32xf32>
    %mul3A_43 = arith.mulf %slice3A_41, %get3A_33 : vector<256x32xf32>
    %sub3A_44 = arith.subf %mul3A_42, %mul3A_43 : vector<256x32xf32>
    %mul3A_45 = arith.mulf %slice3A_41, %get3A_30 : vector<256x32xf32>
    %mul3A_46 = arith.mulf %slice3A_40, %get3A_33 : vector<256x32xf32>
    %add3A_47 = arith.addf %mul3A_45, %mul3A_46 : vector<256x32xf32>
    %slice3A_48 = vector.extract_strided_slice %dot_general3A_17 {offsets = [0, 128], sizes = [256, 32], strides = [1, 1]} : vector<256x1024xf32> to vector<256x32xf32>
    %slice3A_49 = vector.extract_strided_slice %dot_general3A_17 {offsets = [0, 160], sizes = [256, 32], strides = [1, 1]} : vector<256x1024xf32> to vector<256x32xf32>
    %mul3A_50 = arith.mulf %slice3A_48, %get3A_30 : vector<256x32xf32>
    %mul3A_51 = arith.mulf %slice3A_49, %get3A_33 : vector<256x32xf32>
    %sub3A_52 = arith.subf %mul3A_50, %mul3A_51 : vector<256x32xf32>
    %mul3A_53 = arith.mulf %slice3A_49, %get3A_30 : vector<256x32xf32>
    %mul3A_54 = arith.mulf %slice3A_48, %get3A_33 : vector<256x32xf32>
    %add3A_55 = arith.addf %mul3A_53, %mul3A_54 : vector<256x32xf32>
    %slice3A_56 = vector.extract_strided_slice %dot_general3A_17 {offsets = [0, 192], sizes = [256, 32], strides = [1, 1]} : vector<256x1024xf32> to vector<256x32xf32>
    %slice3A_57 = vector.extract_strided_slice %dot_general3A_17 {offsets = [0, 224], sizes = [256, 32], strides = [1, 1]} : vector<256x1024xf32> to vector<256x32xf32>
    %mul3A_58 = arith.mulf %slice3A_56, %get3A_30 : vector<256x32xf32>
    %mul3A_59 = arith.mulf %slice3A_57, %get3A_33 : vector<256x32xf32>
    %sub3A_60 = arith.subf %mul3A_58, %mul3A_59 : vector<256x32xf32>
    %mul3A_61 = arith.mulf %slice3A_57, %get3A_30 : vector<256x32xf32>
    %mul3A_62 = arith.mulf %slice3A_56, %get3A_33 : vector<256x32xf32>
    %add3A_63 = arith.addf %mul3A_61, %mul3A_62 : vector<256x32xf32>
    %slice3A_64 = vector.extract_strided_slice %dot_general3A_17 {offsets = [0, 256], sizes = [256, 32], strides = [1, 1]} : vector<256x1024xf32> to vector<256x32xf32>
    %slice3A_65 = vector.extract_strided_slice %dot_general3A_17 {offsets = [0, 288], sizes = [256, 32], strides = [1, 1]} : vector<256x1024xf32> to vector<256x32xf32>
    %mul3A_66 = arith.mulf %slice3A_64, %get3A_30 : vector<256x32xf32>
    %mul3A_67 = arith.mulf %slice3A_65, %get3A_33 : vector<256x32xf32>
    %sub3A_68 = arith.subf %mul3A_66, %mul3A_67 : vector<256x32xf32>
    %mul3A_69 = arith.mulf %slice3A_65, %get3A_30 : vector<256x32xf32>
    %mul3A_70 = arith.mulf %slice3A_64, %get3A_33 : vector<256x32xf32>
    %add3A_71 = arith.addf %mul3A_69, %mul3A_70 : vector<256x32xf32>
    %slice3A_72 = vector.extract_strided_slice %dot_general3A_17 {offsets = [0, 320], sizes = [256, 32], strides = [1, 1]} : vector<256x1024xf32> to vector<256x32xf32>
    %slice3A_73 = vector.extract_strided_slice %dot_general3A_17 {offsets = [0, 352], sizes = [256, 32], strides = [1, 1]} : vector<256x1024xf32> to vector<256x32xf32>
    %mul3A_74 = arith.mulf %slice3A_72, %get3A_30 : vector<256x32xf32>
    %mul3A_75 = arith.mulf %slice3A_73, %get3A_33 : vector<256x32xf32>
    %sub3A_76 = arith.subf %mul3A_74, %mul3A_75 : vector<256x32xf32>
    %mul3A_77 = arith.mulf %slice3A_73, %get3A_30 : vector<256x32xf32>
    %mul3A_78 = arith.mulf %slice3A_72, %get3A_33 : vector<256x32xf32>
    %add3A_79 = arith.addf %mul3A_77, %mul3A_78 : vector<256x32xf32>
    %slice3A_80 = vector.extract_strided_slice %dot_general3A_17 {offsets = [0, 384], sizes = [256, 32], strides = [1, 1]} : vector<256x1024xf32> to vector<256x32xf32>
    %slice3A_81 = vector.extract_strided_slice %dot_general3A_17 {offsets = [0, 416], sizes = [256, 32], strides = [1, 1]} : vector<256x1024xf32> to vector<256x32xf32>
    %mul3A_82 = arith.mulf %slice3A_80, %get3A_30 : vector<256x32xf32>
    %mul3A_83 = arith.mulf %slice3A_81, %get3A_33 : vector<256x32xf32>
    %sub3A_84 = arith.subf %mul3A_82, %mul3A_83 : vector<256x32xf32>
    %mul3A_85 = arith.mulf %slice3A_81, %get3A_30 : vector<256x32xf32>
    %mul3A_86 = arith.mulf %slice3A_80, %get3A_33 : vector<256x32xf32>
    %add3A_87 = arith.addf %mul3A_85, %mul3A_86 : vector<256x32xf32>
    %slice3A_88 = vector.extract_strided_slice %dot_general3A_17 {offsets = [0, 448], sizes = [256, 32], strides = [1, 1]} : vector<256x1024xf32> to vector<256x32xf32>
    %slice3A_89 = vector.extract_strided_slice %dot_general3A_17 {offsets = [0, 480], sizes = [256, 32], strides = [1, 1]} : vector<256x1024xf32> to vector<256x32xf32>
    %mul3A_90 = arith.mulf %slice3A_88, %get3A_30 : vector<256x32xf32>
    %mul3A_91 = arith.mulf %slice3A_89, %get3A_33 : vector<256x32xf32>
    %sub3A_92 = arith.subf %mul3A_90, %mul3A_91 : vector<256x32xf32>
    %mul3A_93 = arith.mulf %slice3A_89, %get3A_30 : vector<256x32xf32>
    %mul3A_94 = arith.mulf %slice3A_88, %get3A_33 : vector<256x32xf32>
    %add3A_95 = arith.addf %mul3A_93, %mul3A_94 : vector<256x32xf32>
    %slice3A_96 = vector.extract_strided_slice %dot_general3A_17 {offsets = [0, 512], sizes = [256, 32], strides = [1, 1]} : vector<256x1024xf32> to vector<256x32xf32>
    %slice3A_97 = vector.extract_strided_slice %dot_general3A_17 {offsets = [0, 544], sizes = [256, 32], strides = [1, 1]} : vector<256x1024xf32> to vector<256x32xf32>
    %mul3A_98 = arith.mulf %slice3A_96, %get3A_30 : vector<256x32xf32>
    %mul3A_99 = arith.mulf %slice3A_97, %get3A_33 : vector<256x32xf32>
    %sub3A_100 = arith.subf %mul3A_98, %mul3A_99 : vector<256x32xf32>
    %mul3A_101 = arith.mulf %slice3A_97, %get3A_30 : vector<256x32xf32>
    %mul3A_102 = arith.mulf %slice3A_96, %get3A_33 : vector<256x32xf32>
    %add3A_103 = arith.addf %mul3A_101, %mul3A_102 : vector<256x32xf32>
    %slice3A_104 = vector.extract_strided_slice %dot_general3A_17 {offsets = [0, 576], sizes = [256, 32], strides = [1, 1]} : vector<256x1024xf32> to vector<256x32xf32>
    %slice3A_105 = vector.extract_strided_slice %dot_general3A_17 {offsets = [0, 608], sizes = [256, 32], strides = [1, 1]} : vector<256x1024xf32> to vector<256x32xf32>
    %mul3A_106 = arith.mulf %slice3A_104, %get3A_30 : vector<256x32xf32>
    %mul3A_107 = arith.mulf %slice3A_105, %get3A_33 : vector<256x32xf32>
    %sub3A_108 = arith.subf %mul3A_106, %mul3A_107 : vector<256x32xf32>
    %mul3A_109 = arith.mulf %slice3A_105, %get3A_30 : vector<256x32xf32>
    %mul3A_110 = arith.mulf %slice3A_104, %get3A_33 : vector<256x32xf32>
    %add3A_111 = arith.addf %mul3A_109, %mul3A_110 : vector<256x32xf32>
    %slice3A_112 = vector.extract_strided_slice %dot_general3A_17 {offsets = [0, 640], sizes = [256, 32], strides = [1, 1]} : vector<256x1024xf32> to vector<256x32xf32>
    %slice3A_113 = vector.extract_strided_slice %dot_general3A_17 {offsets = [0, 672], sizes = [256, 32], strides = [1, 1]} : vector<256x1024xf32> to vector<256x32xf32>
    %mul3A_114 = arith.mulf %slice3A_112, %get3A_30 : vector<256x32xf32>
    %mul3A_115 = arith.mulf %slice3A_113, %get3A_33 : vector<256x32xf32>
    %sub3A_116 = arith.subf %mul3A_114, %mul3A_115 : vector<256x32xf32>
    %mul3A_117 = arith.mulf %slice3A_113, %get3A_30 : vector<256x32xf32>
    %mul3A_118 = arith.mulf %slice3A_112, %get3A_33 : vector<256x32xf32>
    %add3A_119 = arith.addf %mul3A_117, %mul3A_118 : vector<256x32xf32>
    %slice3A_120 = vector.extract_strided_slice %dot_general3A_17 {offsets = [0, 704], sizes = [256, 32], strides = [1, 1]} : vector<256x1024xf32> to vector<256x32xf32>
    %slice3A_121 = vector.extract_strided_slice %dot_general3A_17 {offsets = [0, 736], sizes = [256, 32], strides = [1, 1]} : vector<256x1024xf32> to vector<256x32xf32>
    %mul3A_122 = arith.mulf %slice3A_120, %get3A_30 : vector<256x32xf32>
    %mul3A_123 = arith.mulf %slice3A_121, %get3A_33 : vector<256x32xf32>
    %sub3A_124 = arith.subf %mul3A_122, %mul3A_123 : vector<256x32xf32>
    %mul3A_125 = arith.mulf %slice3A_121, %get3A_30 : vector<256x32xf32>
    %mul3A_126 = arith.mulf %slice3A_120, %get3A_33 : vector<256x32xf32>
    %add3A_127 = arith.addf %mul3A_125, %mul3A_126 : vector<256x32xf32>
    %slice3A_128 = vector.extract_strided_slice %dot_general3A_17 {offsets = [0, 768], sizes = [256, 32], strides = [1, 1]} : vector<256x1024xf32> to vector<256x32xf32>
    %slice3A_129 = vector.extract_strided_slice %dot_general3A_17 {offsets = [0, 800], sizes = [256, 32], strides = [1, 1]} : vector<256x1024xf32> to vector<256x32xf32>
    %mul3A_130 = arith.mulf %slice3A_128, %get3A_30 : vector<256x32xf32>
    %mul3A_131 = arith.mulf %slice3A_129, %get3A_33 : vector<256x32xf32>
    %sub3A_132 = arith.subf %mul3A_130, %mul3A_131 : vector<256x32xf32>
    %mul3A_133 = arith.mulf %slice3A_129, %get3A_30 : vector<256x32xf32>
    %mul3A_134 = arith.mulf %slice3A_128, %get3A_33 : vector<256x32xf32>
    %add3A_135 = arith.addf %mul3A_133, %mul3A_134 : vector<256x32xf32>
    %slice3A_136 = vector.extract_strided_slice %dot_general3A_17 {offsets = [0, 832], sizes = [256, 32], strides = [1, 1]} : vector<256x1024xf32> to vector<256x32xf32>
    %slice3A_137 = vector.extract_strided_slice %dot_general3A_17 {offsets = [0, 864], sizes = [256, 32], strides = [1, 1]} : vector<256x1024xf32> to vector<256x32xf32>
    %mul3A_138 = arith.mulf %slice3A_136, %get3A_30 : vector<256x32xf32>
    %mul3A_139 = arith.mulf %slice3A_137, %get3A_33 : vector<256x32xf32>
    %sub3A_140 = arith.subf %mul3A_138, %mul3A_139 : vector<256x32xf32>
    %mul3A_141 = arith.mulf %slice3A_137, %get3A_30 : vector<256x32xf32>
    %mul3A_142 = arith.mulf %slice3A_136, %get3A_33 : vector<256x32xf32>
    %add3A_143 = arith.addf %mul3A_141, %mul3A_142 : vector<256x32xf32>
    %slice3A_144 = vector.extract_strided_slice %dot_general3A_17 {offsets = [0, 896], sizes = [256, 32], strides = [1, 1]} : vector<256x1024xf32> to vector<256x32xf32>
    %slice3A_145 = vector.extract_strided_slice %dot_general3A_17 {offsets = [0, 928], sizes = [256, 32], strides = [1, 1]} : vector<256x1024xf32> to vector<256x32xf32>
    %mul3A_146 = arith.mulf %slice3A_144, %get3A_30 : vector<256x32xf32>
    %mul3A_147 = arith.mulf %slice3A_145, %get3A_33 : vector<256x32xf32>
    %sub3A_148 = arith.subf %mul3A_146, %mul3A_147 : vector<256x32xf32>
    %mul3A_149 = arith.mulf %slice3A_145, %get3A_30 : vector<256x32xf32>
    %mul3A_150 = arith.mulf %slice3A_144, %get3A_33 : vector<256x32xf32>
    %add3A_151 = arith.addf %mul3A_149, %mul3A_150 : vector<256x32xf32>
    %slice3A_152 = vector.extract_strided_slice %dot_general3A_17 {offsets = [0, 960], sizes = [256, 32], strides = [1, 1]} : vector<256x1024xf32> to vector<256x32xf32>
    %slice3A_153 = vector.extract_strided_slice %dot_general3A_17 {offsets = [0, 992], sizes = [256, 32], strides = [1, 1]} : vector<256x1024xf32> to vector<256x32xf32>
    %mul3A_154 = arith.mulf %slice3A_152, %get3A_30 : vector<256x32xf32>
    %mul3A_155 = arith.mulf %slice3A_153, %get3A_33 : vector<256x32xf32>
    %sub3A_156 = arith.subf %mul3A_154, %mul3A_155 : vector<256x32xf32>
    %mul3A_157 = arith.mulf %slice3A_153, %get3A_30 : vector<256x32xf32>
    %mul3A_158 = arith.mulf %slice3A_152, %get3A_33 : vector<256x32xf32>
    %add3A_159 = arith.addf %mul3A_157, %mul3A_158 : vector<256x32xf32>
    %concatenate3A = tpu.concatenate %sub3A, %add3A_39, %sub3A_44, %add3A_47, %sub3A_52, %add3A_55, %sub3A_60, %add3A_63, %sub3A_68, %add3A_71, %sub3A_76, %add3A_79, %sub3A_84, %add3A_87, %sub3A_92, %add3A_95, %sub3A_100, %add3A_103, %sub3A_108, %add3A_111, %sub3A_116, %add3A_119, %sub3A_124, %add3A_127, %sub3A_132, %add3A_135, %sub3A_140, %add3A_143, %sub3A_148, %add3A_151, %sub3A_156, %add3A_159 in 1 : vector<256x32xf32>, vector<256x32xf32>, vector<256x32xf32>, vector<256x32xf32>, vector<256x32xf32>, vector<256x32xf32>, vector<256x32xf32>, vector<256x32xf32>, vector<256x32xf32>, vector<256x32xf32>, vector<256x32xf32>, vector<256x32xf32>, vector<256x32xf32>, vector<256x32xf32>, vector<256x32xf32>, vector<256x32xf32>, vector<256x32xf32>, vector<256x32xf32>, vector<256x32xf32>, vector<256x32xf32>, vector<256x32xf32>, vector<256x32xf32>, vector<256x32xf32>, vector<256x32xf32>, vector<256x32xf32>, vector<256x32xf32>, vector<256x32xf32>, vector<256x32xf32>, vector<256x32xf32>, vector<256x32xf32>, vector<256x32xf32>, vector<256x32xf32> -> vector<256x1024xf32>
    %convert_element_type3A_160 = arith.truncf %concatenate3A : vector<256x1024xf32> to vector<256x1024xbf16>
    %swap3A = arith.constant 0 : index
    %swap3A_161 = arith.constant 0 : index
    %swap3A_162 = vector.load %arg8[%swap3A, %swap3A_161] : memref<256x1024xbf16, #tpu.memory_space<vmem>>, vector<256x1024xbf16>
    tpu.vector_store %arg8[%swap3A, %swap3A_161], %convert_element_type3A_160 {strides = array<i32>} : memref<256x1024xbf16, #tpu.memory_space<vmem>>, vector<256x1024xbf16>,
    %slice3A_163 = vector.extract_strided_slice %dot_general3A_22 {offsets = [0, 0], sizes = [256, 32], strides = [1, 1]} : vector<256x256xf32> to vector<256x32xf32>
    %slice3A_164 = vector.extract_strided_slice %dot_general3A_22 {offsets = [0, 32], sizes = [256, 32], strides = [1, 1]} : vector<256x256xf32> to vector<256x32xf32>
    %mul3A_165 = arith.mulf %slice3A_163, %get3A_30 : vector<256x32xf32>
    %mul3A_166 = arith.mulf %slice3A_164, %get3A_33 : vector<256x32xf32>
    %sub3A_167 = arith.subf %mul3A_165, %mul3A_166 : vector<256x32xf32>
    %mul3A_168 = arith.mulf %slice3A_164, %get3A_30 : vector<256x32xf32>
    %mul3A_169 = arith.mulf %slice3A_163, %get3A_33 : vector<256x32xf32>
    %add3A_170 = arith.addf %mul3A_168, %mul3A_169 : vector<256x32xf32>
    %concatenate3A_171 = tpu.concatenate %sub3A_167, %add3A_170 in 1 : vector<256x32xf32>, vector<256x32xf32> -> vector<256x64xf32>
    %convert_element_type3A_172 = arith.truncf %concatenate3A_171 : vector<256x64xf32> to vector<256x64xbf16>
    %swap3A_173 = arith.constant 0 : index
    %swap3A_174 = arith.constant 0 : index
    %swap3A_175 = arith.constant 0 : index
    %swap3A_176 = vector.load %arg9[%swap3A_173, %swap3A_174, %swap3A_175] : memref<4x256x64xbf16, #tpu.memory_space<vmem>>, vector<1x256x64xbf16>
    %swap3A_177 = vector.shape_cast %swap3A_176 : vector<1x256x64xbf16> to vector<256x64xbf16>
    %swap3A_178 = vector.shape_cast %convert_element_type3A_172 : vector<256x64xbf16> to vector<1x256x64xbf16>
    tpu.vector_store %arg9[%swap3A_173, %swap3A_174, %swap3A_175], %swap3A_178 {strides = array<i32>} : memref<4x256x64xbf16, #tpu.memory_space<vmem>>, vector<1x256x64xbf16>,
    %slice3A_179 = vector.extract_strided_slice %dot_general3A_27 {offsets = [0, 0], sizes = [256, 64], strides = [1, 1]} : vector<256x256xf32> to vector<256x64xf32>
    %convert_element_type3A_180 = arith.truncf %slice3A_179 : vector<256x64xf32> to vector<256x64xbf16>
    %swap3A_181 = arith.constant 0 : index
    %swap3A_182 = arith.constant 0 : index
    %swap3A_183 = arith.constant 0 : index
    %swap3A_184 = vector.load %arg10[%swap3A_181, %swap3A_182, %swap3A_183] : memref<4x256x64xbf16, #tpu.memory_space<vmem>>, vector<1x256x64xbf16>
    %swap3A_185 = vector.shape_cast %swap3A_184 : vector<1x256x64xbf16> to vector<256x64xbf16>
    %swap3A_186 = vector.shape_cast %convert_element_type3A_180 : vector<256x64xbf16> to vector<1x256x64xbf16>
    tpu.vector_store %arg10[%swap3A_181, %swap3A_182, %swap3A_183], %swap3A_186 {strides = array<i32>} : memref<4x256x64xbf16, #tpu.memory_space<vmem>>, vector<1x256x64xbf16>,
    %slice3A_187 = vector.extract_strided_slice %dot_general3A_22 {offsets = [0, 64], sizes = [256, 32], strides = [1, 1]} : vector<256x256xf32> to vector<256x32xf32>
    %slice3A_188 = vector.extract_strided_slice %dot_general3A_22 {offsets = [0, 96], sizes = [256, 32], strides = [1, 1]} : vector<256x256xf32> to vector<256x32xf32>
    %mul3A_189 = arith.mulf %slice3A_187, %get3A_30 : vector<256x32xf32>
    %mul3A_190 = arith.mulf %slice3A_188, %get3A_33 : vector<256x32xf32>
    %sub3A_191 = arith.subf %mul3A_189, %mul3A_190 : vector<256x32xf32>
    %mul3A_192 = arith.mulf %slice3A_188, %get3A_30 : vector<256x32xf32>
    %mul3A_193 = arith.mulf %slice3A_187, %get3A_33 : vector<256x32xf32>
    %add3A_194 = arith.addf %mul3A_192, %mul3A_193 : vector<256x32xf32>
    %concatenate3A_195 = tpu.concatenate %sub3A_191, %add3A_194 in 1 : vector<256x32xf32>, vector<256x32xf32> -> vector<256x64xf32>
    %convert_element_type3A_196 = arith.truncf %concatenate3A_195 : vector<256x64xf32> to vector<256x64xbf16>
    %swap3A_197 = arith.constant 1 : index
    %swap3A_198 = arith.constant 0 : index
    %swap3A_199 = arith.constant 0 : index
    %swap3A_200 = vector.load %arg9[%swap3A_197, %swap3A_198, %swap3A_199] : memref<4x256x64xbf16, #tpu.memory_space<vmem>>, vector<1x256x64xbf16>
    %swap3A_201 = vector.shape_cast %swap3A_200 : vector<1x256x64xbf16> to vector<256x64xbf16>
    %swap3A_202 = vector.shape_cast %convert_element_type3A_196 : vector<256x64xbf16> to vector<1x256x64xbf16>
    tpu.vector_store %arg9[%swap3A_197, %swap3A_198, %swap3A_199], %swap3A_202 {strides = array<i32>} : memref<4x256x64xbf16, #tpu.memory_space<vmem>>, vector<1x256x64xbf16>,
    %slice3A_203 = vector.extract_strided_slice %dot_general3A_27 {offsets = [0, 64], sizes = [256, 64], strides = [1, 1]} : vector<256x256xf32> to vector<256x64xf32>
    %convert_element_type3A_204 = arith.truncf %slice3A_203 : vector<256x64xf32> to vector<256x64xbf16>
    %swap3A_205 = arith.constant 1 : index
    %swap3A_206 = arith.constant 0 : index
    %swap3A_207 = arith.constant 0 : index
    %swap3A_208 = vector.load %arg10[%swap3A_205, %swap3A_206, %swap3A_207] : memref<4x256x64xbf16, #tpu.memory_space<vmem>>, vector<1x256x64xbf16>
    %swap3A_209 = vector.shape_cast %swap3A_208 : vector<1x256x64xbf16> to vector<256x64xbf16>
    %swap3A_210 = vector.shape_cast %convert_element_type3A_204 : vector<256x64xbf16> to vector<1x256x64xbf16>
    tpu.vector_store %arg10[%swap3A_205, %swap3A_206, %swap3A_207], %swap3A_210 {strides = array<i32>} : memref<4x256x64xbf16, #tpu.memory_space<vmem>>, vector<1x256x64xbf16>,
    %slice3A_211 = vector.extract_strided_slice %dot_general3A_22 {offsets = [0, 128], sizes = [256, 32], strides = [1, 1]} : vector<256x256xf32> to vector<256x32xf32>
    %slice3A_212 = vector.extract_strided_slice %dot_general3A_22 {offsets = [0, 160], sizes = [256, 32], strides = [1, 1]} : vector<256x256xf32> to vector<256x32xf32>
    %mul3A_213 = arith.mulf %slice3A_211, %get3A_30 : vector<256x32xf32>
    %mul3A_214 = arith.mulf %slice3A_212, %get3A_33 : vector<256x32xf32>
    %sub3A_215 = arith.subf %mul3A_213, %mul3A_214 : vector<256x32xf32>
    %mul3A_216 = arith.mulf %slice3A_212, %get3A_30 : vector<256x32xf32>
    %mul3A_217 = arith.mulf %slice3A_211, %get3A_33 : vector<256x32xf32>
    %add3A_218 = arith.addf %mul3A_216, %mul3A_217 : vector<256x32xf32>
    %concatenate3A_219 = tpu.concatenate %sub3A_215, %add3A_218 in 1 : vector<256x32xf32>, vector<256x32xf32> -> vector<256x64xf32>
    %convert_element_type3A_220 = arith.truncf %concatenate3A_219 : vector<256x64xf32> to vector<256x64xbf16>
    %swap3A_221 = arith.constant 2 : index
    %swap3A_222 = arith.constant 0 : index
    %swap3A_223 = arith.constant 0 : index
    %swap3A_224 = vector.load %arg9[%swap3A_221, %swap3A_222, %swap3A_223] : memref<4x256x64xbf16, #tpu.memory_space<vmem>>, vector<1x256x64xbf16>
    %swap3A_225 = vector.shape_cast %swap3A_224 : vector<1x256x64xbf16> to vector<256x64xbf16>
    %swap3A_226 = vector.shape_cast %convert_element_type3A_220 : vector<256x64xbf16> to vector<1x256x64xbf16>
    tpu.vector_store %arg9[%swap3A_221, %swap3A_222, %swap3A_223], %swap3A_226 {strides = array<i32>} : memref<4x256x64xbf16, #tpu.memory_space<vmem>>, vector<1x256x64xbf16>,
    %slice3A_227 = vector.extract_strided_slice %dot_general3A_27 {offsets = [0, 128], sizes = [256, 64], strides = [1, 1]} : vector<256x256xf32> to vector<256x64xf32>
    %convert_element_type3A_228 = arith.truncf %slice3A_227 : vector<256x64xf32> to vector<256x64xbf16>
    %swap3A_229 = arith.constant 2 : index
    %swap3A_230 = arith.constant 0 : index
    %swap3A_231 = arith.constant 0 : index
    %swap3A_232 = vector.load %arg10[%swap3A_229, %swap3A_230, %swap3A_231] : memref<4x256x64xbf16, #tpu.memory_space<vmem>>, vector<1x256x64xbf16>
    %swap3A_233 = vector.shape_cast %swap3A_232 : vector<1x256x64xbf16> to vector<256x64xbf16>
    %swap3A_234 = vector.shape_cast %convert_element_type3A_228 : vector<256x64xbf16> to vector<1x256x64xbf16>
    tpu.vector_store %arg10[%swap3A_229, %swap3A_230, %swap3A_231], %swap3A_234 {strides = array<i32>} : memref<4x256x64xbf16, #tpu.memory_space<vmem>>, vector<1x256x64xbf16>,
    %slice3A_235 = vector.extract_strided_slice %dot_general3A_22 {offsets = [0, 192], sizes = [256, 32], strides = [1, 1]} : vector<256x256xf32> to vector<256x32xf32>
    %slice3A_236 = vector.extract_strided_slice %dot_general3A_22 {offsets = [0, 224], sizes = [256, 32], strides = [1, 1]} : vector<256x256xf32> to vector<256x32xf32>
    %mul3A_237 = arith.mulf %slice3A_235, %get3A_30 : vector<256x32xf32>
    %mul3A_238 = arith.mulf %slice3A_236, %get3A_33 : vector<256x32xf32>
    %sub3A_239 = arith.subf %mul3A_237, %mul3A_238 : vector<256x32xf32>
    %mul3A_240 = arith.mulf %slice3A_236, %get3A_30 : vector<256x32xf32>
    %mul3A_241 = arith.mulf %slice3A_235, %get3A_33 : vector<256x32xf32>
    %add3A_242 = arith.addf %mul3A_240, %mul3A_241 : vector<256x32xf32>
    %concatenate3A_243 = tpu.concatenate %sub3A_239, %add3A_242 in 1 : vector<256x32xf32>, vector<256x32xf32> -> vector<256x64xf32>
    %convert_element_type3A_244 = arith.truncf %concatenate3A_243 : vector<256x64xf32> to vector<256x64xbf16>
    %swap3A_245 = arith.constant 3 : index
    %swap3A_246 = arith.constant 0 : index
    %swap3A_247 = arith.constant 0 : index
    %swap3A_248 = vector.load %arg9[%swap3A_245, %swap3A_246, %swap3A_247] : memref<4x256x64xbf16, #tpu.memory_space<vmem>>, vector<1x256x64xbf16>
    %swap3A_249 = vector.shape_cast %swap3A_248 : vector<1x256x64xbf16> to vector<256x64xbf16>
    %swap3A_250 = vector.shape_cast %convert_element_type3A_244 : vector<256x64xbf16> to vector<1x256x64xbf16>
    tpu.vector_store %arg9[%swap3A_245, %swap3A_246, %swap3A_247], %swap3A_250 {strides = array<i32>} : memref<4x256x64xbf16, #tpu.memory_space<vmem>>, vector<1x256x64xbf16>,
    %slice3A_251 = vector.extract_strided_slice %dot_general3A_27 {offsets = [0, 192], sizes = [256, 64], strides = [1, 1]} : vector<256x256xf32> to vector<256x64xf32>
    %convert_element_type3A_252 = arith.truncf %slice3A_251 : vector<256x64xf32> to vector<256x64xbf16>
    %swap3A_253 = arith.constant 3 : index
    %swap3A_254 = arith.constant 0 : index
    %swap3A_255 = arith.constant 0 : index
    %swap3A_256 = vector.load %arg10[%swap3A_253, %swap3A_254, %swap3A_255] : memref<4x256x64xbf16, #tpu.memory_space<vmem>>, vector<1x256x64xbf16>
    %swap3A_257 = vector.shape_cast %swap3A_256 : vector<1x256x64xbf16> to vector<256x64xbf16>
    %swap3A_258 = vector.shape_cast %convert_element_type3A_252 : vector<256x64xbf16> to vector<1x256x64xbf16>
    tpu.vector_store %arg10[%swap3A_253, %swap3A_254, %swap3A_255], %swap3A_258 {strides = array<i32>} : memref<4x256x64xbf16, #tpu.memory_space<vmem>>, vector<1x256x64xbf16>,
    return
  }
  func.func @transform_0(%arg0: i32) -> (i32, i32) {
    %c0_i32 = arith.constant 0 : i32
    %c0_i32_0 = arith.constant 0 : i32
    return %arg0, %c0_i32 : i32, i32
  }
  func.func @transform_1(%arg0: i32) -> (i32, i32) {
    %c0_i32 = arith.constant 0 : i32
    %c0_i32_0 = arith.constant 0 : i32
    %c0_i32_1 = arith.constant 0 : i32
    return %c0_i32, %c0_i32_0 : i32, i32
  }
  func.func @transform_2(%arg0: i32) -> (i32, i32) {
    %c0_i32 = arith.constant 0 : i32
    %c0_i32_0 = arith.constant 0 : i32
    %c0_i32_1 = arith.constant 0 : i32
    return %c0_i32, %c0_i32_0 : i32, i32
  }
  func.func @transform_3(%arg0: i32) -> (i32, i32) {
    %c0_i32 = arith.constant 0 : i32
    %c0_i32_0 = arith.constant 0 : i32
    %c0_i32_1 = arith.constant 0 : i32
    return %c0_i32, %c0_i32_0 : i32, i32
  }
  func.func @transform_4(%arg0: i32) -> (i32, i32) {
    %c0_i32 = arith.constant 0 : i32
    %c0_i32_0 = arith.constant 0 : i32
    %c0_i32_1 = arith.constant 0 : i32
    return %c0_i32, %c0_i32_0 : i32, i32
  }
  func.func @transform_5(%arg0: i32) -> (i32, i32) {
    %c0_i32 = arith.constant 0 : i32
    %c0_i32_0 = arith.constant 0 : i32
    return %arg0, %c0_i32 : i32, i32
  }
  func.func @transform_6(%arg0: i32) -> (i32, i32) {
    %c0_i32 = arith.constant 0 : i32
    %c0_i32_0 = arith.constant 0 : i32
    return %arg0, %c0_i32 : i32, i32
  }
  func.func @transform_7(%arg0: i32) -> (i32, i32) {
    %c0_i32 = arith.constant 0 : i32
    %c0_i32_0 = arith.constant 0 : i32
    return %arg0, %c0_i32 : i32, i32
  }
  func.func @transform_8(%arg0: i32) -> (i32, i32, i32) {
    %c0_i32 = arith.constant 0 : i32
    %c0_i32_0 = arith.constant 0 : i32
    %c0_i32_1 = arith.constant 0 : i32
    return %c0_i32, %arg0, %c0_i32_0 : i32, i32, i32
  }
  func.func @transform_9(%arg0: i32) -> (i32, i32, i32) {
    %c0_i32 = arith.constant 0 : i32
    %c0_i32_0 = arith.constant 0 : i32
    %c0_i32_1 = arith.constant 0 : i32
    return %c0_i32, %arg0, %c0_i32_0 : i32, i32, i32
  }
}

module attributes {stable_mosaic.version = 14 : i64} {
  func.func @_attn_body(%arg0: i32, %arg1: i32, %arg2: memref<256x128xbf16, #tpu.memory_space<vmem>>, %arg3: memref<1x2048x64xbf16, #tpu.memory_space<vmem>>, %arg4: memref<1x2048x64xbf16, #tpu.memory_space<vmem>>, %arg5: memref<256x128xbf16, #tpu.memory_space<vmem>>) attributes {dimension_semantics = [#tpu.dimension_semantics<arbitrary>, #tpu.dimension_semantics<arbitrary>], iteration_bounds = array<i64: 8, 8>, scalar_prefetch = 0 : i64, scratch_operands = 0 : i64, tpu.core_type = #tpu.core_type<tc>, window_params = [{transform_indices = @transform_0, window_bounds = array<i64: 256, 128>}, {transform_indices = @transform_1, window_bounds = array<i64: 1, 2048, 64>}, {transform_indices = @transform_2, window_bounds = array<i64: 1, 2048, 64>}, {transform_indices = @transform_3, window_bounds = array<i64: 256, 128>}]} {
    %get3A = arith.constant 0 : index
    %get3A_0 = arith.constant 0 : index
    %get3A_1 = arith.constant 0 : index
    %get3A_2 = vector.load %arg3[%get3A, %get3A_0, %get3A_1] : memref<1x2048x64xbf16, #tpu.memory_space<vmem>>, vector<1x2048x64xbf16>
    %get3A_3 = vector.shape_cast %get3A_2 : vector<1x2048x64xbf16> to vector<2048x64xbf16>
    %get3A_4 = arith.constant 0 : index
    %get3A_5 = arith.constant 0 : index
    %get3A_6 = arith.constant 0 : index
    %get3A_7 = vector.load %arg4[%get3A_4, %get3A_5, %get3A_6] : memref<1x2048x64xbf16, #tpu.memory_space<vmem>>, vector<1x2048x64xbf16>
    %get3A_8 = vector.shape_cast %get3A_7 : vector<1x2048x64xbf16> to vector<2048x64xbf16>
    %mul3A = arith.constant 256 : i32
    %mul3A_9 = arith.muli %arg1, %mul3A : i32
    %iota3A = tpu.iota {dimensions = array<i32: 0>} : vector<256x2048xi32>
    %add3A = vector.broadcast %mul3A_9 : i32 to vector<256x2048xi32>
    %add3A_10 = arith.addi %add3A, %iota3A : vector<256x2048xi32>
    %iota3A_11 = tpu.iota {dimensions = array<i32: 1>} : vector<256x2048xi32>
    %le3A = arith.cmpi sle, %iota3A_11, %add3A_10 : vector<256x2048xi32>
    %get3A_12 = arith.constant 0 : index
    %get3A_13 = arith.constant 0 : index
    %get3A_14 = vector.load %arg2[%get3A_12, %get3A_13] : memref<256x128xbf16, #tpu.memory_space<vmem>>, vector<256x64xbf16>
    %dot_general3A = arith.constant dense<0.000000e+00> : vector<256x2048xf32>
    %dot_general3A_15 = tpu.matmul %get3A_14, %get3A_3, %dot_general3A {dimension_numbers = #tpu.dot_dimension_numbers<[1], [1], [0], [0], [0, 0, 1, 0], [], []>, transpose_lhs_hint = false} : vector<256x64xbf16>, vector<2048x64xbf16>, vector<256x2048xf32> -> vector<256x2048xf32>
    %mul3A_16 = arith.constant 1.250000e-01 : f32
    %mul3A_17 = vector.broadcast %mul3A_16 : f32 to vector<256x2048xf32>
    %mul3A_18 = arith.mulf %dot_general3A_15, %mul3A_17 : vector<256x2048xf32>
    %jit3A = arith.constant -1.000000e+30 : f32
    %broadcast_in_dim3A = vector.broadcast %jit3A : f32 to vector<256x2048xf32>
    %select_n3A = arith.select %le3A, %mul3A_18, %broadcast_in_dim3A : vector<256x2048xi1>, vector<256x2048xf32>
    %reduce_max3A = arith.constant dense<0xFF800000> : vector<256xf32>
    %reduce_max3A_19 = vector.multi_reduction <maximumf>, %select_n3A, %reduce_max3A [1] : vector<256x2048xf32> to vector<256xf32>
    %broadcast_in_dim3A_20 = vector.shape_cast %reduce_max3A_19 : vector<256xf32> to vector<256x1xf32>
    %sub3A = vector.broadcast %broadcast_in_dim3A_20 : vector<256x1xf32> to vector<256x2048xf32>
    %sub3A_21 = arith.subf %select_n3A, %sub3A : vector<256x2048xf32>
    %exp3A = math.exp %sub3A_21 : vector<256x2048xf32>
    %reduce_sum3A = arith.constant dense<0.000000e+00> : vector<256xf32>
    %reduce_sum3A_22 = vector.multi_reduction <add>, %exp3A, %reduce_sum3A [1] : vector<256x2048xf32> to vector<256xf32>
    %broadcast_in_dim3A_23 = vector.shape_cast %reduce_sum3A_22 : vector<256xf32> to vector<256x1xf32>
    %convert_element_type3A = arith.truncf %exp3A : vector<256x2048xf32> to vector<256x2048xbf16>
    %dot_general3A_24 = arith.constant dense<0.000000e+00> : vector<256x64xf32>
    %dot_general3A_25 = tpu.matmul %convert_element_type3A, %get3A_8, %dot_general3A_24 {dimension_numbers = #tpu.dot_dimension_numbers<[1], [0], [0], [1], [0, 0, 1, 1], [], []>, transpose_lhs_hint = false} : vector<256x2048xbf16>, vector<2048x64xbf16>, vector<256x64xf32> -> vector<256x64xf32>
    %div3A = vector.broadcast %broadcast_in_dim3A_23 : vector<256x1xf32> to vector<256x64xf32>
    %div3A_26 = arith.divf %dot_general3A_25, %div3A : vector<256x64xf32>
    %get3A_27 = arith.constant 0 : index
    %get3A_28 = arith.constant 64 : index
    %get3A_29 = vector.load %arg2[%get3A_27, %get3A_28] : memref<256x128xbf16, #tpu.memory_space<vmem>>, vector<256x64xbf16>
    %dot_general3A_30 = arith.constant dense<0.000000e+00> : vector<256x2048xf32>
    %dot_general3A_31 = tpu.matmul %get3A_29, %get3A_3, %dot_general3A_30 {dimension_numbers = #tpu.dot_dimension_numbers<[1], [1], [0], [0], [0, 0, 1, 0], [], []>, transpose_lhs_hint = false} : vector<256x64xbf16>, vector<2048x64xbf16>, vector<256x2048xf32> -> vector<256x2048xf32>
    %mul3A_32 = arith.constant 1.250000e-01 : f32
    %mul3A_33 = vector.broadcast %mul3A_32 : f32 to vector<256x2048xf32>
    %mul3A_34 = arith.mulf %dot_general3A_31, %mul3A_33 : vector<256x2048xf32>
    %jit3A_35 = arith.constant -1.000000e+30 : f32
    %broadcast_in_dim3A_36 = vector.broadcast %jit3A_35 : f32 to vector<256x2048xf32>
    %select_n3A_37 = arith.select %le3A, %mul3A_34, %broadcast_in_dim3A_36 : vector<256x2048xi1>, vector<256x2048xf32>
    %reduce_max3A_38 = arith.constant dense<0xFF800000> : vector<256xf32>
    %reduce_max3A_39 = vector.multi_reduction <maximumf>, %select_n3A_37, %reduce_max3A_38 [1] : vector<256x2048xf32> to vector<256xf32>
    %broadcast_in_dim3A_40 = vector.shape_cast %reduce_max3A_39 : vector<256xf32> to vector<256x1xf32>
    %sub3A_41 = vector.broadcast %broadcast_in_dim3A_40 : vector<256x1xf32> to vector<256x2048xf32>
    %sub3A_42 = arith.subf %select_n3A_37, %sub3A_41 : vector<256x2048xf32>
    %exp3A_43 = math.exp %sub3A_42 : vector<256x2048xf32>
    %reduce_sum3A_44 = arith.constant dense<0.000000e+00> : vector<256xf32>
    %reduce_sum3A_45 = vector.multi_reduction <add>, %exp3A_43, %reduce_sum3A_44 [1] : vector<256x2048xf32> to vector<256xf32>
    %broadcast_in_dim3A_46 = vector.shape_cast %reduce_sum3A_45 : vector<256xf32> to vector<256x1xf32>
    %convert_element_type3A_47 = arith.truncf %exp3A_43 : vector<256x2048xf32> to vector<256x2048xbf16>
    %dot_general3A_48 = arith.constant dense<0.000000e+00> : vector<256x64xf32>
    %dot_general3A_49 = tpu.matmul %convert_element_type3A_47, %get3A_8, %dot_general3A_48 {dimension_numbers = #tpu.dot_dimension_numbers<[1], [0], [0], [1], [0, 0, 1, 1], [], []>, transpose_lhs_hint = false} : vector<256x2048xbf16>, vector<2048x64xbf16>, vector<256x64xf32> -> vector<256x64xf32>
    %div3A_50 = vector.broadcast %broadcast_in_dim3A_46 : vector<256x1xf32> to vector<256x64xf32>
    %div3A_51 = arith.divf %dot_general3A_49, %div3A_50 : vector<256x64xf32>
    %concatenate3A = tpu.concatenate %div3A_26, %div3A_51 in 1 : vector<256x64xf32>, vector<256x64xf32> -> vector<256x128xf32>
    %convert_element_type3A_52 = arith.truncf %concatenate3A : vector<256x128xf32> to vector<256x128xbf16>
    %swap3A = arith.constant 0 : index
    %swap3A_53 = arith.constant 0 : index
    %swap3A_54 = vector.load %arg5[%swap3A, %swap3A_53] : memref<256x128xbf16, #tpu.memory_space<vmem>>, vector<256x128xbf16>
    tpu.vector_store %arg5[%swap3A, %swap3A_53], %convert_element_type3A_52 {strides = array<i32>} : memref<256x128xbf16, #tpu.memory_space<vmem>>, vector<256x128xbf16>,
    return
  }
  func.func @transform_0(%arg0: i32, %arg1: i32) -> (i32, i32) {
    %c0_i32 = arith.constant 0 : i32
    return %arg1, %arg0 : i32, i32
  }
  func.func @transform_1(%arg0: i32, %arg1: i32) -> (i32, i32, i32) {
    %jit3A = arith.constant 2 : i32
    %div3A = arith.divsi %arg0, %jit3A : i32
    %sign3A = arith.constant 0 : i32
    %sign3A_0 = arith.cmpi sgt, %arg0, %sign3A : i32
    %sign3A_1 = arith.extui %sign3A_0 : i1 to i32
    %sign3A_2 = arith.constant 0 : i32
    %sign3A_3 = arith.cmpi slt, %arg0, %sign3A_2 : i32
    %sign3A_4 = arith.extui %sign3A_3 : i1 to i32
    %sign3A_5 = arith.subi %sign3A_1, %sign3A_4 : i32
    %sign3A_6 = arith.constant 0 : i32
    %sign3A_7 = arith.cmpi sgt, %jit3A, %sign3A_6 : i32
    %sign3A_8 = arith.extui %sign3A_7 : i1 to i32
    %sign3A_9 = arith.constant 0 : i32
    %sign3A_10 = arith.cmpi slt, %jit3A, %sign3A_9 : i32
    %sign3A_11 = arith.extui %sign3A_10 : i1 to i32
    %sign3A_12 = arith.subi %sign3A_8, %sign3A_11 : i32
    %ne3A = arith.cmpi ne, %sign3A_5, %sign3A_12 : i32
    %rem3A = arith.remsi %arg0, %jit3A : i32
    %ne3A_13 = arith.constant 0 : i32
    %ne3A_14 = arith.cmpi ne, %rem3A, %ne3A_13 : i32
    %and3A = arith.andi %ne3A, %ne3A_14 : i1
    %sub3A = arith.constant 1 : i32
    %sub3A_15 = arith.subi %div3A, %sub3A : i32
    %select_n3A = arith.select %and3A, %sub3A_15, %div3A : i32
    %c0_i32 = arith.constant 0 : i32
    %c0_i32_16 = arith.constant 0 : i32
    %c0_i32_17 = arith.constant 0 : i32
    return %select_n3A, %c0_i32, %c0_i32_16 : i32, i32, i32
  }
  func.func @transform_2(%arg0: i32, %arg1: i32) -> (i32, i32, i32) {
    %jit3A = arith.constant 2 : i32
    %div3A = arith.divsi %arg0, %jit3A : i32
    %sign3A = arith.constant 0 : i32
    %sign3A_0 = arith.cmpi sgt, %arg0, %sign3A : i32
    %sign3A_1 = arith.extui %sign3A_0 : i1 to i32
    %sign3A_2 = arith.constant 0 : i32
    %sign3A_3 = arith.cmpi slt, %arg0, %sign3A_2 : i32
    %sign3A_4 = arith.extui %sign3A_3 : i1 to i32
    %sign3A_5 = arith.subi %sign3A_1, %sign3A_4 : i32
    %sign3A_6 = arith.constant 0 : i32
    %sign3A_7 = arith.cmpi sgt, %jit3A, %sign3A_6 : i32
    %sign3A_8 = arith.extui %sign3A_7 : i1 to i32
    %sign3A_9 = arith.constant 0 : i32
    %sign3A_10 = arith.cmpi slt, %jit3A, %sign3A_9 : i32
    %sign3A_11 = arith.extui %sign3A_10 : i1 to i32
    %sign3A_12 = arith.subi %sign3A_8, %sign3A_11 : i32
    %ne3A = arith.cmpi ne, %sign3A_5, %sign3A_12 : i32
    %rem3A = arith.remsi %arg0, %jit3A : i32
    %ne3A_13 = arith.constant 0 : i32
    %ne3A_14 = arith.cmpi ne, %rem3A, %ne3A_13 : i32
    %and3A = arith.andi %ne3A, %ne3A_14 : i1
    %sub3A = arith.constant 1 : i32
    %sub3A_15 = arith.subi %div3A, %sub3A : i32
    %select_n3A = arith.select %and3A, %sub3A_15, %div3A : i32
    %c0_i32 = arith.constant 0 : i32
    %c0_i32_16 = arith.constant 0 : i32
    %c0_i32_17 = arith.constant 0 : i32
    return %select_n3A, %c0_i32, %c0_i32_16 : i32, i32, i32
  }
  func.func @transform_3(%arg0: i32, %arg1: i32) -> (i32, i32) {
    %c0_i32 = arith.constant 0 : i32
    return %arg1, %arg0 : i32, i32
  }
}

module attributes {stable_mosaic.version = 14 : i64} {
  func.func @_oproj_body(%arg0: i32, %arg1: memref<256x1024xbf16, #tpu.memory_space<vmem>>, %arg2: memref<256x1024xf32, #tpu.memory_space<vmem>>, %arg3: memref<1024x1024xbf16, #tpu.memory_space<vmem>>, %arg4: memref<8x1024xf32, #tpu.memory_space<vmem>>, %arg5: memref<1024x8xf32, #tpu.memory_space<vmem>>, %arg6: memref<8x8xf32, #tpu.memory_space<vmem>>, %arg7: memref<256x1024xf32, #tpu.memory_space<vmem>>, %arg8: memref<256x1024xf32, #tpu.memory_space<vmem>>, %arg9: memref<256x512xi32, #tpu.memory_space<vmem>>, %arg10: memref<256x2xi32, #tpu.memory_space<vmem>>, %arg11: memref<256x2xf32, #tpu.memory_space<vmem>>) attributes {dimension_semantics = [#tpu.dimension_semantics<arbitrary>], iteration_bounds = array<i64: 8>, scalar_prefetch = 0 : i64, scratch_operands = 0 : i64, tpu.core_type = #tpu.core_type<tc>, window_params = [{transform_indices = @transform_0, window_bounds = array<i64: 256, 1024>}, {transform_indices = @transform_1, window_bounds = array<i64: 256, 1024>}, {pipeline_mode = #tpu.pipeline_mode<synchronous>, transform_indices = @transform_2, window_bounds = array<i64: 1024, 1024>}, {pipeline_mode = #tpu.pipeline_mode<synchronous>, transform_indices = @transform_3, window_bounds = array<i64: 8, 1024>}, {pipeline_mode = #tpu.pipeline_mode<synchronous>, transform_indices = @transform_4, window_bounds = array<i64: 1024, 8>}, {pipeline_mode = #tpu.pipeline_mode<synchronous>, transform_indices = @transform_5, window_bounds = array<i64: 8, 8>}, {transform_indices = @transform_6, window_bounds = array<i64: 256, 1024>}, {transform_indices = @transform_7, window_bounds = array<i64: 256, 1024>}, {transform_indices = @transform_8, window_bounds = array<i64: 256, 512>}, {transform_indices = @transform_9, window_bounds = array<i64: 256, 2>}, {transform_indices = @transform_10, window_bounds = array<i64: 256, 2>}]} {
    %get3A = arith.constant 0 : index
    %get3A_0 = arith.constant 0 : index
    %get3A_1 = vector.load %arg1[%get3A, %get3A_0] : memref<256x1024xbf16, #tpu.memory_space<vmem>>, vector<256x1024xbf16>
    %get3A_2 = arith.constant 0 : index
    %get3A_3 = arith.constant 0 : index
    %get3A_4 = vector.load %arg3[%get3A_2, %get3A_3] : memref<1024x1024xbf16, #tpu.memory_space<vmem>>, vector<1024x1024xbf16>
    %dot_general3A = arith.constant dense<0.000000e+00> : vector<256x1024xf32>
    %dot_general3A_5 = tpu.matmul %get3A_1, %get3A_4, %dot_general3A {dimension_numbers = #tpu.dot_dimension_numbers<[1], [0], [0], [1], [0, 0, 1, 1], [], []>, transpose_lhs_hint = false} : vector<256x1024xbf16>, vector<1024x1024xbf16>, vector<256x1024xf32> -> vector<256x1024xf32>
    %get3A_6 = arith.constant 0 : index
    %get3A_7 = arith.constant 0 : index
    %get3A_8 = vector.load %arg2[%get3A_6, %get3A_7] : memref<256x1024xf32, #tpu.memory_space<vmem>>, vector<256x1024xf32>
    %add3A = arith.addf %get3A_8, %dot_general3A_5 : vector<256x1024xf32>
    %swap3A = arith.constant 0 : index
    %swap3A_9 = arith.constant 0 : index
    %swap3A_10 = vector.load %arg7[%swap3A, %swap3A_9] : memref<256x1024xf32, #tpu.memory_space<vmem>>, vector<256x1024xf32>
    tpu.vector_store %arg7[%swap3A, %swap3A_9], %add3A {strides = array<i32>} : memref<256x1024xf32, #tpu.memory_space<vmem>>, vector<256x1024xf32>,
    %get3A_11 = arith.constant 0 : index
    %get3A_12 = arith.constant 0 : index
    %get3A_13 = vector.load %arg4[%get3A_11, %get3A_12] : memref<8x1024xf32, #tpu.memory_space<vmem>>, vector<1x1024xf32>
    %mul3A = arith.mulf %add3A, %add3A : vector<256x1024xf32>
    %reduce_sum3A = arith.constant dense<0.000000e+00> : vector<256xf32>
    %reduce_sum3A_14 = vector.multi_reduction <add>, %mul3A, %reduce_sum3A [1] : vector<256x1024xf32> to vector<256xf32>
    %broadcast_in_dim3A = vector.shape_cast %reduce_sum3A_14 : vector<256xf32> to vector<256x1xf32>
    %div3A = arith.constant 1.024000e+03 : f32
    %div3A_15 = vector.broadcast %div3A : f32 to vector<256x1xf32>
    %div3A_16 = arith.divf %broadcast_in_dim3A, %div3A_15 : vector<256x1xf32>
    %add3A_17 = arith.constant 9.99999997E-7 : f32
    %add3A_18 = vector.broadcast %add3A_17 : f32 to vector<256x1xf32>
    %add3A_19 = arith.addf %div3A_16, %add3A_18 : vector<256x1xf32>
    %rsqrt3A = math.rsqrt %add3A_19 : vector<256x1xf32>
    %mul3A_20 = vector.broadcast %rsqrt3A : vector<256x1xf32> to vector<256x1024xf32>
    %mul3A_21 = arith.mulf %add3A, %mul3A_20 : vector<256x1024xf32>
    %mul3A_22 = vector.broadcast %get3A_13 : vector<1x1024xf32> to vector<256x1024xf32>
    %mul3A_23 = arith.mulf %mul3A_21, %mul3A_22 : vector<256x1024xf32>
    %swap3A_24 = arith.constant 0 : index
    %swap3A_25 = arith.constant 0 : index
    %swap3A_26 = vector.load %arg8[%swap3A_24, %swap3A_25] : memref<256x1024xf32, #tpu.memory_space<vmem>>, vector<256x1024xf32>
    tpu.vector_store %arg8[%swap3A_24, %swap3A_25], %mul3A_23 {strides = array<i32>} : memref<256x1024xf32, #tpu.memory_space<vmem>>, vector<256x1024xf32>,
    %bitcast_convert_type3A = tpu.bitcast %mul3A_23 : vector<256x1024xf32> -> vector<256x1024xi32>
    %add3A_27 = arith.constant 32767 : i32
    %add3A_28 = vector.broadcast %add3A_27 : i32 to vector<256x1024xi32>
    %add3A_29 = arith.addi %bitcast_convert_type3A, %add3A_28 : vector<256x1024xi32>
    %shift_right_logical3A = arith.constant 16 : i32
    %shift_right_logical3A_30 = vector.broadcast %shift_right_logical3A : i32 to vector<256x1024xi32>
    %shift_right_logical3A_31 = arith.shrui %bitcast_convert_type3A, %shift_right_logical3A_30 : vector<256x1024xi32>
    %and3A = arith.constant 1 : i32
    %and3A_32 = vector.broadcast %and3A : i32 to vector<256x1024xi32>
    %and3A_33 = arith.andi %shift_right_logical3A_31, %and3A_32 : vector<256x1024xi32>
    %add3A_34 = arith.addi %add3A_29, %and3A_33 : vector<256x1024xi32>
    %shift_right_logical3A_35 = arith.constant 16 : i32
    %shift_right_logical3A_36 = vector.broadcast %shift_right_logical3A_35 : i32 to vector<256x1024xi32>
    %shift_right_logical3A_37 = arith.shrui %add3A_34, %shift_right_logical3A_36 : vector<256x1024xi32>
    %slice3A = vector.extract_strided_slice %shift_right_logical3A_37 {offsets = [0, 0], sizes = [256, 512], strides = [1, 1]} : vector<256x1024xi32> to vector<256x512xi32>
    %slice3A_38 = vector.extract_strided_slice %shift_right_logical3A_37 {offsets = [0, 512], sizes = [256, 512], strides = [1, 1]} : vector<256x1024xi32> to vector<256x512xi32>
    %shift_left3A = arith.constant 16 : i32
    %shift_left3A_39 = vector.broadcast %shift_left3A : i32 to vector<256x512xi32>
    %shift_left3A_40 = arith.shli %slice3A_38, %shift_left3A_39 : vector<256x512xi32>
    %or3A = arith.ori %slice3A, %shift_left3A_40 : vector<256x512xi32>
    %swap3A_41 = arith.constant 0 : index
    %swap3A_42 = arith.constant 0 : index
    %swap3A_43 = vector.load %arg9[%swap3A_41, %swap3A_42] : memref<256x512xi32, #tpu.memory_space<vmem>>, vector<256x512xi32>
    tpu.vector_store %arg9[%swap3A_41, %swap3A_42], %or3A {strides = array<i32>} : memref<256x512xi32, #tpu.memory_space<vmem>>, vector<256x512xi32>,
    %get3A_44 = arith.constant 0 : index
    %get3A_45 = arith.constant 0 : index
    %get3A_46 = vector.load %arg5[%get3A_44, %get3A_45] : memref<1024x8xf32, #tpu.memory_space<vmem>>, vector<1024x8xf32>
    %dot_general3A_47 = arith.constant dense<0.000000e+00> : vector<256x8xf32>
    %dot_general3A_48 = tpu.matmul %mul3A_23, %get3A_46, %dot_general3A_47 {dimension_numbers = #tpu.dot_dimension_numbers<[1], [0], [0], [1], [0, 0, 1, 1], [], []>, transpose_lhs_hint = false} : vector<256x1024xf32>, vector<1024x8xf32>, vector<256x8xf32> -> vector<256x8xf32>
    %logistic3A = arith.negf %dot_general3A_48 : vector<256x8xf32>
    %logistic3A_49 = math.exp %logistic3A : vector<256x8xf32>
    %logistic3A_50 = arith.constant 1.000000e+00 : f32
    %logistic3A_51 = vector.broadcast %logistic3A_50 : f32 to vector<256x8xf32>
    %logistic3A_52 = arith.addf %logistic3A_51, %logistic3A_49 : vector<256x8xf32>
    %logistic3A_53 = arith.divf %logistic3A_51, %logistic3A_52 : vector<256x8xf32>
    %get3A_54 = arith.constant 0 : index
    %get3A_55 = arith.constant 0 : index
    %get3A_56 = vector.load %arg6[%get3A_54, %get3A_55] : memref<8x8xf32, #tpu.memory_space<vmem>>, vector<1x8xf32>
    %add3A_57 = vector.broadcast %get3A_56 : vector<1x8xf32> to vector<256x8xf32>
    %add3A_58 = arith.addf %logistic3A_53, %add3A_57 : vector<256x8xf32>
    %iota3A = tpu.iota {dimensions = array<i32: 1>} : vector<256x8xi32>
    %reduce_max3A = arith.constant dense<0xFF800000> : vector<256xf32>
    %reduce_max3A_59 = vector.multi_reduction <maximumf>, %add3A_58, %reduce_max3A [1] : vector<256x8xf32> to vector<256xf32>
    %broadcast_in_dim3A_60 = vector.shape_cast %reduce_max3A_59 : vector<256xf32> to vector<256x1xf32>
    %eq3A = vector.broadcast %broadcast_in_dim3A_60 : vector<256x1xf32> to vector<256x8xf32>
    %eq3A_61 = arith.cmpf oeq, %add3A_58, %eq3A : vector<256x8xf32>
    %jit3A = arith.constant 8 : i32
    %broadcast_in_dim3A_62 = vector.broadcast %jit3A : i32 to vector<256x8xi32>
    %select_n3A = arith.select %eq3A_61, %iota3A, %broadcast_in_dim3A_62 : vector<256x8xi1>, vector<256x8xi32>
    %reduce_min3A = arith.constant dense<2147483647> : vector<256xi32>
    %reduce_min3A_63 = vector.multi_reduction <minsi>, %select_n3A, %reduce_min3A [1] : vector<256x8xi32> to vector<256xi32>
    %broadcast_in_dim3A_64 = vector.shape_cast %reduce_min3A_63 : vector<256xi32> to vector<256x1xi32>
    %eq3A_65 = vector.broadcast %broadcast_in_dim3A_64 : vector<256x1xi32> to vector<256x8xi32>
    %eq3A_66 = arith.cmpi eq, %iota3A, %eq3A_65 : vector<256x8xi32>
    %jit3A_67 = arith.constant 0xFF800000 : f32
    %broadcast_in_dim3A_68 = vector.broadcast %jit3A_67 : f32 to vector<256x8xf32>
    %select_n3A_69 = arith.select %eq3A_66, %broadcast_in_dim3A_68, %add3A_58 : vector<256x8xi1>, vector<256x8xf32>
    %reduce_max3A_70 = arith.constant dense<0xFF800000> : vector<256xf32>
    %reduce_max3A_71 = vector.multi_reduction <maximumf>, %select_n3A_69, %reduce_max3A_70 [1] : vector<256x8xf32> to vector<256xf32>
    %broadcast_in_dim3A_72 = vector.shape_cast %reduce_max3A_71 : vector<256xf32> to vector<256x1xf32>
    %eq3A_73 = vector.broadcast %broadcast_in_dim3A_72 : vector<256x1xf32> to vector<256x8xf32>
    %eq3A_74 = arith.cmpf oeq, %select_n3A_69, %eq3A_73 : vector<256x8xf32>
    %jit3A_75 = arith.constant 8 : i32
    %broadcast_in_dim3A_76 = vector.broadcast %jit3A_75 : i32 to vector<256x8xi32>
    %select_n3A_77 = arith.select %eq3A_74, %iota3A, %broadcast_in_dim3A_76 : vector<256x8xi1>, vector<256x8xi32>
    %reduce_min3A_78 = arith.constant dense<2147483647> : vector<256xi32>
    %reduce_min3A_79 = vector.multi_reduction <minsi>, %select_n3A_77, %reduce_min3A_78 [1] : vector<256x8xi32> to vector<256xi32>
    %broadcast_in_dim3A_80 = vector.shape_cast %reduce_min3A_79 : vector<256xi32> to vector<256x1xi32>
    %eq3A_81 = vector.broadcast %broadcast_in_dim3A_64 : vector<256x1xi32> to vector<256x8xi32>
    %eq3A_82 = arith.cmpi eq, %iota3A, %eq3A_81 : vector<256x8xi32>
    %jit3A_83 = arith.constant 0.000000e+00 : f32
    %broadcast_in_dim3A_84 = vector.broadcast %jit3A_83 : f32 to vector<256x8xf32>
    %select_n3A_85 = arith.select %eq3A_82, %logistic3A_53, %broadcast_in_dim3A_84 : vector<256x8xi1>, vector<256x8xf32>
    %reduce_sum3A_86 = arith.constant dense<0.000000e+00> : vector<256xf32>
    %reduce_sum3A_87 = vector.multi_reduction <add>, %select_n3A_85, %reduce_sum3A_86 [1] : vector<256x8xf32> to vector<256xf32>
    %broadcast_in_dim3A_88 = vector.shape_cast %reduce_sum3A_87 : vector<256xf32> to vector<256x1xf32>
    %eq3A_89 = vector.broadcast %broadcast_in_dim3A_80 : vector<256x1xi32> to vector<256x8xi32>
    %eq3A_90 = arith.cmpi eq, %iota3A, %eq3A_89 : vector<256x8xi32>
    %jit3A_91 = arith.constant 0.000000e+00 : f32
    %broadcast_in_dim3A_92 = vector.broadcast %jit3A_91 : f32 to vector<256x8xf32>
    %select_n3A_93 = arith.select %eq3A_90, %logistic3A_53, %broadcast_in_dim3A_92 : vector<256x8xi1>, vector<256x8xf32>
    %reduce_sum3A_94 = arith.constant dense<0.000000e+00> : vector<256xf32>
    %reduce_sum3A_95 = vector.multi_reduction <add>, %select_n3A_93, %reduce_sum3A_94 [1] : vector<256x8xf32> to vector<256xf32>
    %broadcast_in_dim3A_96 = vector.shape_cast %reduce_sum3A_95 : vector<256xf32> to vector<256x1xf32>
    %add3A_97 = arith.addf %broadcast_in_dim3A_88, %broadcast_in_dim3A_96 : vector<256x1xf32>
    %concatenate3A = tpu.concatenate %broadcast_in_dim3A_64, %broadcast_in_dim3A_80 in 1 : vector<256x1xi32>, vector<256x1xi32> -> vector<256x2xi32>
    %swap3A_98 = arith.constant 0 : index
    %swap3A_99 = arith.constant 0 : index
    %swap3A_100 = vector.load %arg10[%swap3A_98, %swap3A_99] : memref<256x2xi32, #tpu.memory_space<vmem>>, vector<256x2xi32>
    tpu.vector_store %arg10[%swap3A_98, %swap3A_99], %concatenate3A {strides = array<i32>} : memref<256x2xi32, #tpu.memory_space<vmem>>, vector<256x2xi32>,
    %div3A_101 = arith.divf %broadcast_in_dim3A_88, %add3A_97 : vector<256x1xf32>
    %div3A_102 = arith.divf %broadcast_in_dim3A_96, %add3A_97 : vector<256x1xf32>
    %concatenate3A_103 = tpu.concatenate %div3A_101, %div3A_102 in 1 : vector<256x1xf32>, vector<256x1xf32> -> vector<256x2xf32>
    %swap3A_104 = arith.constant 0 : index
    %swap3A_105 = arith.constant 0 : index
    %swap3A_106 = vector.load %arg11[%swap3A_104, %swap3A_105] : memref<256x2xf32, #tpu.memory_space<vmem>>, vector<256x2xf32>
    tpu.vector_store %arg11[%swap3A_104, %swap3A_105], %concatenate3A_103 {strides = array<i32>} : memref<256x2xf32, #tpu.memory_space<vmem>>, vector<256x2xf32>,
    return
  }
  func.func @transform_0(%arg0: i32) -> (i32, i32) {
    %c0_i32 = arith.constant 0 : i32
    %c0_i32_0 = arith.constant 0 : i32
    return %arg0, %c0_i32 : i32, i32
  }
  func.func @transform_1(%arg0: i32) -> (i32, i32) {
    %c0_i32 = arith.constant 0 : i32
    %c0_i32_0 = arith.constant 0 : i32
    return %arg0, %c0_i32 : i32, i32
  }
  func.func @transform_2(%arg0: i32) -> (i32, i32) {
    %c0_i32 = arith.constant 0 : i32
    %c0_i32_0 = arith.constant 0 : i32
    %c0_i32_1 = arith.constant 0 : i32
    return %c0_i32, %c0_i32_0 : i32, i32
  }
  func.func @transform_3(%arg0: i32) -> (i32, i32) {
    %c0_i32 = arith.constant 0 : i32
    %c0_i32_0 = arith.constant 0 : i32
    %c0_i32_1 = arith.constant 0 : i32
    return %c0_i32, %c0_i32_0 : i32, i32
  }
  func.func @transform_4(%arg0: i32) -> (i32, i32) {
    %c0_i32 = arith.constant 0 : i32
    %c0_i32_0 = arith.constant 0 : i32
    %c0_i32_1 = arith.constant 0 : i32
    return %c0_i32, %c0_i32_0 : i32, i32
  }
  func.func @transform_5(%arg0: i32) -> (i32, i32) {
    %c0_i32 = arith.constant 0 : i32
    %c0_i32_0 = arith.constant 0 : i32
    %c0_i32_1 = arith.constant 0 : i32
    return %c0_i32, %c0_i32_0 : i32, i32
  }
  func.func @transform_6(%arg0: i32) -> (i32, i32) {
    %c0_i32 = arith.constant 0 : i32
    %c0_i32_0 = arith.constant 0 : i32
    return %arg0, %c0_i32 : i32, i32
  }
  func.func @transform_7(%arg0: i32) -> (i32, i32) {
    %c0_i32 = arith.constant 0 : i32
    %c0_i32_0 = arith.constant 0 : i32
    return %arg0, %c0_i32 : i32, i32
  }
  func.func @transform_8(%arg0: i32) -> (i32, i32) {
    %c0_i32 = arith.constant 0 : i32
    %c0_i32_0 = arith.constant 0 : i32
    return %arg0, %c0_i32 : i32, i32
  }
  func.func @transform_9(%arg0: i32) -> (i32, i32) {
    %c0_i32 = arith.constant 0 : i32
    %c0_i32_0 = arith.constant 0 : i32
    return %arg0, %c0_i32 : i32, i32
  }
  func.func @transform_10(%arg0: i32) -> (i32, i32) {
    %c0_i32 = arith.constant 0 : i32
    %c0_i32_0 = arith.constant 0 : i32
    return %arg0, %c0_i32 : i32, i32
  }
}

module attributes {stable_mosaic.version = 14 : i64} {
  func.func @_shared_body(%arg0: i32, %arg1: memref<256x1024xf32, #tpu.memory_space<vmem>>, %arg2: memref<1024x1024xbf16, #tpu.memory_space<vmem>>, %arg3: memref<512x1024xbf16, #tpu.memory_space<vmem>>, %arg4: memref<256x1024xf32, #tpu.memory_space<vmem>>, %arg5: memref<256x1024xf32, #tpu.memory_space<vmem>>) attributes {dimension_semantics = [#tpu.dimension_semantics<arbitrary>], iteration_bounds = array<i64: 8>, scalar_prefetch = 0 : i64, scratch_operands = 0 : i64, tpu.core_type = #tpu.core_type<tc>, window_params = [{transform_indices = @transform_0, window_bounds = array<i64: 256, 1024>}, {pipeline_mode = #tpu.pipeline_mode<synchronous>, transform_indices = @transform_1, window_bounds = array<i64: 1024, 1024>}, {pipeline_mode = #tpu.pipeline_mode<synchronous>, transform_indices = @transform_2, window_bounds = array<i64: 512, 1024>}, {transform_indices = @transform_3, window_bounds = array<i64: 256, 1024>}, {transform_indices = @transform_4, window_bounds = array<i64: 256, 1024>}]} {
    %get3A = arith.constant 0 : index
    %get3A_0 = arith.constant 0 : index
    %get3A_1 = vector.load %arg1[%get3A, %get3A_0] : memref<256x1024xf32, #tpu.memory_space<vmem>>, vector<256x1024xf32>
    %convert_element_type3A = arith.truncf %get3A_1 : vector<256x1024xf32> to vector<256x1024xbf16>
    %get3A_2 = arith.constant 0 : index
    %get3A_3 = arith.constant 0 : index
    %get3A_4 = vector.load %arg2[%get3A_2, %get3A_3] : memref<1024x1024xbf16, #tpu.memory_space<vmem>>, vector<1024x1024xbf16>
    %dot_general3A = arith.constant dense<0.000000e+00> : vector<256x1024xf32>
    %dot_general3A_5 = tpu.matmul %convert_element_type3A, %get3A_4, %dot_general3A {dimension_numbers = #tpu.dot_dimension_numbers<[1], [0], [0], [1], [0, 0, 1, 1], [], []>, transpose_lhs_hint = false} : vector<256x1024xbf16>, vector<1024x1024xbf16>, vector<256x1024xf32> -> vector<256x1024xf32>
    %slice3A = vector.extract_strided_slice %dot_general3A_5 {offsets = [0, 0], sizes = [256, 512], strides = [1, 1]} : vector<256x1024xf32> to vector<256x512xf32>
    %slice3A_6 = vector.extract_strided_slice %dot_general3A_5 {offsets = [0, 512], sizes = [256, 512], strides = [1, 1]} : vector<256x1024xf32> to vector<256x512xf32>
    %logistic3A = arith.negf %slice3A : vector<256x512xf32>
    %logistic3A_7 = math.exp %logistic3A : vector<256x512xf32>
    %logistic3A_8 = arith.constant 1.000000e+00 : f32
    %logistic3A_9 = vector.broadcast %logistic3A_8 : f32 to vector<256x512xf32>
    %logistic3A_10 = arith.addf %logistic3A_9, %logistic3A_7 : vector<256x512xf32>
    %logistic3A_11 = arith.divf %logistic3A_9, %logistic3A_10 : vector<256x512xf32>
    %mul3A = arith.mulf %slice3A, %logistic3A_11 : vector<256x512xf32>
    %mul3A_12 = arith.mulf %mul3A, %slice3A_6 : vector<256x512xf32>
    %convert_element_type3A_13 = arith.truncf %mul3A_12 : vector<256x512xf32> to vector<256x512xbf16>
    %get3A_14 = arith.constant 0 : index
    %get3A_15 = arith.constant 0 : index
    %get3A_16 = vector.load %arg3[%get3A_14, %get3A_15] : memref<512x1024xbf16, #tpu.memory_space<vmem>>, vector<512x1024xbf16>
    %dot_general3A_17 = arith.constant dense<0.000000e+00> : vector<256x1024xf32>
    %dot_general3A_18 = tpu.matmul %convert_element_type3A_13, %get3A_16, %dot_general3A_17 {dimension_numbers = #tpu.dot_dimension_numbers<[1], [0], [0], [1], [0, 0, 1, 1], [], []>, transpose_lhs_hint = false} : vector<256x512xbf16>, vector<512x1024xbf16>, vector<256x1024xf32> -> vector<256x1024xf32>
    %get3A_19 = arith.constant 0 : index
    %get3A_20 = arith.constant 0 : index
    %get3A_21 = vector.load %arg4[%get3A_19, %get3A_20] : memref<256x1024xf32, #tpu.memory_space<vmem>>, vector<256x1024xf32>
    %add3A = arith.addf %dot_general3A_18, %get3A_21 : vector<256x1024xf32>
    %swap3A = arith.constant 0 : index
    %swap3A_22 = arith.constant 0 : index
    %swap3A_23 = vector.load %arg5[%swap3A, %swap3A_22] : memref<256x1024xf32, #tpu.memory_space<vmem>>, vector<256x1024xf32>
    tpu.vector_store %arg5[%swap3A, %swap3A_22], %add3A {strides = array<i32>} : memref<256x1024xf32, #tpu.memory_space<vmem>>, vector<256x1024xf32>,
    return
  }
  func.func @transform_0(%arg0: i32) -> (i32, i32) {
    %c0_i32 = arith.constant 0 : i32
    %c0_i32_0 = arith.constant 0 : i32
    return %arg0, %c0_i32 : i32, i32
  }
  func.func @transform_1(%arg0: i32) -> (i32, i32) {
    %c0_i32 = arith.constant 0 : i32
    %c0_i32_0 = arith.constant 0 : i32
    %c0_i32_1 = arith.constant 0 : i32
    return %c0_i32, %c0_i32_0 : i32, i32
  }
  func.func @transform_2(%arg0: i32) -> (i32, i32) {
    %c0_i32 = arith.constant 0 : i32
    %c0_i32_0 = arith.constant 0 : i32
    %c0_i32_1 = arith.constant 0 : i32
    return %c0_i32, %c0_i32_0 : i32, i32
  }
  func.func @transform_3(%arg0: i32) -> (i32, i32) {
    %c0_i32 = arith.constant 0 : i32
    %c0_i32_0 = arith.constant 0 : i32
    return %arg0, %c0_i32 : i32, i32
  }
  func.func @transform_4(%arg0: i32) -> (i32, i32) {
    %c0_i32 = arith.constant 0 : i32
    %c0_i32_0 = arith.constant 0 : i32
    return %arg0, %c0_i32 : i32, i32
  }
}

module attributes {stable_mosaic.version = 14 : i64} {
  func.func @_group_body(%arg0: i32, %arg1: memref<64xi32, #tpu.memory_space<smem>>, %arg2: memref<1x256x256xi32, #tpu.memory_space<vmem>>, %arg3: memref<1x256x256xi32, #tpu.memory_space<vmem>>, %arg4: memref<1x1024x1024xbf16, #tpu.memory_space<vmem>>, %arg5: memref<1x512x1024xbf16, #tpu.memory_space<vmem>>, %arg6: memref<256x1xf32, #tpu.memory_space<vmem>>, %arg7: memref<256x1024xf32, #tpu.memory_space<vmem>>) attributes {dimension_semantics = [#tpu.dimension_semantics<arbitrary>], iteration_bounds = array<i64: 24>, scalar_prefetch = 1 : i64, scratch_operands = 0 : i64, tpu.core_type = #tpu.core_type<tc>, window_params = [{transform_indices = @transform_0, window_bounds = array<i64: 1, 256, 256>}, {transform_indices = @transform_1, window_bounds = array<i64: 1, 256, 256>}, {transform_indices = @transform_2, window_bounds = array<i64: 1, 1024, 1024>}, {transform_indices = @transform_3, window_bounds = array<i64: 1, 512, 1024>}, {transform_indices = @transform_4, window_bounds = array<i64: 256, 1>}, {transform_indices = @transform_5, window_bounds = array<i64: 256, 1024>}]} {
    %add3A = arith.constant 32 : i32
    %add3A_0 = arith.addi %add3A, %arg0 : i32
    %get3A = arith.index_cast %add3A_0 : i32 to index
    %get3A_1 = memref.load %arg1[%get3A] : memref<64xi32, #tpu.memory_space<smem>>
    %gt3A = arith.constant 0 : i32
    %gt3A_2 = arith.cmpi sgt, %get3A_1, %gt3A : i32
    %convert_element_type3A = arith.extui %gt3A_2 : i1 to i32
    %cond3A = arith.constant 0 : i32
    %cond3A_3 = arith.cmpi ne, %convert_element_type3A, %cond3A : i32
    scf.if %cond3A_3 {
      %get3A_4 = arith.constant 0 : index
      %get3A_5 = arith.constant 0 : index
      %get3A_6 = arith.constant 0 : index
      %get3A_7 = vector.load %arg2[%get3A_4, %get3A_5, %get3A_6] : memref<1x256x256xi32, #tpu.memory_space<vmem>>, vector<1x256x256xi32>
      %get3A_8 = vector.shape_cast %get3A_7 : vector<1x256x256xi32> to vector<256x256xi32>
      %shift_left3A = arith.constant 16 : i32
      %shift_left3A_9 = vector.broadcast %shift_left3A : i32 to vector<256x256xi32>
      %shift_left3A_10 = arith.shli %get3A_8, %shift_left3A_9 : vector<256x256xi32>
      %bitcast_convert_type3A = tpu.bitcast %shift_left3A_10 : vector<256x256xi32> -> vector<256x256xf32>
      %and3A = arith.constant -65536 : i32
      %and3A_11 = vector.broadcast %and3A : i32 to vector<256x256xi32>
      %and3A_12 = arith.andi %get3A_8, %and3A_11 : vector<256x256xi32>
      %bitcast_convert_type3A_13 = tpu.bitcast %and3A_12 : vector<256x256xi32> -> vector<256x256xf32>
      %get3A_14 = arith.constant 0 : index
      %get3A_15 = arith.constant 0 : index
      %get3A_16 = arith.constant 0 : index
      %get3A_17 = vector.load %arg3[%get3A_14, %get3A_15, %get3A_16] : memref<1x256x256xi32, #tpu.memory_space<vmem>>, vector<1x256x256xi32>
      %get3A_18 = vector.shape_cast %get3A_17 : vector<1x256x256xi32> to vector<256x256xi32>
      %shift_left3A_19 = arith.constant 16 : i32
      %shift_left3A_20 = vector.broadcast %shift_left3A_19 : i32 to vector<256x256xi32>
      %shift_left3A_21 = arith.shli %get3A_18, %shift_left3A_20 : vector<256x256xi32>
      %bitcast_convert_type3A_22 = tpu.bitcast %shift_left3A_21 : vector<256x256xi32> -> vector<256x256xf32>
      %and3A_23 = arith.constant -65536 : i32
      %and3A_24 = vector.broadcast %and3A_23 : i32 to vector<256x256xi32>
      %and3A_25 = arith.andi %get3A_18, %and3A_24 : vector<256x256xi32>
      %bitcast_convert_type3A_26 = tpu.bitcast %and3A_25 : vector<256x256xi32> -> vector<256x256xf32>
      %concatenate3A = tpu.concatenate %bitcast_convert_type3A, %bitcast_convert_type3A_22, %bitcast_convert_type3A_13, %bitcast_convert_type3A_26 in 1 : vector<256x256xf32>, vector<256x256xf32>, vector<256x256xf32>, vector<256x256xf32> -> vector<256x1024xf32>
      %convert_element_type3A_27 = arith.truncf %concatenate3A : vector<256x1024xf32> to vector<256x1024xbf16>
      %get3A_28 = arith.constant 0 : index
      %get3A_29 = arith.constant 0 : index
      %get3A_30 = arith.constant 0 : index
      %get3A_31 = vector.load %arg4[%get3A_28, %get3A_29, %get3A_30] : memref<1x1024x1024xbf16, #tpu.memory_space<vmem>>, vector<1x1024x1024xbf16>
      %get3A_32 = vector.shape_cast %get3A_31 : vector<1x1024x1024xbf16> to vector<1024x1024xbf16>
      %dot_general3A = arith.constant dense<0.000000e+00> : vector<256x1024xf32>
      %dot_general3A_33 = tpu.matmul %convert_element_type3A_27, %get3A_32, %dot_general3A {dimension_numbers = #tpu.dot_dimension_numbers<[1], [0], [0], [1], [0, 0, 1, 1], [], []>, transpose_lhs_hint = false} : vector<256x1024xbf16>, vector<1024x1024xbf16>, vector<256x1024xf32> -> vector<256x1024xf32>
      %slice3A = vector.extract_strided_slice %dot_general3A_33 {offsets = [0, 0], sizes = [256, 512], strides = [1, 1]} : vector<256x1024xf32> to vector<256x512xf32>
      %slice3A_34 = vector.extract_strided_slice %dot_general3A_33 {offsets = [0, 512], sizes = [256, 512], strides = [1, 1]} : vector<256x1024xf32> to vector<256x512xf32>
      %logistic3A = arith.negf %slice3A : vector<256x512xf32>
      %logistic3A_35 = math.exp %logistic3A : vector<256x512xf32>
      %logistic3A_36 = arith.constant 1.000000e+00 : f32
      %logistic3A_37 = vector.broadcast %logistic3A_36 : f32 to vector<256x512xf32>
      %logistic3A_38 = arith.addf %logistic3A_37, %logistic3A_35 : vector<256x512xf32>
      %logistic3A_39 = arith.divf %logistic3A_37, %logistic3A_38 : vector<256x512xf32>
      %mul3A = arith.mulf %slice3A, %logistic3A_39 : vector<256x512xf32>
      %mul3A_40 = arith.mulf %mul3A, %slice3A_34 : vector<256x512xf32>
      %convert_element_type3A_41 = arith.truncf %mul3A_40 : vector<256x512xf32> to vector<256x512xbf16>
      %get3A_42 = arith.constant 0 : index
      %get3A_43 = arith.constant 0 : index
      %get3A_44 = arith.constant 0 : index
      %get3A_45 = vector.load %arg5[%get3A_42, %get3A_43, %get3A_44] : memref<1x512x1024xbf16, #tpu.memory_space<vmem>>, vector<1x512x1024xbf16>
      %get3A_46 = vector.shape_cast %get3A_45 : vector<1x512x1024xbf16> to vector<512x1024xbf16>
      %dot_general3A_47 = arith.constant dense<0.000000e+00> : vector<256x1024xf32>
      %dot_general3A_48 = tpu.matmul %convert_element_type3A_41, %get3A_46, %dot_general3A_47 {dimension_numbers = #tpu.dot_dimension_numbers<[1], [0], [0], [1], [0, 0, 1, 1], [], []>, transpose_lhs_hint = false} : vector<256x512xbf16>, vector<512x1024xbf16>, vector<256x1024xf32> -> vector<256x1024xf32>
      %get3A_49 = arith.constant 0 : index
      %get3A_50 = arith.constant 0 : index
      %get3A_51 = vector.load %arg6[%get3A_49, %get3A_50] : memref<256x1xf32, #tpu.memory_space<vmem>>, vector<256x1xf32>
      %mul3A_52 = vector.broadcast %get3A_51 : vector<256x1xf32> to vector<256x1024xf32>
      %mul3A_53 = arith.mulf %dot_general3A_48, %mul3A_52 : vector<256x1024xf32>
      %swap3A = arith.constant 0 : index
      %swap3A_54 = arith.constant 0 : index
      %swap3A_55 = vector.load %arg7[%swap3A, %swap3A_54] : memref<256x1024xf32, #tpu.memory_space<vmem>>, vector<256x1024xf32>
      tpu.vector_store %arg7[%swap3A, %swap3A_54], %mul3A_53 {strides = array<i32>} : memref<256x1024xf32, #tpu.memory_space<vmem>>, vector<256x1024xf32>,
    } else {
    }
    return
  }
  func.func @transform_0(%arg0: i32, %arg1: memref<64xi32, #tpu.memory_space<smem>>) -> (i32, i32, i32) {
    %c0_i32 = arith.constant 0 : i32
    %c0_i32_0 = arith.constant 0 : i32
    %c0_i32_1 = arith.constant 0 : i32
    return %c0_i32, %arg0, %c0_i32_0 : i32, i32, i32
  }
  func.func @transform_1(%arg0: i32, %arg1: memref<64xi32, #tpu.memory_space<smem>>) -> (i32, i32, i32) {
    %c1_i32 = arith.constant 1 : i32
    %c0_i32 = arith.constant 0 : i32
    %c0_i32_0 = arith.constant 0 : i32
    return %c1_i32, %arg0, %c0_i32 : i32, i32, i32
  }
  func.func @transform_2(%arg0: i32, %arg1: memref<64xi32, #tpu.memory_space<smem>>) -> (i32, i32, i32) {
    %get3A = arith.index_cast %arg0 : i32 to index
    %get3A_0 = memref.load %arg1[%get3A] : memref<64xi32, #tpu.memory_space<smem>>
    %c0_i32 = arith.constant 0 : i32
    %c0_i32_1 = arith.constant 0 : i32
    %c0_i32_2 = arith.constant 0 : i32
    return %get3A_0, %c0_i32, %c0_i32_1 : i32, i32, i32
  }
  func.func @transform_3(%arg0: i32, %arg1: memref<64xi32, #tpu.memory_space<smem>>) -> (i32, i32, i32) {
    %get3A = arith.index_cast %arg0 : i32 to index
    %get3A_0 = memref.load %arg1[%get3A] : memref<64xi32, #tpu.memory_space<smem>>
    %c0_i32 = arith.constant 0 : i32
    %c0_i32_1 = arith.constant 0 : i32
    %c0_i32_2 = arith.constant 0 : i32
    return %get3A_0, %c0_i32, %c0_i32_1 : i32, i32, i32
  }
  func.func @transform_4(%arg0: i32, %arg1: memref<64xi32, #tpu.memory_space<smem>>) -> (i32, i32) {
    %c0_i32 = arith.constant 0 : i32
    %c0_i32_0 = arith.constant 0 : i32
    return %arg0, %c0_i32 : i32, i32
  }
  func.func @transform_5(%arg0: i32, %arg1: memref<64xi32, #tpu.memory_space<smem>>) -> (i32, i32) {
    %c0_i32 = arith.constant 0 : i32
    %c0_i32_0 = arith.constant 0 : i32
    return %arg0, %c0_i32 : i32, i32
  }
}

</mosaic_0001>

<sc_bundles>
// kernel: kernel.10.cloned.1.call-start
scs
__scs_entry_jumppad:
0x0: {  	(pc) =	sbr.rel $0x88, $3  }
0x1: {  	(tag) =	ssettag $0x0;
	lr =	simm.s32 $0x1  }
0x2: {  	[smem:$0x3F93] =	sst lr;
	_ =	strace $0xD0000000  }
0x3: {  	_ = 	snop  }
0x4: {  	_ = 	snop  }
0x5: {  	_ = 	snop  }
0x6: {  	_ = 	snop  }
0x7: {  	_ = 	snop  }
__scs_overlays_trampoline_lowered:
0x8: {  	[smem:$0x3FA2] =	sst s0  }
0x9: {  	[smem:$0x3FA3] =	sst s1  }
0xa: {  	[smem:$0x3FA4] =	sst s2  }
0xb: {  	[smem:$0x3FA5] =	sst s3  }
0xc: {  	[smem:$0x3FA6] =	sst s4  }
0xd: {  	[smem:$0x3FA7] =	sst s5  }
0xe: {  	[smem:$0x3FA8] =	sst s6  }
0xf: {  	[smem:$0x3FA9] =	sst s7  }
0x10: {  	[smem:$0x3FAA] =	sst s8  }
0x11: {  	[smem:$0x3FAB] =	sst s9;
	s0 =	simm.s32 @!p0 $0x0  }
0x12: {  	s1 =	sld [smem:$0x3F91];
	s0 =	simm.s32 @p0 $0x1  }
0x13: {  	[smem:$0x3FAC] =	sst s0;
	s0 =	simm.s32 @!p1 $0x0  }
0x14: {  	s2 =	sld [smem:$0x3F90];
	s0 =	simm.s32 @p1 $0x1  }
0x15: {  	[smem:$0x3FAD] =	sst s0;
	s0 =	simm.s32 @!p2 $0x0  }
0x16: {  	s3 =	sld [smem:$0x3FDB];
	s0 =	simm.s32 @p2 $0x1  }
0x17: {  	s4 =	simm.s32 $0x1BF5;
	[smem:$0x3FAF] =	sst s0  }
0x18: {  	s0 =	sld [smem:$0x3F92];
	_ =	swait.ge [sflag:s4], $0x0  }
0x19: {  	s7 =	sld [smem:$0x3F93]  }
0x1a: {  	s8 =	sadd.s32 $0xFFFFE003, lr  }
0x1b: {  	s9 =	sadd.s32 $0xFFFFFEF7, lr;
	s5 =	simm.s32 $0xFFFFFFFF;
	p2 =	slt.u32 s8, $0xFFFFF086  }
0x1c: {  	p1 =	slt.u32 s9, $0xF7A;
	s5 =	simm.s32 @!p2 $0x0  }
0x1d: {  	s5 =	simm.s32 @p1 $0x1;
	p0 =	seq.s32 s7, s2  }
0x1e: {  	s7 =	smul.u32 @!p0 $0xF7A, s2;
	p2 =	seq.s32 @!p0 s5, $0x0  }
0x1f: {  	s9 =	smul.u32 $0xF7A, s1;
	s8 =	simm.s32 @!p0 $0x1BF5;
	p2 =	por !p2, p0  }
0x20: {  	[sflag:s8] =	ssyncset.s32 @!p0 $0xFFFFF086;
	s6 =	sadd.s32 @!p0 s3, s7;
	s7 =	simm.s32 @!p0 $0x108  }
0x21: {  	s3 =	sadd.s32 s3, s9;
	s6 =	sadd.s32 @!p0 $0x88, s6;
	s7 =	simm.s32 @p2 $0x1082  }
0x22: {  	[simem:s7], [sflag:s8] =	dma.local @!p0 [hbm:s6], $0xF7A  }
0x23: {  	s9 =	sor.u32 $0xD0000000, s2;
	s6 =	simm.s32 $0x108;
	_ =	swait.ge @!p0 [sflag:s8], $0x0  }
0x24: {  	s3 =	sadd.s32 $0x88, s3;
	s6 =	simm.s32 @!p1 $0x1082;
	[sflag:s4] =	ssyncset.s32 $0xFFFFF086  }
0x25: {  	[simem:s6], [sflag:s4] =	dma.local [hbm:s3], $0xF7A  }
0x26: {  	[smem:$0x3F93] =	sst s1;
	(tag) =	ssettag s2;
	_ =	strace s9  }
0x27: {  	s1 =	sld [smem:$0x3FA3]  }
0x28: {  	s2 =	sld [smem:$0x3FA4]  }
0x29: {  	s4 =	sld [smem:$0x3FA6]  }
0x2a: {  	p0 =	seq.s32 s5, $0x0;
	s5 =	sld [smem:$0x3FA7]  }
0x2b: {  	s6 =	sld [smem:$0x3FA8]  }
0x2c: {  	s7 =	sld [smem:$0x3FA9]  }
0x2d: {  	s3 =	simm.s32 $0x108;
	s8 =	sld [smem:$0x3FAA]  }
0x2e: {  	s3 =	simm.s32 @!p0 $0x1082;
	s9 =	sld [smem:$0x3FAB]  }
0x2f: {  	lr =	sadd.s32 s0, s3;
	s0 =	sld [smem:$0x3FA2]  }
0x30: {  	s3 =	sld [smem:$0x3FA5]  }
0x31: {  	[smem:$0x3FAE] =	sst s10  }
0x32: {  	s10 =	sld [smem:$0x3FAC];
	_ =	sdelay $0x3  }
0x33: {  	p0 =	seq.s32 s10, $0x1;
	s10 =	sld [smem:$0x3FAE];
	_ =	sdelay $0x3  }
0x34: {  	[smem:$0x3FAE] =	sst s10  }
0x35: {  	s10 =	sld [smem:$0x3FAD];
	_ =	sdelay $0x3  }
0x36: {  	p1 =	seq.s32 s10, $0x1;
	s10 =	sld [smem:$0x3FAE];
	_ =	sdelay $0x3  }
0x37: {  	[smem:$0x3FAE] =	sst s10  }
0x38: {  	s10 =	sld [smem:$0x3FAF]  }
0x39: {  	_ = 	snop;
	(pc) =	sbr.ind lr, $3  }
0x3a: {  	_ = 	snop  }
0x3b: {  	_ = 	snop  }
0x3c: {  	p2 =	seq.s32 s10, $0x1;
	s10 =	sld [smem:$0x3FAE]  }
0x3d: {  	_ =	shalt  }
0x3e: {  	_ =	shalt  }
0x3f: {  	_ =	shalt  }
0x40: {  	_ =	shalt  }
0x41: {  	_ =	shalt  }
0x42: {  	_ =	shalt  }
0x43: {  	_ =	shalt  }
0x44: {  	_ =	shalt  }
0x45: {  	_ =	shalt  }
0x46: {  	_ =	shalt  }
0x47: {  	_ =	shalt  }
0x48: {  	_ =	shalt  }
0x49: {  	_ =	shalt  }
0x4a: {  	_ =	shalt  }
0x4b: {  	_ =	shalt  }
0x4c: {  	_ =	shalt  }
0x4d: {  	_ =	shalt  }
0x4e: {  	_ =	shalt  }
0x4f: {  	_ =	shalt  }
0x50: {  	_ =	shalt  }
0x51: {  	_ =	shalt  }
0x52: {  	_ =	shalt  }
0x53: {  	_ =	shalt  }
0x54: {  	_ =	shalt  }
0x55: {  	_ =	shalt  }
0x56: {  	_ =	shalt  }
0x57: {  	_ =	shalt  }
0x58: {  	_ =	shalt  }
0x59: {  	_ =	shalt  }
0x5a: {  	_ =	shalt  }
0x5b: {  	_ =	shalt  }
0x5c: {  	_ =	shalt  }
0x5d: {  	_ =	shalt  }
0x5e: {  	_ =	shalt  }
0x5f: {  	_ =	shalt  }
0x60: {  	_ =	shalt  }
0x61: {  	_ =	shalt  }
0x62: {  	_ =	shalt  }
0x63: {  	_ =	shalt  }
0x64: {  	_ =	shalt  }
0x65: {  	_ =	shalt  }
0x66: {  	_ =	shalt  }
0x67: {  	_ =	shalt  }
0x68: {  	_ =	shalt  }
0x69: {  	_ =	shalt  }
0x6a: {  	_ =	shalt  }
0x6b: {  	_ =	shalt  }
0x6c: {  	_ =	shalt  }
0x6d: {  	_ =	shalt  }
0x6e: {  	_ =	shalt  }
0x6f: {  	_ =	shalt  }
0x70: {  	_ =	shalt  }
0x71: {  	_ =	shalt  }
0x72: {  	_ =	shalt  }
0x73: {  	_ =	shalt  }
0x74: {  	_ =	shalt  }
0x75: {  	_ =	shalt  }
0x76: {  	_ =	shalt  }
0x77: {  	_ =	shalt  }
0x78: {  	_ =	shalt  }
0x79: {  	_ =	shalt  }
0x7a: {  	_ =	shalt  }
0x7b: {  	_ =	shalt  }
0x7c: {  	_ =	shalt  }
0x7d: {  	_ =	shalt  }
0x7e: {  	_ =	shalt  }
0x7f: {  	_ =	shalt  }
0x80: {  	_ =	shalt  }
0x81: {  	_ =	shalt  }
0x82: {  	_ =	shalt  }
0x83: {  	_ =	shalt  }
0x84: {  	_ =	shalt  }
0x85: {  	_ =	shalt  }
0x86: {  	_ =	shalt  }
0x87: {  	_ =	shalt  }
.Lfunc_end0:
.L_simem_size_0:
called_computation_lowered:
.L_overlay_start_0:
0x88: {  	s2 =	sld [smem:$0x3FD9]  }
0x89: {  	s3 =	sld [smem:$0x3FFE];
	_ =	sdelay $0x1  }
0x8a: {  	s1 =	srdreg.scid  }
0x8b: {  	s0 =	sand.u32 $0x1, s1  }
0x8c: {  	s16 =	sshll.u32 s0, $0xA;
	s2 =	sadd.s32 s3, s2  }
0x8d: {  	s2 =	sadd.s32 s2, s16  }
0x8e: {  	[smem:$0x3FBA] =	sst s2  }
0x8f: {  	_ = 	snop  }
0x90: {  	(tm) =	ssettm $0x1  }
0x91: {  	s17 =	sld [smem:$0x3FFB];
	_ =	sdelay $0x3  }
0x92: {  	_ =	strace s17  }
0x93: {  	s2 =	sld [smem:$0x3FFC];
	_ =	sdelay $0x3  }
0x94: {  	_ =	strace s2  }
0x95: {  	s2 =	sld [smem:$0x3FFD];
	_ =	sdelay $0x3  }
0x96: {  	_ =	strace s2  }
0x97: {  	_ =	strace $0x8FFFFFFF  }
0x98: {  	s18 =	sld [smem:$0x3FDB];
	_ =	sdelay $0x1  }
0x99: {  	s19 =	simm.s32 $_scs_section_size  }
0x9a: {  	s4 =	simm.s32 $_size__tile_overlayer_lowered;
	s5 =	simm.s32 $_tile_overlayer_lowered  }
0x9b: {  	s22 =	simm.s32 $0x1BFF;
	s21 =	sshll.u32 s5, $0x1;
	s2 =	sadd.s32 s19, s18  }
0x9c: {  	s6 =	simm.s32 $0x0;
	s20 =	sshll.u32 s4, $0x1;
	s4 =	sadd.s32 s21, s2  }
0x9d: {  	[timem:s6], [sflag:s22] =	dma.local [hbm:s4], s20  }
0x9e: {  	_ =	swait.ge [sflag:s22], s20  }
0x9f: {  	s3 =	ssub.s32 $0x0, s20;
	[sflag:s22] =	ssyncset.done $0x0  }
0xa0: {  	[sflag:s22] =	ssyncadd.s32 s3;
	_ =	sdelay $0x1  }
0xa1: {  	s23 =	simm.s32 $0x1B8B  }
0xa2: {  	_ =	swait.ge [sflag:s23], $0x1  }
0xa3: {  	[sflag:s23] =	ssyncset.done $0x0  }
0xa4: {  	s25 =	simm.s32 $0x1B8E;
	s24 =	sld [smem:$0x3FFE];
	[sflag:s23] =	ssyncadd.s32 $0xFFFFFFFF  }
0xa5: {  	s26 =	simm.s32 $execute0_lowered;
	[smem:$0x3FD2] =	sst s25  }
0xa6: {  	s4 =	sshll.u32 s26, $0x1;
	_ =	strace $0x80000046;
	[dreg:$0x1] =	wrdreg $0xFFFFFFFF  }
0xa7: {  	s28 =	simm.s32 $_size_execute0_lowered;
	s2 =	sadd.s32 s2, s4;
	[dreg:$0x0] =	wrdreg $0x0  }
0xa8: {  	s4 =	sshll.u32 s28, $0x1;
	[dreg:$0x2] =	wrdreg s2  }
0xa9: {  	[dreg:$0x3] =	wrdreg s4  }
0xaa: {  	[dreg:$0x4] =	wrdreg $0xC0  }
0xab: {  	_ =	task [dreg:s6], $0x5FFFF  }
0xac: {  	[dreg:$0x1] =	wrdreg $0xFFFFFFFF  }
0xad: {  	[dreg:$0x0] =	wrdreg $0x60  }
0xae: {  	[dreg:$0x2] =	wrdreg s24  }
0xaf: {  	[dreg:$0x3] =	wrdreg $0x9  }
0xb0: {  	_ =	task.clear_ibuf [dreg:s6], $0x4FFFF;
	_ =	strace $0x90000046  }
0xb1: {  	s29 =	simm.s32 $0x9;
	_ =	strace $0x80000048  }
0xb2: {  	_ =	swait.ge [sflag:s29], $0x1  }
0xb3: {  	[sflag:s29] =	ssyncadd.s32 $0xFFFFFFFF  }
0xb4: {  	_ =	strace $0x90000048  }
0xb5: {  	_ =	sfence  }
0xb6: {  	s30 =	sld [smem:$0x0];
	_ =	sdelay $0x2  }
0xb7: {  	s31 =	sshll.u32 s1, $0xD;
	s1 =	sshrl.u32 s1, $0x2  }
0xb8: {  	s3 =	sand.u32 $0x4000, s31;
	s1 =	sadd.s32 s1, s30  }
0xb9: {  	s0 =	sor.u32 s3, s0;
	s1 =	sshll.u32 s1, $0x11  }
0xba: {  	s0 =	sor.u32 s1, s0  }
0xbb: {  	s0 =	sadd.s32 $0x8F2B, s0  }
0xbc: {  	[sflag:s0] =	ssyncadd.remote.s32 $0x1  }
0xbd: {  	_ =	sfence.sel $0xFFFF  }
0xbe: {  	[dreg:$0x0] =	wrdreg $0xFFFFFFFF;
	(pc) =	sbr.abs _section_cstart, $3  }
0xbf: {  	[dreg:$0x1] =	wrdreg $0xFFFFFFFF  }
0xc0: {  	_ =	task.clear_ibuf [dreg:s6], $0x2FFFF;
	_ =	strace $0x9FFFFFFF  }
0xc1: {  	(tm) =	ssettm $0x7FFFFFFF  }
tec
execute0_lowered:
.L_overlay_start_1:
0x0: {  	(tag) =	ssettag $0x1  }
0x1: {  	s0 =	srdreg.scid  }
0x2: {  	s4 =	sand.u32 $0x1, s0;
	s0 =	stileid.u32  }
0x3: {  	s2 =	sshll.u32 s0, $0x1;
	s3 =	ssub.s32 $0x0, s4  }
0x4: {  	p0 =	sne.s32 s2, s3  }
.Ltmp0:
0x5: {  	_ = 	snop;
	(pc) =	sbr.rel @p0 .LBB2_9-.Ltmp0, $3  }
0x6: {  	_ =	sdelay $0x1  }
0x7: {  	s7 =	rddreg [dreg:$0x0]  }
0x8: {  	s1 =	rddreg [dreg:$0x1];
	_ =	strace $0x80000047  }
0x9: {  	v0 =	vimm.s32 $0x0;
	vm0 =	vmmov $0x1;
	vm1 =	vcmask $0x704;
	s2 =	sadd.s32 $0x43A00, s7;
	s3 =	sadd.s32 $0x43C00, s7;
	s8 =	ssub.s32 $0x2, s4  }
0xa: {  	v1 =	vlaneseq.u32;
	vm14 =	vcmask $0xB08;
	vm2 =	vcmask $0xF0C;
	s4 =	sadd.s32 $0x44200, s7;
	s5 =	sadd.s32 $0x43E00, s7;
	s6 =	sadd.s32 $0x44800, s7  }
0xb: {  	vm4 =	vcmask $0x1310;
	vm5 =	vcmask $0x1714;
	vm6 =	vcmask $0x1B18;
	s7 =	sadd.s32 $0x44600, s7;
	s10 =	simm.s32 $0x1;
	s11 =	simm.s32 $0x1000  }
0xc: {  	vm7 =	vcmask $0x1F1C;
	vm13 =	vcmask $0x1B20;
	s12 =	simm.s32 $0x2000;
	s13 =	simm.s32 $0x3800;
	v2 =	vmul.u32 $0x100, v1;
	s9 =	sshrl.u32 s8, $0x1  }
0xd: {  	vm3 =	vcmask $0x308;
	vm12 =	vcmask $0x70C;
	v6 =	vimm.f32 $0.0e+00;
	s14 =	simm.s32 $0x5000;
	s15 =	simm.s32 $0x6000;
	s8 =	ssub.s32 s8, s9  }
0xe: {  	s16 =	simm.s32 $0x0;
	s9 =	simm.s32 $0x0;
	v3 =	vor.u32 $0x1, v2;
	s8 =	smax.u32 s8, $0x1;
	v4 =	vor.u32 $0x1001, v2;
	v5 =	vor.u32 $0x1000, v2  }
.LBB2_2:
0xf: {  	[tilespmem:s9], [sflag:$0x1] =	stream.linear.gather [hbm4b:s2+s9], $0x1000, $0x38;
	[tilespmem:$0x6080] =	vst v63  }
0x10: {  	_ =	swait.ge [sflag:s10], $0x1000  }
0x11: {  	[sflag:s10] =	ssyncset.done $0x0  }
0x12: {  	[sflag:s10] =	ssyncadd.s32 $0xFFFFF000  }
0x13: {  	[tilespmem:s11], [sflag:$0x1] =	stream.linear.gather [hbm4b:s3+s9], $0x1000, $0x38;
	[tilespmem:$0x6080] =	vst v63  }
0x14: {  	_ =	swait.ge [sflag:s10], $0x1000  }
0x15: {  	[sflag:s10] =	ssyncset.done $0x0  }
0x16: {  	s17 =	simm.s32 $0x0;
	[sflag:s10] =	ssyncadd.s32 $0xFFFFF000  }
0x17: {  	v8 =	vld [tilespmem:s17+$0x0];
	_ =	sdelay $0x4  }
0x18: {  	vm8 =	veq.s32 v8, $0x0  }
0x19: {  	vm9 =	veq.s32 v8, $0x1;
	v7 =	vsel vm8, $0x1, v0  }
0x1a: {  	s31 =	simm.s32 $0x10;
	vm8 =	veq.s32 v8, $0x2;
	v9 =	vsel vm9, $0x1, v0;
	(xrf0) =	vadd.scan.msk.s32 $0xffff, v7  }
0x1b: {  	vm9 =	veq.s32 v8, $0x3;
	v7 =	vld [tilespmem:s31+$0x0];
	v10 =	vsel vm8, $0x1, v0;
	(xrf0) =	vadd.scan.msk.s32 $0xffff, v9  }
0x1c: {  	vm8 =	veq.s32 v8, $0x4;
	v9 =	vsel vm9, $0x1, v0;
	(xrf0) =	vadd.scan.msk.s32 $0xffff, v10  }
0x1d: {  	v10 =	vsel vm8, $0x1, v0;
	vm8 =	veq.s32 v8, $0x5;
	(xrf0) =	vadd.scan.msk.s32 $0xffff, v9  }
0x1e: {  	v9 =	vsel vm8, $0x1, v0;
	vm8 =	veq.s32 v8, $0x6;
	(xrf0) =	vadd.scan.msk.s32 $0xffff, v10  }
0x1f: {  	vm9 =	veq.s32 v8, $0x7;
	v8 =	vimm.s32 $0x0;
	v11 =	vsel vm8, $0x1, v0;
	(xrf0) =	vadd.scan.msk.s32 $0xffff, v9  }
0x20: {  	s17 =	simm.s32 $0x80;
	vm8 =	veq.s32 v7, $0x3;
	vm15 =	veq.s32 v7, $0x4;
	v9 =	vsel vm9, $0x1, v0;
	v10, _, _ =	vpop (xrf0);
	(xrf0) =	vadd.scan.msk.s32 $0xffff, v11  }
.LBB2_3:
0x21: {  	p0 =	sne.s32 s17, $0x3FC0;
	vm10 =	veq.s32 v7, $0x1;
	vm9 =	veq.s32 v7, $0x2;
	v10 =	vbroadcast v10, $0xF;
	v11, _, _ =	vpop (xrf0);
	(xrf0) =	vadd.scan.msk.s32 $0xffff, v9  }
0x22: {  	vm11 =	veq.s32 v7, $0x0;
	v9 =	vsel vm10, $0x1, v0;
	v11 =	vbroadcast v11, $0xF;
	v12, _, _ =	vpop (xrf0)  }
0x23: {  	v13 =	vsel vm11, $0x1, v0;
	v10 =	vnsel vm0, $0x0, v10;
	v12 =	vbroadcast v12, $0xF;
	v14, _, _ =	vpop (xrf0)  }
0x24: {  	v8 =	vadd.s32 v8, v10;
	v10 =	vnsel vm1, $0x0, v11;
	v11 =	vbroadcast v14, $0xF;
	v14, _, _ =	vpop (xrf0)  }
0x25: {  	v8 =	vadd.s32 v10, v8;
	v10 =	vnsel vm14, $0x0, v12;
	v12 =	vbroadcast v14, $0xF;
	v14, _, _ =	vpop (xrf0)  }
0x26: {  	v8 =	vadd.s32 v10, v8;
	v10 =	vnsel vm2, $0x0, v11;
	v11 =	vbroadcast v14, $0xF;
	v14, _, _ =	vpop (xrf0)  }
0x27: {  	v8 =	vadd.s32 v10, v8;
	v10 =	vnsel vm4, $0x0, v12;
	v12 =	vbroadcast v14, $0xF;
	v14, _, _ =	vpop (xrf0)  }
0x28: {  	s18 =	sshra.s32 s17, $0x2;
	(xrf0) =	vadd.scan.msk.s32 $0xffff, v13;
	v8 =	vadd.s32 v10, v8;
	v10 =	vnsel vm5, $0x0, v11;
	v11 =	vbroadcast v14, $0xF;
	v13 =	vmovc v7  }
0x29: {  	v14 =	vsel vm9, $0x1, v0;
	v7 =	vld [tilespmem:s18+$0x0];
	(xrf0) =	vadd.scan.msk.s32 $0xffff, v9;
	v8 =	vadd.s32 v10, v8;
	v9 =	vnsel vm6, $0x0, v12  }
.Ltmp1:
0x2a: {  	v10 =	vsel vm8, $0x1, v0;
	(xrf0) =	vadd.scan.msk.s32 $0xffff, v14;
	v8 =	vadd.s32 v9, v8;
	v9 =	vnsel vm7, $0x0, v11;
	(pc) =	sbr.rel @p0 .LBB2_3-.Ltmp1, $4  }
0x2b: {  	vm8 =	veq.s32 v13, $0x5;
	v11 =	vsel vm15, $0x1, v0;
	(xrf0) =	vadd.scan.msk.s32 $0xffff, v10;
	v8 =	vadd.s32 v9, v8  }
0x2c: {  	v9 =	vsel vm8, $0x1, v0;
	vm8 =	veq.s32 v13, $0x6;
	(xrf0) =	vadd.scan.msk.s32 $0xffff, v11  }
0x2d: {  	vm9 =	veq.s32 v13, $0x7;
	v11 =	vsel vm8, $0x1, v0;
	(xrf0) =	vadd.scan.msk.s32 $0xffff, v9  }
0x2e: {  	s17 =	sadd.s32 $0x40, s17;
	v9 =	vsel vm9, $0x1, v0;
	vm8 =	veq.s32 v7, $0x3;
	vm15 =	veq.s32 v7, $0x4;
	v10, _, _ =	vpop (xrf0);
	(xrf0) =	vadd.scan.msk.s32 $0xffff, v11  }
0x2f: {  	vm9 =	veq.s32 v7, $0x1;
	v10 =	vbroadcast v10, $0xF  }
0x30: {  	v11, _, _ =	vpop (xrf0);
	vm10 =	veq.s32 v7, $0x0;
	v12 =	vsel vm9, $0x1, v0  }
0x31: {  	v11 =	vbroadcast v11, $0xF;
	v13, _, _ =	vpop (xrf0);
	v14 =	vsel vm10, $0x1, v0;
	v10 =	vnsel vm0, $0x0, v10  }
0x32: {  	vm9 =	veq.s32 v7, $0x2;
	v13 =	vbroadcast v13, $0xF;
	v15, _, _ =	vpop (xrf0);
	v8 =	vadd.s32 v8, v10  }
0x33: {  	(xrf0) =	vadd.scan.msk.s32 $0xffff, v9;
	v9 =	vnsel vm1, $0x0, v11;
	v10 =	vbroadcast v15, $0xF;
	v11 =	vsel vm9, $0x1, v0  }
0x34: {  	v40 =	vsel vm15, $0x1, v0;
	v36, _, _ =	vpop (xrf0);
	(xrf0) =	vadd.scan.msk.s32 $0xffff, v14;
	v8 =	vadd.s32 v9, v8;
	v9 =	vnsel vm14, $0x0, v13  }
0x35: {  	v37 =	vbroadcast v36, $0xF;
	v38, _, _ =	vpop (xrf0);
	(xrf0) =	vadd.scan.msk.s32 $0xffff, v12;
	v8 =	vadd.s32 v9, v8;
	v9 =	vnsel vm2, $0x0, v10  }
0x36: {  	(xrf0) =	vadd.scan.msk.s32 $0xffff, v11;
	v8 =	vadd.s32 v9, v8;
	v9 =	vsel vm8, $0x1, v0;
	v11, _, _ =	vpop (xrf0);
	vm8 =	veq.s32 v7, $0x5  }
0x37: {  	(xrf0) =	vadd.scan.msk.s32 $0xffff, v9;
	v9 =	vbroadcast v11, $0xF;
	v11 =	vsel vm8, $0x1, v0;
	vm8 =	veq.s32 v7, $0x6  }
0x38: {  	v10 =	vbroadcast v38, $0xF;
	(xrf0) =	vadd.scan.msk.s32 $0xffff, v40;
	v42 =	vsel vm8, $0x1, v0;
	vm8 =	veq.s32 v7, $0x7  }
0x39: {  	v39 =	vnsel vm4, $0x0, v37;
	v41, _, _ =	vpop (xrf0);
	(xrf0) =	vadd.scan.msk.s32 $0xffff, v11;
	v11 =	vsel vm8, $0x1, v0  }
0x3a: {  	v8 =	vadd.s32 v39, v8;
	v7 =	vnsel vm5, $0x0, v10;
	v10 =	vbroadcast v41, $0xF;
	v43, _, _ =	vpop (xrf0);
	(xrf0) =	vadd.scan.msk.s32 $0xffff, v42  }
0x3b: {  	v7 =	vadd.s32 v7, v8;
	v8 =	vnsel vm6, $0x0, v9;
	v9 =	vbroadcast v43, $0xF;
	v44, _, _ =	vpop (xrf0);
	(xrf0) =	vadd.scan.msk.s32 $0xffff, v11  }
0x3c: {  	v7 =	vadd.s32 v8, v7;
	v8 =	vnsel vm7, $0x0, v10;
	v10 =	vbroadcast v44, $0xF;
	v11, _, _ =	vpop (xrf0)  }
0x3d: {  	v7 =	vadd.s32 v8, v7;
	v8 =	vnsel vm0, $0x0, v9;
	v9 =	vbroadcast v11, $0xF;
	v11, _, _ =	vpop (xrf0)  }
0x3e: {  	v7 =	vadd.s32 v7, v8;
	v8 =	vnsel vm1, $0x0, v10;
	v10 =	vbroadcast v11, $0xF;
	v11, _, _ =	vpop (xrf0)  }
0x3f: {  	v7 =	vadd.s32 v8, v7;
	v8 =	vnsel vm14, $0x0, v9;
	v9 =	vbroadcast v11, $0xF;
	v11, _, _ =	vpop (xrf0)  }
0x40: {  	v7 =	vadd.s32 v8, v7;
	v8 =	vnsel vm2, $0x0, v10;
	v10 =	vbroadcast v11, $0xF;
	v11, _, _ =	vpop (xrf0)  }
0x41: {  	v7 =	vadd.s32 v8, v7;
	v8 =	vnsel vm4, $0x0, v9;
	v9 =	vbroadcast v11, $0xF;
	v11, _, _ =	vpop (xrf0)  }
0x42: {  	v7 =	vadd.s32 v8, v7;
	v8 =	vnsel vm5, $0x0, v10;
	v10 =	vbroadcast v11, $0xF  }
0x43: {  	v7 =	vadd.s32 v8, v7;
	v8 =	vnsel vm6, $0x0, v9  }
0x44: {  	v7 =	vadd.s32 v8, v7;
	v8 =	vnsel vm7, $0x0, v10  }
0x45: {  	v7 =	vadd.s32 v8, v7  }
0x46: {  	v7 =	vadd.s32 $0xFF, v7  }
0x47: {  	v7 =	vand.u32 $0xFFFFFF00, v7  }
0x48: {  	(xrf0) =	vadd.scan.msk.s32 $0xffff, v7;
	_ =	sdelay $0x5  }
0x49: {  	v8, _, _ =	vpop (xrf0)  }
0x4a: {  	v9 =	vsel vm13, $0x0, v8  }
0x4b: {  	(xrf0) =	vadd.scan.msk.s32 $0xffff, v9;
	v9 =	vnsel vm0, $0x0, v8  }
0x4c: {  	(xrf0) =	vadd.scan.msk.s32 $0xffff, v9;
	v9 =	vsel vm3, $0x0, v8  }
0x4d: {  	vm15 =	vmmov vm1;
	vm1 =	vcmask $0xB10;
	(xrf0) =	vadd.scan.msk.s32 $0xffff, v9;
	v9 =	vsel vm12, $0x0, v8  }
0x4e: {  	(xrf0) =	vadd.scan.msk.s32 $0xffff, v9;
	v9 =	vsel vm1, $0x0, v8  }
0x4f: {  	vm2 =	vcmask $0xF14  }
0x50: {  	vm4 =	vcmask $0x1318;
	v10 =	vsel vm2, $0x0, v8;
	(xrf0) =	vadd.scan.msk.s32 $0xffff, v9  }
0x51: {  	vm5 =	vcmask $0x171C;
	v9, _, _ =	vpop (xrf0);
	(xrf0) =	vadd.scan.msk.s32 $0xffff, v10;
	v10 =	vsel vm4, $0x0, v8  }
0x52: {  	v11, _, _ =	vpop (xrf0);
	(xrf0) =	vadd.scan.msk.s32 $0xffff, v10;
	v10 =	vsel vm5, $0x0, v8;
	_ =	sdelay $0x1  }
0x53: {  	v45, _, _ =	vpop (xrf0);
	v11 =	vbroadcast v11, $0xF;
	(xrf0) =	vadd.scan.msk.s32 $0xffff, v10  }
0x54: {  	v12 =	vbroadcast v45, $0xF;
	v10, _, _ =	vpop (xrf0)  }
0x55: {  	vm8 =	vlt.s32 v11, v3;
	v10 =	vbroadcast v10, $0xF  }
0x56: {  	v9 =	vbroadcast v9, $0xF;
	vm9 =	vlt.s32 v12, v3;
	v46, _, _ =	vpop (xrf0);
	v47 =	vsel vm8, $0x1, v0  }
0x57: {  	v48 =	vsel vm9, $0x1, v0;
	v13 =	vbroadcast v46, $0xF;
	v49, _, _ =	vpop (xrf0);
	vm8 =	vlt.s32 v10, v3  }
0x58: {  	v14 =	vadd.s32 v48, v47;
	v15 =	vbroadcast v49, $0xF;
	v17, _, _ =	vpop (xrf0);
	v16 =	vsel vm8, $0x1, v0  }
0x59: {  	vm8 =	vlt.s32 v13, v3;
	v17 =	vbroadcast v17, $0xF;
	v18, _, _ =	vpop (xrf0);
	v14 =	vadd.s32 v16, v14  }
0x5a: {  	v50 =	vsel vm8, $0x1, v0;
	vm8 =	vlt.s32 v15, v3;
	v51 =	vbroadcast v18, $0xF  }
0x5b: {  	v14 =	vadd.s32 v50, v14;
	v52 =	vsel vm8, $0x1, v0;
	vm8 =	vlt.s32 v17, v3  }
0x5c: {  	v14 =	vadd.s32 v52, v14;
	v53 =	vsel vm8, $0x1, v0;
	vm8 =	vlt.s32 v51, v3  }
0x5d: {  	v14 =	vadd.s32 v53, v14;
	v54 =	vsel vm8, $0x1, v0;
	vm8 =	vlt.s32 v9, v3  }
0x5e: {  	v14 =	vadd.s32 v54, v14;
	v55 =	vsel vm8, $0x1, v0;
	vm8 =	vlt.s32 v11, v4  }
0x5f: {  	v11 =	vadd.s32 v55, v14;
	v56 =	vsel vm8, $0x1, v0;
	vm8 =	vlt.s32 v12, v4  }
0x60: {  	v11 =	vmin.u32 v11, $0x7;
	v12 =	vsel vm8, $0x1, v0;
	vm8 =	vlt.s32 v10, v4  }
0x61: {  	v10 =	vadd.s32 v12, v56;
	v57 =	vsel vm8, $0x1, v0;
	vm8 =	vlt.s32 v13, v4  }
0x62: {  	v10 =	vadd.s32 v57, v10;
	v58 =	vsel vm8, $0x1, v0;
	vm8 =	vlt.s32 v15, v4  }
0x63: {  	v10 =	vadd.s32 v58, v10;
	v59 =	vsel vm8, $0x1, v0;
	vm8 =	vlt.s32 v17, v4  }
0x64: {  	v10 =	vadd.s32 v59, v10;
	v60 =	vsel vm8, $0x1, v0;
	vm8 =	vlt.s32 v51, v4  }
0x65: {  	v10 =	vadd.s32 v60, v10;
	v61 =	vsel vm8, $0x1, v0;
	vm8 =	vlt.s32 v9, v4  }
0x66: {  	v62 =	vsel vm8, $0x1, v0;
	vm8 =	vgt.s32 v9, v2;
	v10 =	vadd.s32 v61, v10  }
0x67: {  	[tilespmem:$0x6000] =	vst v11;
	v63 =	vsel vm8, $0x1, v0;
	v10 =	vadd.s32 v62, v10  }
0x68: {  	vm8 =	vgt.s32 v9, v5;
	[tilespmem:$0x6020] =	vst v63;
	v10 =	vmin.u32 v10, $0x7  }
0x69: {  	v9 =	vsel vm8, $0x1, v0;
	[tilespmem:$0x6010] =	vst v10  }
0x6a: {  	s17 =	simm.s32 $0x40;
	s18 =	simm.s32 $0x0;
	[tilespmem:$0x6030] =	vst v9  }
.LBB2_5:
0x6b: {  	p0 =	sne.s32 s17, $0x5FC0;
	[tilespmem:s18+$0x2000] =	vst v0;
	s19 =	smov.u32 s17;
	s17 =	sadd.s32 $0x40, s17  }
.Ltmp2:
0x6c: {  	[tilespmem:s18+$0x3800] =	vst v6;
	(pc) =	sbr.rel @p0 .LBB2_5-.Ltmp2, $2  }
0x6d: {  	_ =	sdelay $0x2  }
0x6e: {  	s18 =	sshra.s32 s19, $0x2  }
0x6f: {  	v7 =	vsub.s32 v8, v7;
	v8 =	vimm.s32 $0x0;
	[tilespmem:s18+$0x2000] =	vst v0  }
0x70: {  	[tilespmem:s18+$0x3800] =	vst v6;
	s17 =	simm.s32 $0x0;
	v9 =	vadd.s32 v7, v8  }
0x71: {  	v11 =	vld [tilespmem:s17+$0x0];
	v10 =	vsel vm5, $0x0, v9  }
0x72: {  	v12 =	vsel vm1, $0x0, v9;
	(xrf0) =	vadd.scan.msk.s32 $0xffff, v10  }
0x73: {  	v10 =	vsel vm12, $0x0, v9;
	(xrf0) =	vadd.scan.msk.s32 $0xffff, v12  }
0x74: {  	v12 =	vsel vm4, $0x0, v9;
	(xrf0) =	vadd.scan.msk.s32 $0xffff, v10  }
0x75: {  	v10 =	vnsel vm0, $0x0, v9;
	(xrf0) =	vadd.scan.msk.s32 $0xffff, v12  }
0x76: {  	v12 =	vsel vm2, $0x0, v9;
	vm11 =	veq.s32 v11, $0x1;
	(xrf0) =	vadd.scan.msk.s32 $0xffff, v10;
	v10 =	vsel vm3, $0x0, v9  }
0x77: {  	vm8 =	veq.s32 v11, $0x2;
	(xrf0) =	vadd.scan.msk.s32 $0xffff, v12;
	v12 =	vsel vm11, $0x1, v0  }
0x78: {  	vm9 =	veq.s32 v11, $0x3;
	v13 =	vsel vm8, $0x1, v0  }
0x79: {  	vm14 =	veq.s32 v11, $0x0;
	v14 =	vsel vm9, $0x1, v0;
	(xrf0) =	vadd.scan.msk.s32 $0xffff, v10;
	v10, _, _ =	vpop (xrf0)  }
0x7a: {  	v15 =	vsel vm14, $0x1, v0;
	(xrf0) =	vadd.scan.msk.s32 $0xffff, v12;
	v12, _, _ =	vpop (xrf0)  }
0x7b: {  	(xrf0) =	vadd.scan.msk.s32 $0xffff, v13;
	v13, _, _ =	vpop (xrf0)  }
0x7c: {  	(xrf0) =	vadd.scan.msk.s32 $0xffff, v14;
	v14, _, _ =	vpop (xrf0)  }
0x7d: {  	vm6 =	vcmask $0x1B18;
	vm10 =	veq.s32 v11, $0x6;
	(xrf0) =	vadd.scan.msk.s32 $0xffff, v15;
	v15, _, _ =	vpop (xrf0)  }
0x7e: {  	vm7 =	vcmask $0x1F1C;
	vm12 =	veq.s32 v11, $0x4;
	v18 =	vsel vm10, $0x1, v0;
	v16, _, _ =	vpop (xrf0)  }
0x7f: {  	v9 =	vsel vm13, $0x0, v9;
	vm3 =	vmmov vm13;
	vm13 =	veq.s32 v11, $0x5;
	v17, _, _ =	vpop (xrf0)  }
0x80: {  	vm1 =	vmmov vm15;
	v20 =	vsel vm12, $0x1, v0;
	v21 =	vsel vm13, $0x1, v0;
	v19, _, _ =	vpop (xrf0);
	(xrf0) =	vadd.scan.msk.s32 $0xffff, v18  }
0x81: {  	v10 =	vadd.s32 $0xFFFFFFFF, v10;
	v15 =	vadd.s32 $0xFFFFFFFF, v15;
	v17 =	vadd.s32 $0xFFFFFFFF, v17;
	v58, _, _ =	vpop (xrf0);
	(xrf0) =	vadd.scan.msk.s32 $0xffff, v20  }
0x82: {  	v15 =	vbroadcast v15, $0xF;
	v59, _, _ =	vpop (xrf0);
	(xrf0) =	vadd.scan.msk.s32 $0xffff, v9;
	v9 =	vadd.s32 $0xFFFFFFFF, v12;
	v12 =	vbroadcast v17, $0xF  }
0x83: {  	v22, _, _ =	vpop (xrf0);
	v60 =	vbroadcast v9, $0xF;
	v9 =	vadd.s32 $0xFFFFFFFF, v13;
	v13 =	vadd.s32 $0xFFFFFFFF, v14  }
0x84: {  	(xrf0) =	vadd.scan.msk.s32 $0xffff, v21;
	v15 =	vadd.s32 v22, v15;
	v14 =	vbroadcast v9, $0xF;
	v9 =	vadd.s32 v19, v12  }
0x85: {  	v15 =	vnsel vm14, $0x0, v15;
	vm14 =	veq.s32 v11, $0x7;
	v11 =	vadd.s32 $0xFFFFFFFF, v16  }
0x86: {  	v12 =	vsel vm11, v9, v15;
	v14 =	vadd.s32 v58, v14;
	v15 =	vsel vm14, $0x1, v0  }
0x87: {  	v11 =	vbroadcast v11, $0xF;
	v9, _, _ =	vpop (xrf0);
	v12 =	vsel vm8, v14, v12;
	v14 =	vadd.s32 v59, v60;
	(xrf0) =	vadd.scan.msk.s32 $0xffff, v15  }
0x88: {  	vm5 =	vcmask $0x1714;
	vm4 =	vcmask $0x1310;
	v10 =	vbroadcast v10, $0xF;
	v61, _, _ =	vpop (xrf0)  }
0x89: {  	v13 =	vbroadcast v13, $0xF;
	v12 =	vsel vm9, v14, v12;
	v15, _, _ =	vpop (xrf0);
	v11 =	vadd.s32 v61, v11  }
0x8a: {  	vm2 =	vcmask $0xB08;
	v10 =	vadd.s32 v9, v10;
	v14, _, _ =	vpop (xrf0);
	v11 =	vsel vm12, v11, v12  }
0x8b: {  	v15 =	vadd.s32 $0xFFFFFFFF, v15;
	v12 =	vadd.s32 v14, v13;
	v13 =	vbroadcast v22, $0xF  }
0x8c: {  	v15 =	vbroadcast v15, $0xF;
	v11 =	vsel vm13, v12, v11;
	v12 =	vbroadcast v19, $0xF  }
0x8d: {  	v62 =	vbroadcast v58, $0xF;
	v10 =	vsel vm10, v10, v11;
	v11 =	vbroadcast v59, $0xF;
	v63, _, _ =	vpop (xrf0)  }
0x8e: {  	v13 =	vnsel vm0, $0x0, v13;
	v12 =	vnsel vm15, $0x0, v12;
	v15 =	vadd.s32 v63, v15  }
0x8f: {  	v8 =	vadd.s32 v8, v13;
	v13 =	vbroadcast v61, $0xF;
	v10 =	vsel vm14, v15, v10  }
0x90: {  	v8 =	vadd.s32 v12, v8;
	v12 =	vnsel vm2, $0x0, v62;
	vm2 =	vcmask $0xF0C  }
0x91: {  	s18 =	simm.s32 $0x1000;
	s19 =	simm.s32 $0x5000;
	v15 =	vnsel vm2, $0x0, v11;
	v11 =	vnsel vm4, $0x0, v13;
	v12 =	vadd.s32 v12, v8  }
0x92: {  	s20 =	simm.s32 $0x10;
	s22 =	simm.s32 $0x0;
	s21 =	simm.s32 $0x5000;
	v8 =	vld [tilespmem:s18+$0x0];
	v13 =	vbroadcast v14, $0xF;
	v14 =	vadd.s32 v15, v12;
	v12 =	vbroadcast v63, $0xF  }
.LBB2_7:
0x93: {  	v9 =	vbroadcast v9, $0xF  }
0x94: {  	v11 =	vadd.s32 v11, v14;
	v13 =	vnsel vm5, $0x0, v13  }
0x95: {  	s17 =	sadd.s32 $0x10, s17;
	s18 =	sadd.s32 $0x10, s18;
	s19 =	sadd.s32 $0x10, s19;
	v11 =	vadd.s32 v13, v11;
	v9 =	vnsel vm6, $0x0, v9  }
0x96: {  	p0 =	sne.s32 s20, $0xFF0;
	s23 =	smov.u32 s20;
	s20 =	sadd.s32 $0x10, s20;
	v9 =	vadd.s32 v9, v11;
	v11 =	vnsel vm7, $0x0, v12  }
0x97: {  	v14 =	vor.u32 s22, v1;
	s22 =	smov.u32 s23;
	v11 =	vadd.s32 v11, v9  }
0x98: {  	vm8 =	vcmask $0x308;
	v13 =	vshrl.u32 v14, $0x1;
	v9 =	vadd.s32 v7, v11  }
0x99: {  	[tilespmem:v10+s12+$0x0] =	vst.idx.msk $0xffff, v13;
	v12 =	vsel vm8, $0x0, v9;
	vm8 =	vcmask $0x70C  }
0x9a: {  	[tilespmem:v10+s13+$0x0] =	vst.idx.msk $0xffff, v8;
	v13 =	vsel vm8, $0x0, v9;
	vm8 =	vcmask $0x171C  }
0x9b: {  	[tilespmem:s21+$0x0] =	vst v10;
	s21 =	smov.u32 s19;
	v8 =	vsel vm8, $0x0, v9  }
0x9c: {  	vm8 =	vcmask $0xB10;
	v10 =	vld [tilespmem:s17+$0x0]  }
0x9d: {  	v15 =	vsel vm3, $0x0, v9;
	v14 =	vsel vm8, $0x0, v9;
	(xrf0) =	vadd.scan.msk.s32 $0xffff, v8  }
0x9e: {  	v16 =	vnsel vm0, $0x0, v9;
	vm8 =	vcmask $0x1318;
	v8 =	vld [tilespmem:s18+$0x0];
	(xrf0) =	vadd.scan.msk.s32 $0xffff, v14  }
0x9f: {  	v14 =	vsel vm8, $0x0, v9;
	(xrf0) =	vadd.scan.msk.s32 $0xffff, v13  }
0xa0: {  	vm8 =	vcmask $0xF14;
	(xrf0) =	vadd.scan.msk.s32 $0xffff, v14  }
0xa1: {  	v9 =	vsel vm8, $0x0, v9;
	(xrf0) =	vadd.scan.msk.s32 $0xffff, v16;
	vm14 =	veq.s32 v10, $0x0  }
0xa2: {  	vm11 =	veq.s32 v10, $0x1;
	vm8 =	veq.s32 v10, $0x2;
	(xrf0) =	vadd.scan.msk.s32 $0xffff, v9;
	vm15 =	veq.s32 v10, $0x3  }
0xa3: {  	vm9 =	veq.s32 v10, $0x4;
	v17 =	vsel vm11, $0x1, v0;
	v18 =	vsel vm8, $0x1, v0;
	(xrf0) =	vadd.scan.msk.s32 $0xffff, v12;
	v12, _, _ =	vpop (xrf0)  }
0xa4: {  	vm10 =	veq.s32 v10, $0x5;
	v14 =	vsel vm14, $0x1, v0;
	v19 =	vsel vm15, $0x1, v0;
	(xrf0) =	vadd.scan.msk.s32 $0xffff, v17;
	v9, _, _ =	vpop (xrf0)  }
0xa5: {  	vm12 =	veq.s32 v10, $0x6;
	v17 =	vsel vm9, $0x1, v0;
	v9 =	vadd.s32 $0xFFFFFFFF, v9;
	(xrf0) =	vadd.scan.msk.s32 $0xffff, v18;
	v13, _, _ =	vpop (xrf0)  }
0xa6: {  	vm13 =	veq.s32 v10, $0x7;
	v18 =	vsel vm10, $0x1, v0;
	v9 =	vbroadcast v9, $0xF;
	(xrf0) =	vadd.scan.msk.s32 $0xffff, v19;
	v16, _, _ =	vpop (xrf0)  }
0xa7: {  	v20 =	vsel vm12, $0x1, v0;
	v12 =	vadd.s32 $0xFFFFFFFF, v12;
	v16 =	vadd.s32 $0xFFFFFFFF, v16;
	(xrf0) =	vadd.scan.msk.s32 $0xffff, v14;
	v14, _, _ =	vpop (xrf0)  }
0xa8: {  	v12 =	vbroadcast v12, $0xF;
	v13 =	vadd.s32 $0xFFFFFFFF, v13;
	v14 =	vadd.s32 $0xFFFFFFFF, v14;
	v10, _, _ =	vpop (xrf0);
	(xrf0) =	vadd.scan.msk.s32 $0xffff, v20  }
0xa9: {  	v13 =	vbroadcast v13, $0xF;
	v16 =	vbroadcast v16, $0xF;
	v19, _, _ =	vpop (xrf0);
	(xrf0) =	vadd.scan.msk.s32 $0xffff, v17  }
0xaa: {  	v10 =	vadd.s32 $0xFFFFFFFF, v10;
	v14 =	vbroadcast v14, $0xF;
	v17 =	vadd.s32 $0xFFFFFFFF, v19;
	v19, _, _ =	vpop (xrf0);
	(xrf0) =	vadd.scan.msk.s32 $0xffff, v15  }
0xab: {  	v10 =	vbroadcast v10, $0xF;
	v15 =	vbroadcast v19, $0xF;
	v20, _, _ =	vpop (xrf0);
	(xrf0) =	vadd.scan.msk.s32 $0xffff, v18  }
0xac: {  	v18 =	vsel vm13, $0x1, v0;
	v25 =	vbroadcast v17, $0xF;
	v13 =	vadd.s32 v20, v13;
	v21, _, _ =	vpop (xrf0)  }
0xad: {  	v22 =	vadd.s32 v21, v9;
	v21 =	vbroadcast v21, $0xF;
	v9, _, _ =	vpop (xrf0);
	(xrf0) =	vadd.scan.msk.s32 $0xffff, v18;
	v15 =	vnsel vm1, $0x0, v15  }
0xae: {  	v23 =	vadd.s32 v19, v25;
	v14 =	vadd.s32 v9, v14;
	v26 =	vbroadcast v9, $0xF;
	v9, _, _ =	vpop (xrf0)  }
0xaf: {  	v19 =	vbroadcast v20, $0xF;
	v14 =	vnsel vm14, $0x0, v14;
	vm14 =	vcmask $0xB08;
	v20, _, _ =	vpop (xrf0)  }
0xb0: {  	v24 =	vnsel vm0, $0x0, v26;
	v14 =	vsel vm11, v23, v14;
	v10 =	vadd.s32 v20, v10;
	v17, _, _ =	vpop (xrf0)  }
0xb1: {  	v11 =	vadd.s32 v11, v24;
	v13 =	vsel vm8, v13, v14;
	v14 =	vbroadcast v20, $0xF;
	v18, _, _ =	vpop (xrf0)  }
0xb2: {  	v15 =	vadd.s32 v15, v11;
	v11 =	vsel vm15, v22, v13;
	v13 =	vadd.s32 v18, v16  }
.Ltmp3:
0xb3: {  	v12 =	vadd.s32 v9, v12;
	v10 =	vsel vm9, v10, v11;
	v11 =	vadd.s32 $0xFFFFFFFF, v17;
	v16, _, _ =	vpop (xrf0);
	(pc) =	sbr.rel @p0 .LBB2_7-.Ltmp3, $4  }
0xb4: {  	v17 =	vnsel vm14, $0x0, v19;
	v10 =	vsel vm10, v13, v10;
	v19 =	vbroadcast v11, $0xF  }
0xb5: {  	v20 =	vnsel vm2, $0x0, v21;
	v11 =	vnsel vm4, $0x0, v14;
	v10 =	vsel vm12, v12, v10  }
0xb6: {  	v13 =	vbroadcast v18, $0xF;
	v12 =	vadd.s32 v17, v15;
	v15 =	vadd.s32 v16, v19  }
0xb7: {  	v14 =	vadd.s32 v20, v12;
	v12 =	vbroadcast v16, $0xF;
	v10 =	vsel vm13, v15, v10  }
0xb8: {  	_ =	sdelay $0x1  }
0xb9: {  	v7 =	vor.u32 s22, v1  }
0xba: {  	v7 =	vshrl.u32 v7, $0x1  }
0xbb: {  	[tilespmem:v10+s12+$0x0] =	vst.idx.msk $0xffff, v7  }
0xbc: {  	[tilespmem:v10+s13+$0x0] =	vst.idx.msk $0xffff, v8  }
0xbd: {  	[tilespmem:s21+$0x0] =	vst v10  }
0xbe: {  	[hbm4b:s4+s9] =	stream.linear.scatter [tilespmem:s12], [sflag:$0x1], $0x1800, $0x38;
	[tilespmem:$0x6080] =	vst v63  }
0xbf: {  	_ =	swait.ge [sflag:s10], $0x1800  }
0xc0: {  	[sflag:s10] =	ssyncset.done $0x0  }
0xc1: {  	[sflag:s10] =	ssyncadd.s32 $0xFFFFE800  }
0xc2: {  	[hbm4b:s5+s9] =	stream.linear.scatter [tilespmem:s13], [sflag:$0x1], $0x1800, $0x38;
	[tilespmem:$0x6080] =	vst v63  }
0xc3: {  	_ =	swait.ge [sflag:s10], $0x1800  }
0xc4: {  	[sflag:s10] =	ssyncset.done $0x0  }
0xc5: {  	[sflag:s10] =	ssyncadd.s32 $0xFFFFE800  }
0xc6: {  	[hbm4b:s6+s9] =	stream.linear.scatter [tilespmem:s14], [sflag:$0x1], $0x1000, $0x38;
	[tilespmem:$0x6080] =	vst v63  }
0xc7: {  	s16 =	sadd.s32 $0x1, s16;
	_ =	swait.ge [sflag:s10], $0x1000  }
0xc8: {  	p0 =	sne.s32 s16, s8;
	[sflag:s10] =	ssyncset.done $0x0  }
.Ltmp4:
0xc9: {  	[sflag:s10] =	ssyncadd.s32 $0xFFFFF000;
	(pc) =	sbr.rel @p0 .LBB2_2-.Ltmp4, $4  }
0xca: {  	[hbm4b:s7+s9] =	stream.linear.scatter [tilespmem:s15], [sflag:$0x1], $0x80, $0x38;
	[tilespmem:$0x6080] =	vst v63  }
0xcb: {  	_ =	swait.ge [sflag:s10], $0x80  }
0xcc: {  	[sflag:s10] =	ssyncset.done $0x0  }
0xcd: {  	vm13 =	vmmov vm3;
	vm3 =	vcmask $0x308;
	vm12 =	vcmask $0x70C;
	[sflag:s10] =	ssyncadd.s32 $0xFFFFFF80  }
.LBB2_9:
0xce: {  	_ =	sfence.sel $0x180000  }
0xcf: {  	[bflag:$0x0] =	sbarrier.arrive $0xFFFF  }
0xd0: {  	p0 =	sne.s32 s0, $0x0;
	_ =	strace $0x90000047  }
0xd1: {  	s0 =	sadd.s32 @!p0 $0x100000, s1;
	[bflag:$0x2] =	sbarrier.arrive $0xFFFF  }
0xd2: {  	[sflag:s0] =	ssyncadd.tile.s32 @!p0 $0x1;
	_ =	shalt  }
.Lfunc_end2:
_tile_overlayer_lowered:
.L_overlay_start_2:
0xd3: {  	(tag) =	ssettag $0x2  }
0xd4: {  	s0 =	rddreg [dreg:$0x0];
	s2 =	stileid.u32  }
0xd5: {  	s1 =	rddreg [dreg:$0x1];
	p0 =	sne.s32 s2, $0x0  }
0xd6: {  	s3 =	rddreg [dreg:$0x2];
	[bflag:$0x3] =	sbarrier.arrive $0xFFFF;
	s2 =	simm.s32 @!p0 $0x1C01  }
0xd7: {  	[timem:s3], [sflag:s2] =	dma.local @!p0 [hbm:s0], s1  }
0xd8: {  	s0 =	simm.s32 @!p0 $0x1  }
0xd9: {  	_ =	swait.ge @!p0 [sflag:s0], s1  }
0xda: {  	s1 =	ssub.s32 @!p0 $0x0, s1;
	[sflag:s0] =	ssyncset.done @!p0 $0x0  }
0xdb: {  	[sflag:s0] =	ssyncadd.s32 @!p0 s1  }
0xdc: {  	[bflag:$0x3] =	sbarrier.arrive $0xFFFF  }
0xdd: {  	_ =	shalt  }

// kernel: kernel.13.cloned.1.call-start
scs
__scs_entry_jumppad:
0x0: {  	(pc) =	sbr.rel $0x88, $3  }
0x1: {  	(tag) =	ssettag $0x0;
	lr =	simm.s32 $0x1  }
0x2: {  	[smem:$0x3F93] =	sst lr;
	_ =	strace $0xD0000000  }
0x3: {  	_ = 	snop  }
0x4: {  	_ = 	snop  }
0x5: {  	_ = 	snop  }
0x6: {  	_ = 	snop  }
0x7: {  	_ = 	snop  }
__scs_overlays_trampoline_lowered:
0x8: {  	[smem:$0x3FA2] =	sst s0  }
0x9: {  	[smem:$0x3FA3] =	sst s1  }
0xa: {  	[smem:$0x3FA4] =	sst s2  }
0xb: {  	[smem:$0x3FA5] =	sst s3  }
0xc: {  	[smem:$0x3FA6] =	sst s4  }
0xd: {  	[smem:$0x3FA7] =	sst s5  }
0xe: {  	[smem:$0x3FA8] =	sst s6  }
0xf: {  	[smem:$0x3FA9] =	sst s7  }
0x10: {  	[smem:$0x3FAA] =	sst s8  }
0x11: {  	[smem:$0x3FAB] =	sst s9;
	s0 =	simm.s32 @!p0 $0x0  }
0x12: {  	s1 =	sld [smem:$0x3F91];
	s0 =	simm.s32 @p0 $0x1  }
0x13: {  	[smem:$0x3FAC] =	sst s0;
	s0 =	simm.s32 @!p1 $0x0  }
0x14: {  	s2 =	sld [smem:$0x3F90];
	s0 =	simm.s32 @p1 $0x1  }
0x15: {  	[smem:$0x3FAD] =	sst s0;
	s0 =	simm.s32 @!p2 $0x0  }
0x16: {  	s3 =	sld [smem:$0x3FDB];
	s0 =	simm.s32 @p2 $0x1  }
0x17: {  	s4 =	simm.s32 $0x1BF5;
	[smem:$0x3FAF] =	sst s0  }
0x18: {  	s0 =	sld [smem:$0x3F92];
	_ =	swait.ge [sflag:s4], $0x0  }
0x19: {  	s7 =	sld [smem:$0x3F93]  }
0x1a: {  	s8 =	sadd.s32 $0xFFFFE003, lr  }
0x1b: {  	s9 =	sadd.s32 $0xFFFFFEF7, lr;
	s5 =	simm.s32 $0xFFFFFFFF;
	p2 =	slt.u32 s8, $0xFFFFF086  }
0x1c: {  	p1 =	slt.u32 s9, $0xF7A;
	s5 =	simm.s32 @!p2 $0x0  }
0x1d: {  	s5 =	simm.s32 @p1 $0x1;
	p0 =	seq.s32 s7, s2  }
0x1e: {  	s7 =	smul.u32 @!p0 $0xF7A, s2;
	p2 =	seq.s32 @!p0 s5, $0x0  }
0x1f: {  	s9 =	smul.u32 $0xF7A, s1;
	s8 =	simm.s32 @!p0 $0x1BF5;
	p2 =	por !p2, p0  }
0x20: {  	[sflag:s8] =	ssyncset.s32 @!p0 $0xFFFFF086;
	s6 =	sadd.s32 @!p0 s3, s7;
	s7 =	simm.s32 @!p0 $0x108  }
0x21: {  	s3 =	sadd.s32 s3, s9;
	s6 =	sadd.s32 @!p0 $0x88, s6;
	s7 =	simm.s32 @p2 $0x1082  }
0x22: {  	[simem:s7], [sflag:s8] =	dma.local @!p0 [hbm:s6], $0xF7A  }
0x23: {  	s9 =	sor.u32 $0xD0000000, s2;
	s6 =	simm.s32 $0x108;
	_ =	swait.ge @!p0 [sflag:s8], $0x0  }
0x24: {  	s3 =	sadd.s32 $0x88, s3;
	s6 =	simm.s32 @!p1 $0x1082;
	[sflag:s4] =	ssyncset.s32 $0xFFFFF086  }
0x25: {  	[simem:s6], [sflag:s4] =	dma.local [hbm:s3], $0xF7A  }
0x26: {  	[smem:$0x3F93] =	sst s1;
	(tag) =	ssettag s2;
	_ =	strace s9  }
0x27: {  	s1 =	sld [smem:$0x3FA3]  }
0x28: {  	s2 =	sld [smem:$0x3FA4]  }
0x29: {  	s4 =	sld [smem:$0x3FA6]  }
0x2a: {  	p0 =	seq.s32 s5, $0x0;
	s5 =	sld [smem:$0x3FA7]  }
0x2b: {  	s6 =	sld [smem:$0x3FA8]  }
0x2c: {  	s7 =	sld [smem:$0x3FA9]  }
0x2d: {  	s3 =	simm.s32 $0x108;
	s8 =	sld [smem:$0x3FAA]  }
0x2e: {  	s3 =	simm.s32 @!p0 $0x1082;
	s9 =	sld [smem:$0x3FAB]  }
0x2f: {  	lr =	sadd.s32 s0, s3;
	s0 =	sld [smem:$0x3FA2]  }
0x30: {  	s3 =	sld [smem:$0x3FA5]  }
0x31: {  	[smem:$0x3FAE] =	sst s10  }
0x32: {  	s10 =	sld [smem:$0x3FAC];
	_ =	sdelay $0x3  }
0x33: {  	p0 =	seq.s32 s10, $0x1;
	s10 =	sld [smem:$0x3FAE];
	_ =	sdelay $0x3  }
0x34: {  	[smem:$0x3FAE] =	sst s10  }
0x35: {  	s10 =	sld [smem:$0x3FAD];
	_ =	sdelay $0x3  }
0x36: {  	p1 =	seq.s32 s10, $0x1;
	s10 =	sld [smem:$0x3FAE];
	_ =	sdelay $0x3  }
0x37: {  	[smem:$0x3FAE] =	sst s10  }
0x38: {  	s10 =	sld [smem:$0x3FAF]  }
0x39: {  	_ = 	snop;
	(pc) =	sbr.ind lr, $3  }
0x3a: {  	_ = 	snop  }
0x3b: {  	_ = 	snop  }
0x3c: {  	p2 =	seq.s32 s10, $0x1;
	s10 =	sld [smem:$0x3FAE]  }
0x3d: {  	_ =	shalt  }
0x3e: {  	_ =	shalt  }
0x3f: {  	_ =	shalt  }
0x40: {  	_ =	shalt  }
0x41: {  	_ =	shalt  }
0x42: {  	_ =	shalt  }
0x43: {  	_ =	shalt  }
0x44: {  	_ =	shalt  }
0x45: {  	_ =	shalt  }
0x46: {  	_ =	shalt  }
0x47: {  	_ =	shalt  }
0x48: {  	_ =	shalt  }
0x49: {  	_ =	shalt  }
0x4a: {  	_ =	shalt  }
0x4b: {  	_ =	shalt  }
0x4c: {  	_ =	shalt  }
0x4d: {  	_ =	shalt  }
0x4e: {  	_ =	shalt  }
0x4f: {  	_ =	shalt  }
0x50: {  	_ =	shalt  }
0x51: {  	_ =	shalt  }
0x52: {  	_ =	shalt  }
0x53: {  	_ =	shalt  }
0x54: {  	_ =	shalt  }
0x55: {  	_ =	shalt  }
0x56: {  	_ =	shalt  }
0x57: {  	_ =	shalt  }
0x58: {  	_ =	shalt  }
0x59: {  	_ =	shalt  }
0x5a: {  	_ =	shalt  }
0x5b: {  	_ =	shalt  }
0x5c: {  	_ =	shalt  }
0x5d: {  	_ =	shalt  }
0x5e: {  	_ =	shalt  }
0x5f: {  	_ =	shalt  }
0x60: {  	_ =	shalt  }
0x61: {  	_ =	shalt  }
0x62: {  	_ =	shalt  }
0x63: {  	_ =	shalt  }
0x64: {  	_ =	shalt  }
0x65: {  	_ =	shalt  }
0x66: {  	_ =	shalt  }
0x67: {  	_ =	shalt  }
0x68: {  	_ =	shalt  }
0x69: {  	_ =	shalt  }
0x6a: {  	_ =	shalt  }
0x6b: {  	_ =	shalt  }
0x6c: {  	_ =	shalt  }
0x6d: {  	_ =	shalt  }
0x6e: {  	_ =	shalt  }
0x6f: {  	_ =	shalt  }
0x70: {  	_ =	shalt  }
0x71: {  	_ =	shalt  }
0x72: {  	_ =	shalt  }
0x73: {  	_ =	shalt  }
0x74: {  	_ =	shalt  }
0x75: {  	_ =	shalt  }
0x76: {  	_ =	shalt  }
0x77: {  	_ =	shalt  }
0x78: {  	_ =	shalt  }
0x79: {  	_ =	shalt  }
0x7a: {  	_ =	shalt  }
0x7b: {  	_ =	shalt  }
0x7c: {  	_ =	shalt  }
0x7d: {  	_ =	shalt  }
0x7e: {  	_ =	shalt  }
0x7f: {  	_ =	shalt  }
0x80: {  	_ =	shalt  }
0x81: {  	_ =	shalt  }
0x82: {  	_ =	shalt  }
0x83: {  	_ =	shalt  }
0x84: {  	_ =	shalt  }
0x85: {  	_ =	shalt  }
0x86: {  	_ =	shalt  }
0x87: {  	_ =	shalt  }
.Lfunc_end0:
.L_simem_size_0:
called_computation.1_lowered:
.L_overlay_start_0:
0x88: {  	s2 =	sld [smem:$0x3FD9]  }
0x89: {  	s3 =	sld [smem:$0x3FFE];
	_ =	sdelay $0x1  }
0x8a: {  	s1 =	srdreg.scid  }
0x8b: {  	s0 =	sand.u32 $0x1, s1  }
0x8c: {  	s16 =	sshll.u32 s0, $0xA;
	s2 =	sadd.s32 s3, s2  }
0x8d: {  	s2 =	sadd.s32 s2, s16  }
0x8e: {  	[smem:$0x3FBA] =	sst s2  }
0x8f: {  	_ = 	snop  }
0x90: {  	(tm) =	ssettm $0x1  }
0x91: {  	s17 =	sld [smem:$0x3FFB];
	_ =	sdelay $0x3  }
0x92: {  	_ =	strace s17  }
0x93: {  	s2 =	sld [smem:$0x3FFC];
	_ =	sdelay $0x3  }
0x94: {  	_ =	strace s2  }
0x95: {  	s2 =	sld [smem:$0x3FFD];
	_ =	sdelay $0x3  }
0x96: {  	_ =	strace s2  }
0x97: {  	_ =	strace $0x8FFFFFFF  }
0x98: {  	s18 =	sld [smem:$0x3FDB];
	_ =	sdelay $0x1  }
0x99: {  	s19 =	simm.s32 $_scs_section_size  }
0x9a: {  	s4 =	simm.s32 $_size__tile_overlayer_lowered;
	s5 =	simm.s32 $_tile_overlayer_lowered  }
0x9b: {  	s22 =	simm.s32 $0x1BFF;
	s21 =	sshll.u32 s5, $0x1;
	s2 =	sadd.s32 s19, s18  }
0x9c: {  	s6 =	simm.s32 $0x0;
	s20 =	sshll.u32 s4, $0x1;
	s4 =	sadd.s32 s21, s2  }
0x9d: {  	[timem:s6], [sflag:s22] =	dma.local [hbm:s4], s20  }
0x9e: {  	_ =	swait.ge [sflag:s22], s20  }
0x9f: {  	s3 =	ssub.s32 $0x0, s20;
	[sflag:s22] =	ssyncset.done $0x0  }
0xa0: {  	[sflag:s22] =	ssyncadd.s32 s3;
	_ =	sdelay $0x1  }
0xa1: {  	s23 =	simm.s32 $0x1B8B  }
0xa2: {  	_ =	swait.ge [sflag:s23], $0x1  }
0xa3: {  	[sflag:s23] =	ssyncset.done $0x0  }
0xa4: {  	s25 =	simm.s32 $0x1B8E;
	s24 =	sld [smem:$0x3FFE];
	[sflag:s23] =	ssyncadd.s32 $0xFFFFFFFF  }
0xa5: {  	s26 =	simm.s32 $execute0_lowered;
	[smem:$0x3FD2] =	sst s25  }
0xa6: {  	s4 =	sshll.u32 s26, $0x1;
	_ =	strace $0x80000049;
	[dreg:$0x1] =	wrdreg $0xFFFFFFFF  }
0xa7: {  	s28 =	simm.s32 $_size_execute0_lowered;
	s2 =	sadd.s32 s2, s4;
	[dreg:$0x0] =	wrdreg $0x0  }
0xa8: {  	s4 =	sshll.u32 s28, $0x1;
	[dreg:$0x2] =	wrdreg s2  }
0xa9: {  	[dreg:$0x3] =	wrdreg s4  }
0xaa: {  	[dreg:$0x4] =	wrdreg $0xC0  }
0xab: {  	_ =	task [dreg:s6], $0x5FFFF  }
0xac: {  	[dreg:$0x1] =	wrdreg $0xFFFFFFFF  }
0xad: {  	[dreg:$0x0] =	wrdreg $0x60  }
0xae: {  	[dreg:$0x2] =	wrdreg s24  }
0xaf: {  	[dreg:$0x3] =	wrdreg $0x0  }
0xb0: {  	[dreg:$0x4] =	wrdreg $0x9  }
0xb1: {  	_ =	task.clear_ibuf [dreg:s6], $0x5FFFF;
	_ =	strace $0x90000049  }
0xb2: {  	s29 =	simm.s32 $0x9;
	_ =	strace $0x8000004B  }
0xb3: {  	_ =	swait.ge [sflag:s29], $0x1  }
0xb4: {  	[sflag:s29] =	ssyncadd.s32 $0xFFFFFFFF  }
0xb5: {  	_ =	strace $0x9000004B  }
0xb6: {  	_ =	sfence  }
0xb7: {  	s30 =	sld [smem:$0x0];
	_ =	sdelay $0x2  }
0xb8: {  	s31 =	sshll.u32 s1, $0xD;
	s1 =	sshrl.u32 s1, $0x2  }
0xb9: {  	s3 =	sand.u32 $0x4000, s31;
	s1 =	sadd.s32 s1, s30  }
0xba: {  	s0 =	sor.u32 s3, s0;
	s1 =	sshll.u32 s1, $0x11  }
0xbb: {  	s0 =	sor.u32 s1, s0  }
0xbc: {  	s0 =	sadd.s32 $0x8F2B, s0  }
0xbd: {  	[sflag:s0] =	ssyncadd.remote.s32 $0x1  }
0xbe: {  	_ =	sfence.sel $0xFFFF  }
0xbf: {  	[dreg:$0x0] =	wrdreg $0xFFFFFFFF;
	(pc) =	sbr.abs _section_cstart, $3  }
0xc0: {  	[dreg:$0x1] =	wrdreg $0xFFFFFFFF  }
0xc1: {  	_ =	task.clear_ibuf [dreg:s6], $0x2FFFF;
	_ =	strace $0x9FFFFFFF  }
0xc2: {  	(tm) =	ssettm $0x7FFFFFFF  }
0xc3: {  	_ =	shalt  }
tec
execute0_lowered:
.L_overlay_start_1:
0x0: {  	(tag) =	ssettag $0x1  }
0x1: {  	s3 =	rddreg [dreg:$0x0]  }
0x2: {  	s2 =	rddreg [dreg:$0x1]  }
0x3: {  	s0 =	rddreg [dreg:$0x2];
	s4 =	srdreg.scid  }
0x4: {  	s1 =	simm.s32 $0x0;
	s5 =	stileid.u32;
	s4 =	sand.u32 $0x1, s4  }
0x5: {  	s7 =	sshll.u32 s4, $0x5;
	s8 =	smul.u32 $0x30000, s4;
	s4 =	ssub.s32 $0x2, s4  }
0x6: {  	s10 =	simm.s32 $0x8000;
	p1 =	por $0x0, $0x0;
	s9 =	sshrl.u32 s4, $0x1  }
0x7: {  	[smem:$0x7FF] =	sst s1;
	s6 =	smul.u32 $0x30, s5;
	s4 =	ssub.s32 s4, s9  }
0x8: {  	s31 =	smul.u32 $0x3000, s5;
	p0 =	sne.s32 s5, $0x0;
	s9 =	smax.u32 s4, $0x1  }
0x9: {  	s5 =	simm.s32 $0x1;
	_ =	strace $0x8000004A;
	s18 =	sadd.s32 $0xFFFFFFFF, s9  }
0xa: {  	s13 =	sshrl.u32 @!p0 s2, $0x3;
	s7 =	sadd.s32 s7, s3;
	p2 =	sne.s32 s18, $0x0  }
.Ltmp0:
0xb: {  	s6 =	sadd.s32 s6, s3;
	s15 =	sadd.s32 $0x1800, s31;
	(pc) =	sbr.rel @!p2 .LBB2_3-.Ltmp0, $4  }
0xc: {  	s3 =	sadd.s32 s8, s3;
	s11 =	sadd.s32 $0x44A00, s7;
	s8 =	sadd.s32 $0x44200, s6  }
0xd: {  	s6 =	simm.s32 $0xC0;
	s14 =	sadd.s32 $0x64A00, s3;
	s3 =	simm.s32 $0x2  }
0xe: {  	s4 =	simm.s32 $0x8180;
	s12 =	sadd.s32 s31, s14;
	s9 =	simm.s32 $0x80C0  }
0xf: {  	s7 =	sadd.s32 s15, s14;
	s14 =	simm.s32 @!p0 $0x2;
	s15 =	simm.s32 @!p0 $0x1C02  }
0x10: {  	s16 =	simm.s32 @!p0 $0x20;
	s17 =	simm.s32 @!p0 $0x40  }
0x11: {  	[spmem:s13@s16], [sflag:s15] =	dma.strided @!p0 [hbm:s11@s17], $0x10000, s14, $0x10   }
0x12: {  	_ =	swait.ge @!p0 [sflag:s14], $0x10000  }
0x13: {  	[sflag:s14] =	ssyncset.done @!p0 $0x0  }
0x14: {  	[sflag:s14] =	ssyncadd.s32 @!p0 $0xFFFF0000  }
0x15: {  	[tilespmem:s10], [sflag:$0x2] =	stream.linear.gather [hbm4b:s8+s1], $0x180, $0x38;
	[tilespmem:$0x14180] =	vst v63  }
0x16: {  	_ =	swait.ge [sflag:s3], $0x180  }
0x17: {  	[sflag:s3] =	ssyncset.done $0x0  }
0x18: {  	[sflag:s3] =	ssyncadd.s32 $0xFFFFFE80  }
0x19: {  	[bflag:$0x0] =	sbarrier.arrive $0xFFFF  }
0x1a: {  	[tilespmem:s4], [sflag:$0x1] =	stream.indirect.gather [spmem:s2], $0x100, s10, s6, $0xb8;
	[tilespmem:$0x14180] =	vst v63  }
0x1b: {  	_ =	swait.ge [sflag:s5], $0xC000  }
0x1c: {  	[sflag:s5] =	ssyncset.done $0x0  }
0x1d: {  	[sflag:s5] =	ssyncadd.s32 $0xFFFF4000  }
0x1e: {  	[hbm4b:s12+s1] =	stream.linear.scatter [tilespmem:s4], [sflag:$0x2], $0xC000, $0x38;
	[tilespmem:$0x14180] =	vst v63  }
0x1f: {  	_ =	swait.ge [sflag:s3], $0xC000  }
0x20: {  	[sflag:s3] =	ssyncset.done $0x0  }
0x21: {  	s18 =	sadd.s32 $0xFFFFFFFF, s18;
	[sflag:s3] =	ssyncadd.s32 $0xFFFF4000  }
0x22: {  	[tilespmem:s4], [sflag:$0x1] =	stream.indirect.gather [spmem:s2], $0x100, s9, s6, $0xb8;
	[tilespmem:$0x14180] =	vst v63  }
0x23: {  	p2 =	sne.s32 s18, $0x0;
	_ =	swait.ge [sflag:s5], $0xC000  }
.Ltmp1:
0x24: {  	[sflag:s5] =	ssyncset.done $0x0;
	(pc) =	sbr.rel @!p2 .LBB2_3-.Ltmp1, $4  }
0x25: {  	[sflag:s5] =	ssyncadd.s32 $0xFFFF4000  }
0x26: {  	[hbm4b:s7+s1] =	stream.linear.scatter [tilespmem:s4], [sflag:$0x2], $0xC000, $0x38;
	[tilespmem:$0x14180] =	vst v63  }
0x27: {  	_ =	swait.ge [sflag:s3], $0xC000  }
0x28: {  	p1 =	por $0x1, $0x1;
	[sflag:s3] =	ssyncset.done $0x0  }
.LBB2_2:
0x29: {  	[sflag:s3] =	ssyncadd.s32 $0xFFFF4000  }
0x2a: {  	[spmem:s13@s16], [sflag:s15] =	dma.strided @!p0 [hbm:s11@s17], $0x10000, s14, $0x10   }
0x2b: {  	s19 =	simm.s32 @!p0 $0x2;
	s18 =	sadd.s32 $0xFFFFFFFF, s18;
	_ =	swait.ge @!p0 [sflag:s14], $0x10000  }
0x2c: {  	p2 =	sne.s32 s18, $0x0;
	[sflag:s14] =	ssyncset.done @!p0 $0x0  }
0x2d: {  	[sflag:s14] =	ssyncadd.s32 @!p0 $0xFFFF0000;
	s14 =	smov.u32 s19  }
0x2e: {  	[tilespmem:s10], [sflag:$0x2] =	stream.linear.gather [hbm4b:s8+s1], $0x180, $0x38;
	[tilespmem:$0x14180] =	vst v63  }
0x2f: {  	_ =	swait.ge [sflag:s3], $0x180  }
0x30: {  	[sflag:s3] =	ssyncset.done $0x0  }
0x31: {  	[sflag:s3] =	ssyncadd.s32 $0xFFFFFE80  }
0x32: {  	[bflag:$0x0] =	sbarrier.arrive $0xFFFF  }
0x33: {  	[tilespmem:s4], [sflag:$0x1] =	stream.indirect.gather [spmem:s2], $0x100, s10, s6, $0xb8;
	[tilespmem:$0x14180] =	vst v63  }
0x34: {  	_ =	swait.ge [sflag:s5], $0xC000  }
0x35: {  	[sflag:s5] =	ssyncset.done $0x0  }
0x36: {  	[sflag:s5] =	ssyncadd.s32 $0xFFFF4000  }
0x37: {  	[hbm4b:s12+s1] =	stream.linear.scatter [tilespmem:s4], [sflag:$0x2], $0xC000, $0x38;
	[tilespmem:$0x14180] =	vst v63  }
0x38: {  	_ =	swait.ge [sflag:s3], $0xC000  }
0x39: {  	[sflag:s3] =	ssyncset.done $0x0  }
0x3a: {  	[sflag:s3] =	ssyncadd.s32 $0xFFFF4000  }
0x3b: {  	[tilespmem:s4], [sflag:$0x1] =	stream.indirect.gather [spmem:s2], $0x100, s9, s6, $0xb8;
	[tilespmem:$0x14180] =	vst v63  }
0x3c: {  	_ =	swait.ge [sflag:s5], $0xC000  }
.Ltmp2:
0x3d: {  	[sflag:s5] =	ssyncset.done $0x0;
	(pc) =	sbr.rel @p2 .LBB2_2-.Ltmp2, $4  }
0x3e: {  	[sflag:s5] =	ssyncadd.s32 $0xFFFF4000  }
0x3f: {  	[hbm4b:s7+s1] =	stream.linear.scatter [tilespmem:s4], [sflag:$0x2], $0xC000, $0x38;
	[tilespmem:$0x14180] =	vst v63  }
0x40: {  	_ =	swait.ge [sflag:s3], $0xC000  }
0x41: {  	[sflag:s3] =	ssyncset.done $0x0  }
.LBB2_3:
0x42: {  	s16 =	simm.s32 @!p0 $0x20;
	s17 =	simm.s32 @!p0 $0x40;
	[sflag:s3] =	ssyncadd.s32 @p1 $0xFFFF4000  }
0x43: {  	[spmem:s13@s16], [sflag:s15] =	dma.strided @!p0 [hbm:s11@s17], $0x10000, s14, $0x10   }
0x44: {  	_ =	swait.ge @!p0 [sflag:s14], $0x10000  }
0x45: {  	[sflag:s14] =	ssyncset.done @!p0 $0x0  }
0x46: {  	[sflag:s14] =	ssyncadd.s32 @!p0 $0xFFFF0000  }
0x47: {  	[tilespmem:s10], [sflag:$0x2] =	stream.linear.gather [hbm4b:s8+s1], $0x180, $0x38;
	[tilespmem:$0x14180] =	vst v63  }
0x48: {  	_ =	swait.ge [sflag:s3], $0x180  }
0x49: {  	[sflag:s3] =	ssyncset.done $0x0  }
0x4a: {  	[sflag:s3] =	ssyncadd.s32 $0xFFFFFE80  }
0x4b: {  	[bflag:$0x0] =	sbarrier.arrive $0xFFFF  }
0x4c: {  	[tilespmem:s4], [sflag:$0x1] =	stream.indirect.gather [spmem:s2], $0x100, s10, s6, $0xb8;
	[tilespmem:$0x14180] =	vst v63  }
0x4d: {  	_ =	swait.ge [sflag:s5], $0xC000  }
0x4e: {  	[sflag:s5] =	ssyncset.done $0x0  }
0x4f: {  	[sflag:s5] =	ssyncadd.s32 $0xFFFF4000  }
0x50: {  	[hbm4b:s12+s1] =	stream.linear.scatter [tilespmem:s4], [sflag:$0x2], $0xC000, $0x38;
	[tilespmem:$0x14180] =	vst v63  }
0x51: {  	_ =	swait.ge [sflag:s3], $0xC000  }
0x52: {  	[sflag:s3] =	ssyncset.done $0x0  }
0x53: {  	[sflag:s3] =	ssyncadd.s32 $0xFFFF4000  }
0x54: {  	[tilespmem:s4], [sflag:$0x1] =	stream.indirect.gather [spmem:s2], $0x100, s9, s6, $0xb8;
	[tilespmem:$0x14180] =	vst v63  }
0x55: {  	_ =	swait.ge [sflag:s5], $0xC000  }
0x56: {  	[sflag:s5] =	ssyncset.done $0x0  }
0x57: {  	[sflag:s5] =	ssyncadd.s32 $0xFFFF4000  }
0x58: {  	[hbm4b:s7+s1] =	stream.linear.scatter [tilespmem:s4], [sflag:$0x2], $0xC000, $0x38;
	[tilespmem:$0x14180] =	vst v63  }
0x59: {  	_ =	swait.ge [sflag:s3], $0xC000  }
0x5a: {  	[sflag:s3] =	ssyncset.done $0x0  }
0x5b: {  	[sflag:s3] =	ssyncadd.s32 $0xFFFF4000  }
0x5c: {  	_ =	sfence.sel $0x180000  }
0x5d: {  	[bflag:$0x0] =	sbarrier.arrive $0xFFFF  }
0x5e: {  	_ =	strace $0x9000004A  }
0x5f: {  	s0 =	sadd.s32 @!p0 $0x100000, s0;
	[bflag:$0x2] =	sbarrier.arrive $0xFFFF  }
0x60: {  	[sflag:s0] =	ssyncadd.tile.s32 @!p0 $0x1;
	_ =	shalt  }
.Lfunc_end2:
_tile_overlayer_lowered:
.L_overlay_start_2:
0x61: {  	(tag) =	ssettag $0x2  }
0x62: {  	s0 =	rddreg [dreg:$0x0];
	s2 =	stileid.u32  }
0x63: {  	s1 =	rddreg [dreg:$0x1];
	p0 =	sne.s32 s2, $0x0  }
0x64: {  	s3 =	rddreg [dreg:$0x2];
	[bflag:$0x3] =	sbarrier.arrive $0xFFFF;
	s2 =	simm.s32 @!p0 $0x1C02  }
0x65: {  	[timem:s3], [sflag:s2] =	dma.local @!p0 [hbm:s0], s1  }
0x66: {  	s0 =	simm.s32 @!p0 $0x2  }
0x67: {  	_ =	swait.ge @!p0 [sflag:s0], s1  }
0x68: {  	s1 =	ssub.s32 @!p0 $0x0, s1;
	[sflag:s0] =	ssyncset.done @!p0 $0x0  }
0x69: {  	[sflag:s0] =	ssyncadd.s32 @!p0 s1  }
0x6a: {  	[bflag:$0x3] =	sbarrier.arrive $0xFFFF  }
0x6b: {  	_ =	shalt  }

// kernel: kernel.16.cloned.1.call-start
scs
__scs_entry_jumppad:
0x0: {  	(pc) =	sbr.rel $0x88, $3  }
0x1: {  	(tag) =	ssettag $0x0;
	lr =	simm.s32 $0x1  }
0x2: {  	[smem:$0x3F93] =	sst lr;
	_ =	strace $0xD0000000  }
0x3: {  	_ = 	snop  }
0x4: {  	_ = 	snop  }
0x5: {  	_ = 	snop  }
0x6: {  	_ = 	snop  }
0x7: {  	_ = 	snop  }
__scs_overlays_trampoline_lowered:
0x8: {  	[smem:$0x3FA2] =	sst s0  }
0x9: {  	[smem:$0x3FA3] =	sst s1  }
0xa: {  	[smem:$0x3FA4] =	sst s2  }
0xb: {  	[smem:$0x3FA5] =	sst s3  }
0xc: {  	[smem:$0x3FA6] =	sst s4  }
0xd: {  	[smem:$0x3FA7] =	sst s5  }
0xe: {  	[smem:$0x3FA8] =	sst s6  }
0xf: {  	[smem:$0x3FA9] =	sst s7  }
0x10: {  	[smem:$0x3FAA] =	sst s8  }
0x11: {  	[smem:$0x3FAB] =	sst s9;
	s0 =	simm.s32 @!p0 $0x0  }
0x12: {  	s1 =	sld [smem:$0x3F91];
	s0 =	simm.s32 @p0 $0x1  }
0x13: {  	[smem:$0x3FAC] =	sst s0;
	s0 =	simm.s32 @!p1 $0x0  }
0x14: {  	s2 =	sld [smem:$0x3F90];
	s0 =	simm.s32 @p1 $0x1  }
0x15: {  	[smem:$0x3FAD] =	sst s0;
	s0 =	simm.s32 @!p2 $0x0  }
0x16: {  	s3 =	sld [smem:$0x3FDB];
	s0 =	simm.s32 @p2 $0x1  }
0x17: {  	s4 =	simm.s32 $0x1BF5;
	[smem:$0x3FAF] =	sst s0  }
0x18: {  	s0 =	sld [smem:$0x3F92];
	_ =	swait.ge [sflag:s4], $0x0  }
0x19: {  	s7 =	sld [smem:$0x3F93]  }
0x1a: {  	s8 =	sadd.s32 $0xFFFFE003, lr  }
0x1b: {  	s9 =	sadd.s32 $0xFFFFFEF7, lr;
	s5 =	simm.s32 $0xFFFFFFFF;
	p2 =	slt.u32 s8, $0xFFFFF086  }
0x1c: {  	p1 =	slt.u32 s9, $0xF7A;
	s5 =	simm.s32 @!p2 $0x0  }
0x1d: {  	s5 =	simm.s32 @p1 $0x1;
	p0 =	seq.s32 s7, s2  }
0x1e: {  	s7 =	smul.u32 @!p0 $0xF7A, s2;
	p2 =	seq.s32 @!p0 s5, $0x0  }
0x1f: {  	s9 =	smul.u32 $0xF7A, s1;
	s8 =	simm.s32 @!p0 $0x1BF5;
	p2 =	por !p2, p0  }
0x20: {  	[sflag:s8] =	ssyncset.s32 @!p0 $0xFFFFF086;
	s6 =	sadd.s32 @!p0 s3, s7;
	s7 =	simm.s32 @!p0 $0x108  }
0x21: {  	s3 =	sadd.s32 s3, s9;
	s6 =	sadd.s32 @!p0 $0x88, s6;
	s7 =	simm.s32 @p2 $0x1082  }
0x22: {  	[simem:s7], [sflag:s8] =	dma.local @!p0 [hbm:s6], $0xF7A  }
0x23: {  	s9 =	sor.u32 $0xD0000000, s2;
	s6 =	simm.s32 $0x108;
	_ =	swait.ge @!p0 [sflag:s8], $0x0  }
0x24: {  	s3 =	sadd.s32 $0x88, s3;
	s6 =	simm.s32 @!p1 $0x1082;
	[sflag:s4] =	ssyncset.s32 $0xFFFFF086  }
0x25: {  	[simem:s6], [sflag:s4] =	dma.local [hbm:s3], $0xF7A  }
0x26: {  	[smem:$0x3F93] =	sst s1;
	(tag) =	ssettag s2;
	_ =	strace s9  }
0x27: {  	s1 =	sld [smem:$0x3FA3]  }
0x28: {  	s2 =	sld [smem:$0x3FA4]  }
0x29: {  	s4 =	sld [smem:$0x3FA6]  }
0x2a: {  	p0 =	seq.s32 s5, $0x0;
	s5 =	sld [smem:$0x3FA7]  }
0x2b: {  	s6 =	sld [smem:$0x3FA8]  }
0x2c: {  	s7 =	sld [smem:$0x3FA9]  }
0x2d: {  	s3 =	simm.s32 $0x108;
	s8 =	sld [smem:$0x3FAA]  }
0x2e: {  	s3 =	simm.s32 @!p0 $0x1082;
	s9 =	sld [smem:$0x3FAB]  }
0x2f: {  	lr =	sadd.s32 s0, s3;
	s0 =	sld [smem:$0x3FA2]  }
0x30: {  	s3 =	sld [smem:$0x3FA5]  }
0x31: {  	[smem:$0x3FAE] =	sst s10  }
0x32: {  	s10 =	sld [smem:$0x3FAC];
	_ =	sdelay $0x3  }
0x33: {  	p0 =	seq.s32 s10, $0x1;
	s10 =	sld [smem:$0x3FAE];
	_ =	sdelay $0x3  }
0x34: {  	[smem:$0x3FAE] =	sst s10  }
0x35: {  	s10 =	sld [smem:$0x3FAD];
	_ =	sdelay $0x3  }
0x36: {  	p1 =	seq.s32 s10, $0x1;
	s10 =	sld [smem:$0x3FAE];
	_ =	sdelay $0x3  }
0x37: {  	[smem:$0x3FAE] =	sst s10  }
0x38: {  	s10 =	sld [smem:$0x3FAF]  }
0x39: {  	_ = 	snop;
	(pc) =	sbr.ind lr, $3  }
0x3a: {  	_ = 	snop  }
0x3b: {  	_ = 	snop  }
0x3c: {  	p2 =	seq.s32 s10, $0x1;
	s10 =	sld [smem:$0x3FAE]  }
0x3d: {  	_ =	shalt  }
0x3e: {  	_ =	shalt  }
0x3f: {  	_ =	shalt  }
0x40: {  	_ =	shalt  }
0x41: {  	_ =	shalt  }
0x42: {  	_ =	shalt  }
0x43: {  	_ =	shalt  }
0x44: {  	_ =	shalt  }
0x45: {  	_ =	shalt  }
0x46: {  	_ =	shalt  }
0x47: {  	_ =	shalt  }
0x48: {  	_ =	shalt  }
0x49: {  	_ =	shalt  }
0x4a: {  	_ =	shalt  }
0x4b: {  	_ =	shalt  }
0x4c: {  	_ =	shalt  }
0x4d: {  	_ =	shalt  }
0x4e: {  	_ =	shalt  }
0x4f: {  	_ =	shalt  }
0x50: {  	_ =	shalt  }
0x51: {  	_ =	shalt  }
0x52: {  	_ =	shalt  }
0x53: {  	_ =	shalt  }
0x54: {  	_ =	shalt  }
0x55: {  	_ =	shalt  }
0x56: {  	_ =	shalt  }
0x57: {  	_ =	shalt  }
0x58: {  	_ =	shalt  }
0x59: {  	_ =	shalt  }
0x5a: {  	_ =	shalt  }
0x5b: {  	_ =	shalt  }
0x5c: {  	_ =	shalt  }
0x5d: {  	_ =	shalt  }
0x5e: {  	_ =	shalt  }
0x5f: {  	_ =	shalt  }
0x60: {  	_ =	shalt  }
0x61: {  	_ =	shalt  }
0x62: {  	_ =	shalt  }
0x63: {  	_ =	shalt  }
0x64: {  	_ =	shalt  }
0x65: {  	_ =	shalt  }
0x66: {  	_ =	shalt  }
0x67: {  	_ =	shalt  }
0x68: {  	_ =	shalt  }
0x69: {  	_ =	shalt  }
0x6a: {  	_ =	shalt  }
0x6b: {  	_ =	shalt  }
0x6c: {  	_ =	shalt  }
0x6d: {  	_ =	shalt  }
0x6e: {  	_ =	shalt  }
0x6f: {  	_ =	shalt  }
0x70: {  	_ =	shalt  }
0x71: {  	_ =	shalt  }
0x72: {  	_ =	shalt  }
0x73: {  	_ =	shalt  }
0x74: {  	_ =	shalt  }
0x75: {  	_ =	shalt  }
0x76: {  	_ =	shalt  }
0x77: {  	_ =	shalt  }
0x78: {  	_ =	shalt  }
0x79: {  	_ =	shalt  }
0x7a: {  	_ =	shalt  }
0x7b: {  	_ =	shalt  }
0x7c: {  	_ =	shalt  }
0x7d: {  	_ =	shalt  }
0x7e: {  	_ =	shalt  }
0x7f: {  	_ =	shalt  }
0x80: {  	_ =	shalt  }
0x81: {  	_ =	shalt  }
0x82: {  	_ =	shalt  }
0x83: {  	_ =	shalt  }
0x84: {  	_ =	shalt  }
0x85: {  	_ =	shalt  }
0x86: {  	_ =	shalt  }
0x87: {  	_ =	shalt  }
.Lfunc_end0:
.L_simem_size_0:
called_computation.2_lowered:
.L_overlay_start_0:
0x88: {  	s2 =	sld [smem:$0x3FD9]  }
0x89: {  	s3 =	sld [smem:$0x3FFE];
	_ =	sdelay $0x1  }
0x8a: {  	s1 =	srdreg.scid  }
0x8b: {  	s0 =	sand.u32 $0x1, s1  }
0x8c: {  	s17 =	sshll.u32 s0, $0xA;
	s2 =	sadd.s32 s3, s2  }
0x8d: {  	s2 =	sadd.s32 s2, s17  }
0x8e: {  	[smem:$0x3FBA] =	sst s2  }
0x8f: {  	_ = 	snop  }
0x90: {  	s2 =	sld [smem:$0x3FD0];
	(tm) =	ssettm $0x1  }
0x91: {  	s18 =	sld [smem:$0x3FFB];
	_ =	sdelay $0x3  }
0x92: {  	_ =	strace s18  }
0x93: {  	s3 =	sld [smem:$0x3FFC];
	_ =	sdelay $0x3  }
0x94: {  	_ =	strace s3  }
0x95: {  	s3 =	sld [smem:$0x3FFD];
	_ =	sdelay $0x3  }
0x96: {  	_ =	strace s3  }
0x97: {  	_ =	strace $0x8FFFFFFF  }
0x98: {  	s19 =	sld [smem:$0x3FDB];
	_ =	sdelay $0x1  }
0x99: {  	s4 =	simm.s32 $_scs_section_size  }
0x9a: {  	s5 =	simm.s32 $_size__tile_overlayer_lowered;
	s6 =	simm.s32 $_tile_overlayer_lowered  }
0x9b: {  	s22 =	simm.s32 $0x1BFF;
	s21 =	sshll.u32 s6, $0x1;
	s3 =	sadd.s32 s4, s19  }
0x9c: {  	s7 =	simm.s32 $0x0;
	s20 =	sshll.u32 s5, $0x1;
	s5 =	sadd.s32 s21, s3  }
0x9d: {  	[timem:s7], [sflag:s22] =	dma.local [hbm:s5], s20  }
0x9e: {  	_ =	swait.ge [sflag:s22], s20  }
0x9f: {  	s4 =	ssub.s32 $0x0, s20;
	[sflag:s22] =	ssyncset.done $0x0  }
0xa0: {  	[sflag:s22] =	ssyncadd.s32 s4;
	_ =	sdelay $0x1  }
0xa1: {  	s23 =	simm.s32 $0x1B8B  }
0xa2: {  	_ =	swait.ge [sflag:s23], $0x1  }
0xa3: {  	[sflag:s23] =	ssyncset.done $0x0  }
0xa4: {  	s25 =	simm.s32 $0x1B8E;
	s24 =	sld [smem:$0x3FFE];
	[sflag:s23] =	ssyncadd.s32 $0xFFFFFFFF  }
0xa5: {  	s26 =	simm.s32 $execute0_lowered;
	[smem:$0x3FD2] =	sst s25  }
0xa6: {  	s5 =	sshll.u32 s26, $0x1;
	_ =	strace $0x8000004C;
	[dreg:$0x1] =	wrdreg $0xFFFFFFFF  }
0xa7: {  	s28 =	simm.s32 $_size_execute0_lowered;
	s3 =	sadd.s32 s3, s5;
	[dreg:$0x0] =	wrdreg $0x0  }
0xa8: {  	s5 =	sshll.u32 s28, $0x1;
	[dreg:$0x2] =	wrdreg s3  }
0xa9: {  	[dreg:$0x3] =	wrdreg s5  }
0xaa: {  	[dreg:$0x4] =	wrdreg $0xC0  }
0xab: {  	_ =	task [dreg:s7], $0x5FFFF  }
0xac: {  	[dreg:$0x1] =	wrdreg $0xFFFFFFFF  }
0xad: {  	[dreg:$0x0] =	wrdreg $0x60  }
0xae: {  	[dreg:$0x2] =	wrdreg s24  }
0xaf: {  	[dreg:$0x3] =	wrdreg s2  }
0xb0: {  	[dreg:$0x4] =	wrdreg $0x9  }
0xb1: {  	_ =	task.clear_ibuf [dreg:s7], $0x5FFFF;
	_ =	strace $0x9000004C  }
0xb2: {  	s29 =	simm.s32 $0x9;
	_ =	strace $0x8000004E  }
0xb3: {  	_ =	swait.ge [sflag:s29], $0x1  }
0xb4: {  	[sflag:s29] =	ssyncadd.s32 $0xFFFFFFFF  }
0xb5: {  	_ =	strace $0x9000004E  }
0xb6: {  	_ =	sfence  }
0xb7: {  	s30 =	sld [smem:$0x0];
	_ =	sdelay $0x2  }
0xb8: {  	s31 =	sshll.u32 s1, $0xD;
	s1 =	sshrl.u32 s1, $0x2  }
0xb9: {  	s3 =	sand.u32 $0x4000, s31;
	s1 =	sadd.s32 s1, s30  }
0xba: {  	s0 =	sor.u32 s3, s0;
	s1 =	sshll.u32 s1, $0x11  }
0xbb: {  	s0 =	sor.u32 s1, s0  }
0xbc: {  	s0 =	sadd.s32 $0x8F2B, s0  }
0xbd: {  	[sflag:s0] =	ssyncadd.remote.s32 $0x1  }
0xbe: {  	_ =	sfence.sel $0xFFFF  }
0xbf: {  	[dreg:$0x0] =	wrdreg $0xFFFFFFFF;
	(pc) =	sbr.abs _section_cstart, $3  }
0xc0: {  	[dreg:$0x1] =	wrdreg $0xFFFFFFFF  }
0xc1: {  	_ =	task.clear_ibuf [dreg:s7], $0x2FFFF;
	_ =	strace $0x9FFFFFFF  }
0xc2: {  	(tm) =	ssettm $0x7FFFFFFF  }
0xc3: {  	_ =	shalt  }
tec
execute0_lowered:
.L_overlay_start_1:
0x0: {  	(tag) =	ssettag $0x1  }
0x1: {  	s0 =	rddreg [dreg:$0x0]  }
0x2: {  	s1 =	simm.s32 $0x0;
	s25 =	srdreg.scid;
	s7 =	stileid.u32  }
0x3: {  	s12 =	simm.s32 $0x2;
	s18 =	simm.s32 $0x2880;
	s19 =	simm.s32 $0x3080  }
0x4: {  	s20 =	simm.s32 $0x3880;
	s21 =	simm.s32 $0x4080;
	s22 =	simm.s32 $0x4880  }
0x5: {  	s23 =	simm.s32 $0x5080;
	s24 =	simm.s32 $0x5880;
	s28 =	simm.s32 $0x7080  }
0x6: {  	s29 =	simm.s32 $0x7880;
	s30 =	simm.s32 $0x1;
	s31 =	simm.s32 $0x8080  }
0x7: {  	[smem:$0x7FF] =	sst s1;
	s4 =	sadd.s32 $0x1A4A00, s0;
	s5 =	sadd.s32 $0x3A00, s0  }
0x8: {  	s1 =	sand.u32 $0x1, s25;
	s6 =	sadd.s32 $0x44800, s0;
	s7 =	sshll.u32 s7, $0x7  }
0x9: {  	s8 =	sadd.s32 $0x1A4B00, s0;
	s9 =	sadd.s32 $0x1A4C00, s0;
	s2 =	ssub.s32 $0x2, s1  }
0xa: {  	s10 =	sadd.s32 $0x1A4D00, s0;
	s25 =	simm.s32 $0x6080;
	s3 =	sshrl.u32 s2, $0x1  }
0xb: {  	v2 =	vlaneseq.u32;
	s0 =	simm.s32 $0xC080;
	s1 =	sshll.u32 s1, $0x6;
	s2 =	ssub.s32 s2, s3  }
0xc: {  	vm0 =	vmmov $0xffff;
	v1 =	vshrl.u32 v2, $0x3;
	_ =	strace $0x8000004D;
	s7 =	sor.u32 s1, s7;
	s26 =	smax.u32 s2, $0x1  }
0xd: {  	v0 =	vand.u32 $0x7, v2;
	v2 =	vor.u32 $0x8, v2;
	v1 =	vmul.u32 $0x8, v1;
	s2 =	simm.s32 $0x0;
	[dreg:$0x3] =	wrdreg s26;
	s26 =	simm.s32 $0x6880  }
.LBB2_1:
0xe: {  	[dreg:$0x4] =	wrdreg s2;
	s11 =	simm.s32 $0x0  }
.LBB2_2:
0xf: {  	s1 =	sshll.u32 s11, $0x4  }
0x10: {  	s2 =	sadd.s32 s7, s1  }
0x11: {  	s1 =	sshrl.u32 s2, $0x2  }
0x12: {  	s3 =	sadd.s32 s6, s1;
	s1 =	simm.s32 $0x0  }
0x13: {  	[tilespmem:s1], [sflag:$0x2] =	stream.linear.gather [hbm4b:s3+s1], $0x20, $0x38;
	[tilespmem:$0x10080] =	vst v63  }
0x14: {  	_ =	swait.ge [sflag:s12], $0x20  }
0x15: {  	[sflag:s12] =	ssyncset.done $0x0  }
0x16: {  	[sflag:s12] =	ssyncadd.s32 $0xFFFFFFE0  }
0x17: {  	v3 =	vld [tilespmem:$0x0];
	_ =	sdelay $0x4  }
0x18: {  	v4 =	vshll.u32 v3, $0x3  }
0x19: {  	v3 =	vand.u32 $0x7, v3;
	v4 =	vand.u32 $0xFFFFFFC0, v4  }
0x1a: {  	v3 =	vor.u32 v3, v4  }
0x1b: {  	v4 =	vperm.xlane v3, v0;
	_ =	sdelay $0x1  }
0x1c: {  	v4 =	vadd.s32 v1, v4;
	_ =	sdelay $0x3  }
0x1d: {  	s16 =	simm.s32 $0x80  }
0x1e: {  	[tilespmem:s16], [sflag:$0x1] =	stream.indirect_vreg.gather [hbm4b:s4+s1], $0x80, v4, vm0, $0xb8;
	[tilespmem:$0x10080] =	vst v63  }
0x1f: {  	s17 =	simm.s32 $0x880;
	v3 =	vperm.xlane v3, v2  }
0x20: {  	[tilespmem:s17], [sflag:$0x1] =	stream.indirect_vreg.gather [hbm4b:s8+s1], $0x80, v4, vm0, $0xb8;
	[tilespmem:$0x10080] =	vst v63  }
0x21: {  	s13 =	simm.s32 $0x1080;
	v3 =	vadd.s32 v1, v3  }
0x22: {  	[tilespmem:s13], [sflag:$0x1] =	stream.indirect_vreg.gather [hbm4b:s9+s1], $0x80, v4, vm0, $0xb8;
	[tilespmem:$0x10080] =	vst v63  }
0x23: {  	s14 =	simm.s32 $0x1880  }
0x24: {  	[tilespmem:s14], [sflag:$0x1] =	stream.indirect_vreg.gather [hbm4b:s10+s1], $0x80, v4, vm0, $0xb8;
	[tilespmem:$0x10080] =	vst v63  }
0x25: {  	s15 =	simm.s32 $0x2080  }
0x26: {  	[tilespmem:s15], [sflag:$0x1] =	stream.indirect_vreg.gather [hbm4b:s4+s1], $0x80, v3, vm0, $0xb8;
	[tilespmem:$0x10080] =	vst v63  }
0x27: {  	_ = 	snop  }
0x28: {  	[tilespmem:s18], [sflag:$0x1] =	stream.indirect_vreg.gather [hbm4b:s8+s1], $0x80, v3, vm0, $0xb8;
	[tilespmem:$0x10080] =	vst v63  }
0x29: {  	_ = 	snop  }
0x2a: {  	[tilespmem:s19], [sflag:$0x1] =	stream.indirect_vreg.gather [hbm4b:s9+s1], $0x80, v3, vm0, $0xb8;
	[tilespmem:$0x10080] =	vst v63  }
0x2b: {  	_ = 	snop  }
0x2c: {  	[tilespmem:s20], [sflag:$0x1] =	stream.indirect_vreg.gather [hbm4b:s10+s1], $0x80, v3, vm0, $0xb8;
	[tilespmem:$0x10080] =	vst v63  }
0x2d: {  	v3 =	vld [tilespmem:$0x10];
	_ =	sdelay $0x4  }
0x2e: {  	v4 =	vshll.u32 v3, $0x3  }
0x2f: {  	v3 =	vand.u32 $0x7, v3;
	v4 =	vand.u32 $0xFFFFFFC0, v4  }
0x30: {  	v3 =	vor.u32 v3, v4  }
0x31: {  	v4 =	vperm.xlane v3, v0;
	_ =	sdelay $0x1  }
0x32: {  	v4 =	vadd.s32 v1, v4;
	_ =	sdelay $0x4  }
0x33: {  	[tilespmem:s21], [sflag:$0x1] =	stream.indirect_vreg.gather [hbm4b:s4+s1], $0x80, v4, vm0, $0xb8;
	[tilespmem:$0x10080] =	vst v63  }
0x34: {  	v3 =	vperm.xlane v3, v2  }
0x35: {  	[tilespmem:s22], [sflag:$0x1] =	stream.indirect_vreg.gather [hbm4b:s8+s1], $0x80, v4, vm0, $0xb8;
	[tilespmem:$0x10080] =	vst v63  }
0x36: {  	v3 =	vadd.s32 v1, v3  }
0x37: {  	[tilespmem:s23], [sflag:$0x1] =	stream.indirect_vreg.gather [hbm4b:s9+s1], $0x80, v4, vm0, $0xb8;
	[tilespmem:$0x10080] =	vst v63  }
0x38: {  	_ = 	snop  }
0x39: {  	[tilespmem:s24], [sflag:$0x1] =	stream.indirect_vreg.gather [hbm4b:s10+s1], $0x80, v4, vm0, $0xb8;
	[tilespmem:$0x10080] =	vst v63  }
0x3a: {  	_ = 	snop  }
0x3b: {  	[tilespmem:s25], [sflag:$0x1] =	stream.indirect_vreg.gather [hbm4b:s4+s1], $0x80, v3, vm0, $0xb8;
	[tilespmem:$0x10080] =	vst v63  }
0x3c: {  	_ = 	snop  }
0x3d: {  	[tilespmem:s26], [sflag:$0x1] =	stream.indirect_vreg.gather [hbm4b:s8+s1], $0x80, v3, vm0, $0xb8;
	[tilespmem:$0x10080] =	vst v63  }
0x3e: {  	_ = 	snop  }
0x3f: {  	[tilespmem:s28], [sflag:$0x1] =	stream.indirect_vreg.gather [hbm4b:s9+s1], $0x80, v3, vm0, $0xb8;
	[tilespmem:$0x10080] =	vst v63  }
0x40: {  	_ = 	snop  }
0x41: {  	[tilespmem:s29], [sflag:$0x1] =	stream.indirect_vreg.gather [hbm4b:s10+s1], $0x80, v3, vm0, $0xb8;
	[tilespmem:$0x10080] =	vst v63  }
0x42: {  	_ =	swait.ge [sflag:s30], $0x8000  }
0x43: {  	s3 =	sshll.u32 s2, $0x7;
	[sflag:s30] =	ssyncset.done $0x0  }
0x44: {  	s2 =	sadd.s32 s5, s3;
	[sflag:s30] =	ssyncadd.s32 $0xFFFF8000  }
0x45: {  	[tilespmem:s31], [sflag:$0x2] =	stream.linear.gather [hbm4b:s2+s1], $0x4000, $0x38;
	[tilespmem:$0x10080] =	vst v63  }
0x46: {  	_ =	swait.ge [sflag:s12], $0x4000  }
0x47: {  	s16 =	sand.u32 $0x70, s1;
	s13 =	sand.u32 $0x1C00, s1;
	[sflag:s12] =	ssyncset.done $0x0  }
0x48: {  	s2 =	sor.u32 s16, s13;
	[sflag:s12] =	ssyncadd.s32 $0xFFFFC000  }
0x49: {  	v3 =	vld [tilespmem:s2+$0x2280]  }
0x4a: {  	v4 =	vld [tilespmem:s2+$0x8080]  }
0x4b: {  	v5 =	vld [tilespmem:s2+$0x2180]  }
0x4c: {  	v6 =	vld [tilespmem:s2+$0x8300]  }
0x4d: {  	v7 =	vld [tilespmem:s2+$0x100]  }
0x4e: {  	v8 =	vld [tilespmem:s2+$0x8380]  }
0x4f: {  	v10 =	vld [tilespmem:s2+$0x180]  }
0x50: {  	v11 =	vld [tilespmem:s2+$0x280]  }
0x51: {  	v12 =	vld [tilespmem:s2+$0x80]  }
0x52: {  	v13 =	vld [tilespmem:s2+$0x8100]  }
0x53: {  	v14 =	vld [tilespmem:s2+$0x8180]  }
0x54: {  	v15 =	vld [tilespmem:s2+$0x200]  }
0x55: {  	v16 =	vld [tilespmem:s2+$0x300]  }
0x56: {  	v9 =	vld [tilespmem:s2+$0x2300];
	v4 =	vadd.f32 v12, v4  }
0x57: {  	v58 =	vld [tilespmem:s2+$0x2200];
	v10 =	vadd.f32 v10, v13  }
0x58: {  	v17 =	vld [tilespmem:s2+$0x380];
	v11 =	vadd.f32 v11, v14;
	v4 =	vadd.f32 v7, v4  }
0x59: {  	v59 =	vld [tilespmem:s2+$0x2080];
	v10 =	vadd.f32 v15, v10  }
0x5a: {  	v60 =	vld [tilespmem:s2+$0x8280];
	v11 =	vadd.f32 v16, v11;
	[tilespmem:s2+$0xC080] =	vst v4  }
0x5b: {  	s17 =	sor.u32 s1, s1;
	v4 =	vld [tilespmem:s2+$0x8200];
	[tilespmem:s2+$0xC100] =	vst v10  }
0x5c: {  	s15 =	sor.u32 $0x380, s17;
	v61 =	vld [tilespmem:s2+$0x2100];
	[tilespmem:s2+$0xC180] =	vst v11  }
0x5d: {  	v3 =	vadd.f32 v3, v8;
	v62 =	vld [tilespmem:s15+$0x80]  }
0x5e: {  	v5 =	vadd.f32 v5, v6  }
0x5f: {  	v7 =	vadd.f32 v59, v60;
	v3 =	vadd.f32 v9, v3  }
0x60: {  	v5 =	vadd.f32 v58, v5;
	v4 =	vadd.f32 v17, v4  }
0x61: {  	v63 =	vadd.f32 v61, v7;
	[tilespmem:s2+$0xC380] =	vst v3  }
0x62: {  	[tilespmem:s2+$0xC300] =	vst v5;
	v3 =	vadd.f32 v62, v4  }
0x63: {  	[tilespmem:s2+$0xC280] =	vst v63  }
0x64: {  	[tilespmem:s2+$0xC200] =	vst v3;
	v3 =	vld [tilespmem:s2+$0x2380]  }
0x65: {  	v4 =	vld [tilespmem:s15+$0x8080]  }
0x66: {  	s14 =	sor.u32 $0x2380, s17  }
0x67: {  	v5 =	vld [tilespmem:s14+$0x80];
	_ =	sdelay $0x2  }
0x68: {  	v3 =	vadd.f32 v3, v4;
	_ =	sdelay $0x1  }
0x69: {  	v3 =	vadd.f32 v5, v3;
	_ =	sdelay $0x1  }
0x6a: {  	[tilespmem:s15+$0xC080] =	vst v3  }
0x6b: {  	s13 =	simm.s32 $0x10;
	v3 =	vld [tilespmem:s2+$0xA080]  }
.LBB2_3:
0x6c: {  	p0 =	sne.s32 s13, $0x3F0  }
0x6d: {  	v4 =	vld [tilespmem:s2+$0x4080];
	s1 =	sadd.s32 $0x80, s1;
	s15 =	smov.u32 s13;
	s13 =	sadd.s32 $0x10, s13  }
0x6e: {  	v5 =	vld [tilespmem:s2+$0x6280]  }
0x6f: {  	v6 =	vld [tilespmem:s2+$0x4400]  }
0x70: {  	v7 =	vld [tilespmem:s2+$0xA180]  }
0x71: {  	v8 =	vld [tilespmem:s2+$0x6200]  }
0x72: {  	v3 =	vadd.f32 v4, v3;
	v4 =	vld [tilespmem:s2+$0xA200]  }
0x73: {  	v9 =	vld [tilespmem:s2+$0x4380]  }
0x74: {  	v10 =	vld [tilespmem:s2+$0xA280]  }
0x75: {  	v11 =	vld [tilespmem:s2+$0x6080]  }
0x76: {  	v12 =	vld [tilespmem:s2+$0x4100]  }
0x77: {  	v13 =	vld [tilespmem:s2+$0x6100]  }
0x78: {  	v4 =	vadd.f32 v9, v4;
	v9 =	vld [tilespmem:s2+$0xA300]  }
0x79: {  	v14 =	vld [tilespmem:s2+$0x4280]  }
0x7a: {  	v4 =	vadd.f32 v6, v4;
	v6 =	vadd.f32 v11, v10;
	v10 =	vld [tilespmem:s2+$0x6180]  }
0x7b: {  	v3 =	vadd.f32 v12, v3;
	v11 =	vld [tilespmem:s2+$0x4300]  }
0x7c: {  	v12 =	vld [tilespmem:s2+$0xA100];
	[tilespmem:s2+$0xE200] =	vst v4;
	v4 =	vadd.f32 v13, v6  }
0x7d: {  	[tilespmem:s2+$0xE080] =	vst v3;
	v3 =	vld [tilespmem:s2+$0xA380]  }
0x7e: {  	v6 =	vld [tilespmem:s2+$0x4180];
	v7 =	vadd.f32 v14, v7;
	[tilespmem:s2+$0xE280] =	vst v4  }
0x7f: {  	v4 =	vadd.f32 v10, v9;
	v9 =	vld [tilespmem:s2+$0x6300]  }
0x80: {  	v10 =	vld [tilespmem:s2+$0x4200];
	v7 =	vadd.f32 v11, v7  }
0x81: {  	v4 =	vadd.f32 v8, v4  }
0x82: {  	[tilespmem:s2+$0xE180] =	vst v7;
	v3 =	vadd.f32 v5, v3  }
0x83: {  	v5 =	vadd.f32 v6, v12;
	[tilespmem:s2+$0xE300] =	vst v4  }
0x84: {  	v3 =	vadd.f32 v9, v3  }
0x85: {  	v4 =	vadd.f32 v10, v5  }
0x86: {  	[tilespmem:s2+$0xE380] =	vst v3  }
0x87: {  	[tilespmem:s2+$0xE100] =	vst v4;
	v3 =	vld [tilespmem:s2+$0x6380]  }
0x88: {  	v4 =	vld [tilespmem:s14+$0x8080]  }
0x89: {  	s16 =	sand.u32 $0x70, s15;
	s17 =	sand.u32 $0x1C00, s1  }
0x8a: {  	v5 =	vld [tilespmem:s2+$0x6400];
	s2 =	sor.u32 s16, s17;
	_ =	sdelay $0x2  }
0x8b: {  	v3 =	vadd.f32 v3, v4;
	_ =	sdelay $0x1  }
0x8c: {  	v3 =	vadd.f32 v5, v3;
	_ =	sdelay $0x1  }
0x8d: {  	[tilespmem:s14+$0xC080] =	vst v3  }
0x8e: {  	v3 =	vld [tilespmem:s2+$0x2280]  }
0x8f: {  	v4 =	vld [tilespmem:s2+$0x8080]  }
0x90: {  	v5 =	vld [tilespmem:s2+$0x2180]  }
0x91: {  	v6 =	vld [tilespmem:s2+$0x8300]  }
0x92: {  	v7 =	vld [tilespmem:s2+$0x100]  }
0x93: {  	v8 =	vld [tilespmem:s2+$0x8380]  }
0x94: {  	v9 =	vld [tilespmem:s2+$0x2300]  }
0x95: {  	v10 =	vld [tilespmem:s2+$0x180]  }
0x96: {  	v11 =	vld [tilespmem:s2+$0x280]  }
0x97: {  	v12 =	vld [tilespmem:s2+$0x80]  }
0x98: {  	v13 =	vld [tilespmem:s2+$0x8100]  }
0x99: {  	v5 =	vadd.f32 v5, v6;
	v3 =	vadd.f32 v3, v8;
	v14 =	vld [tilespmem:s2+$0x8180]  }
0x9a: {  	v6 =	vld [tilespmem:s2+$0x200]  }
0x9b: {  	v8 =	vld [tilespmem:s2+$0x300]  }
0x9c: {  	v4 =	vadd.f32 v12, v4;
	v12 =	vld [tilespmem:s2+$0x2200]  }
0x9d: {  	v10 =	vadd.f32 v10, v13;
	v13 =	vld [tilespmem:s2+$0x380]  }
0x9e: {  	v4 =	vadd.f32 v7, v4;
	v7 =	vadd.f32 v11, v14;
	v11 =	vld [tilespmem:s2+$0x2080]  }
0x9f: {  	v6 =	vadd.f32 v6, v10;
	v10 =	vld [tilespmem:s2+$0x8280]  }
0xa0: {  	[tilespmem:s2+$0xC080] =	vst v4;
	v4 =	vadd.f32 v8, v7;
	v7 =	vld [tilespmem:s2+$0x8200]  }
0xa1: {  	s14 =	sor.u32 s15, s1;
	[tilespmem:s2+$0xC100] =	vst v6;
	v6 =	vld [tilespmem:s2+$0x2100]  }
0xa2: {  	s15 =	sor.u32 $0x380, s14;
	[tilespmem:s2+$0xC180] =	vst v4  }
0xa3: {  	v4 =	vld [tilespmem:s15+$0x80]  }
0xa4: {  	v3 =	vadd.f32 v9, v3;
	v8 =	vadd.f32 v11, v10  }
0xa5: {  	v5 =	vadd.f32 v12, v5;
	v7 =	vadd.f32 v13, v7  }
0xa6: {  	v6 =	vadd.f32 v6, v8  }
0xa7: {  	[tilespmem:s2+$0xC380] =	vst v3  }
0xa8: {  	v3 =	vadd.f32 v4, v7;
	[tilespmem:s2+$0xC280] =	vst v6  }
0xa9: {  	[tilespmem:s2+$0xC300] =	vst v5  }
0xaa: {  	[tilespmem:s2+$0xC200] =	vst v3;
	v3 =	vld [tilespmem:s2+$0x2380]  }
0xab: {  	s14 =	sor.u32 $0x2380, s14;
	v4 =	vld [tilespmem:s15+$0x8080]  }
0xac: {  	v5 =	vld [tilespmem:s14+$0x80];
	_ =	sdelay $0x3  }
0xad: {  	v3 =	vadd.f32 v3, v4  }
.Ltmp0:
0xae: {  	(pc) =	sbr.rel @p0 .LBB2_3-.Ltmp0, $3  }
0xaf: {  	v3 =	vadd.f32 v5, v3;
	_ =	sdelay $0x1  }
0xb0: {  	[tilespmem:s15+$0xC080] =	vst v3  }
0xb1: {  	v3 =	vld [tilespmem:s2+$0xA080]  }
0xb2: {  	v4 =	vld [tilespmem:s2+$0x4080]  }
0xb3: {  	v5 =	vld [tilespmem:s2+$0x6280]  }
0xb4: {  	v6 =	vld [tilespmem:s2+$0x4400]  }
0xb5: {  	v7 =	vld [tilespmem:s2+$0xA180]  }
0xb6: {  	v8 =	vld [tilespmem:s2+$0x6200]  }
0xb7: {  	v9 =	vld [tilespmem:s2+$0xA200]  }
0xb8: {  	v10 =	vld [tilespmem:s2+$0x4380]  }
0xb9: {  	v11 =	vld [tilespmem:s2+$0xA280]  }
0xba: {  	v12 =	vld [tilespmem:s2+$0x6080]  }
0xbb: {  	v13 =	vld [tilespmem:s2+$0x4100]  }
0xbc: {  	v14 =	vld [tilespmem:s2+$0x6100]  }
0xbd: {  	v15 =	vld [tilespmem:s2+$0xA300]  }
0xbe: {  	v54 =	vld [tilespmem:s2+$0x4280]  }
0xbf: {  	v55 =	vld [tilespmem:s2+$0x6180];
	v3 =	vadd.f32 v4, v3  }
0xc0: {  	v56 =	vld [tilespmem:s2+$0x4300]  }
0xc1: {  	v57 =	vld [tilespmem:s2+$0xA100];
	v11 =	vadd.f32 v12, v11;
	v3 =	vadd.f32 v13, v3  }
0xc2: {  	v59 =	vld [tilespmem:s2+$0x4180]  }
0xc3: {  	v58 =	vld [tilespmem:s2+$0xA380];
	[tilespmem:s2+$0xE080] =	vst v3;
	v3 =	vadd.f32 v14, v11  }
0xc4: {  	v60 =	vld [tilespmem:s2+$0x4200];
	v9 =	vadd.f32 v10, v9  }
0xc5: {  	v7 =	vadd.f32 v54, v7;
	[tilespmem:s2+$0xE280] =	vst v3;
	v3 =	vld [tilespmem:s2+$0x6300]  }
0xc6: {  	v4 =	vadd.f32 v55, v15;
	v6 =	vadd.f32 v6, v9  }
0xc7: {  	v61 =	vadd.f32 v59, v57;
	v7 =	vadd.f32 v56, v7  }
0xc8: {  	v5 =	vadd.f32 v5, v58;
	v4 =	vadd.f32 v8, v4;
	[tilespmem:s2+$0xE200] =	vst v6  }
0xc9: {  	v62 =	vadd.f32 v60, v61;
	[tilespmem:s2+$0xE180] =	vst v7  }
0xca: {  	[tilespmem:s2+$0xE300] =	vst v4;
	v3 =	vadd.f32 v3, v5  }
0xcb: {  	[tilespmem:s2+$0xE100] =	vst v62  }
0xcc: {  	[tilespmem:s2+$0xE380] =	vst v3;
	v3 =	vld [tilespmem:s2+$0x6380]  }
0xcd: {  	v4 =	vld [tilespmem:s14+$0x8080];
	_ =	sdelay $0x1  }
0xce: {  	v63 =	vld [tilespmem:s2+$0x6400];
	_ =	sdelay $0x2  }
0xcf: {  	v3 =	vadd.f32 v3, v4;
	_ =	sdelay $0x1  }
0xd0: {  	s11 =	sadd.s32 $0x1, s11;
	v3 =	vadd.f32 v63, v3  }
0xd1: {  	s1 =	rddreg [dreg:$0x1];
	p0 =	sne.s32 s11, $0x4  }
.Ltmp1:
0xd2: {  	s17 =	simm.s32 $0x0;
	s1 =	sadd.s32 s1, s3;
	[tilespmem:s14+$0xC080] =	vst v3;
	(pc) =	sbr.rel @p0 .LBB2_2-.Ltmp1, $4  }
0xd3: {  	[hbm4b:s1+s17] =	stream.linear.scatter [tilespmem:s0], [sflag:$0x2], $0x4000, $0x38;
	[tilespmem:$0x10080] =	vst v63  }
0xd4: {  	_ =	swait.ge [sflag:s12], $0x4000  }
0xd5: {  	[sflag:s12] =	ssyncset.done $0x0  }
0xd6: {  	[sflag:s12] =	ssyncadd.s32 $0xFFFFC000  }
0xd7: {  	s2 =	rddreg [dreg:$0x4]  }
0xd8: {  	s1 =	rddreg [dreg:$0x3];
	s2 =	sadd.s32 $0x1, s2  }
0xd9: {  	p0 =	sne.s32 s2, s1  }
.Ltmp2:
0xda: {  	_ = 	snop;
	(pc) =	sbr.rel @p0 .LBB2_1-.Ltmp2, $1  }
0xdb: {  	_ =	sdelay $0x3  }
0xdc: {  	_ =	sfence.sel $0x180000  }
0xdd: {  	[bflag:$0x0] =	sbarrier.arrive $0xFFFF  }
0xde: {  	_ =	strace $0x9000004D  }
0xdf: {  	s0 =	stileid.u32;
	[bflag:$0x2] =	sbarrier.arrive $0xFFFF  }
0xe0: {  	p0 =	sne.s32 s0, $0x0;
	s0 =	rddreg [dreg:$0x2]  }
0xe1: {  	s0 =	sadd.s32 @!p0 $0x100000, s0  }
0xe2: {  	[sflag:s0] =	ssyncadd.tile.s32 @!p0 $0x1;
	_ =	shalt  }
.Lfunc_end2:
_tile_overlayer_lowered:
.L_overlay_start_2:
0xe3: {  	(tag) =	ssettag $0x2  }
0xe4: {  	s0 =	rddreg [dreg:$0x0];
	s2 =	stileid.u32  }
0xe5: {  	s1 =	rddreg [dreg:$0x1];
	p0 =	sne.s32 s2, $0x0  }
0xe6: {  	s3 =	rddreg [dreg:$0x2];
	[bflag:$0x3] =	sbarrier.arrive $0xFFFF;
	s2 =	simm.s32 @!p0 $0x1C02  }
0xe7: {  	[timem:s3], [sflag:s2] =	dma.local @!p0 [hbm:s0], s1  }
0xe8: {  	s0 =	simm.s32 @!p0 $0x2  }
0xe9: {  	_ =	swait.ge @!p0 [sflag:s0], s1  }
0xea: {  	s1 =	ssub.s32 @!p0 $0x0, s1;
	[sflag:s0] =	ssyncset.done @!p0 $0x0  }
0xeb: {  	[sflag:s0] =	ssyncadd.s32 @!p0 s1  }
0xec: {  	[bflag:$0x3] =	sbarrier.arrive $0xFFFF  }
0xed: {  	_ =	shalt  }

</sc_bundles>
